<compile_context>
chip_gen: v7x
topology: tpu7x:2x2x1
jax: 0.10.2.dev20260603
libtpu: 0.0.44.dev20260713+nightly
codegen_flags: <defaults>
</compile_context>

<pallas_src>
import functools

import jax
import jax.numpy as jnp
from jax import lax
from jax.experimental import pallas as pl
from jax.experimental.pallas import tpu as pltpu
from jax.experimental.pallas import tpu_sc as plsc


def _floor_frac(v):
    t = v.astype(jnp.int32)
    f0 = jnp.where(v < t.astype(jnp.float32), t - 1, t)
    fr = v - f0.astype(jnp.float32)
    return f0, fr


def _z_kernel(f_ref, w_ref, z_ref):
    rb = f_ref.shape[2]
    wfp = f_ref.shape[3]
    for r in range(rb):
        z_ref[pl.ds(r * wfp, wfp), :] = lax.dot_general(
            f_ref[0, :, r, :], w_ref[...], (((0,), (1,)), ((), ())),
            preferred_element_type=jnp.float32)


def _mlp_kernel(h_ref, w2_ref, b2_ref, w3_ref, b3_ref, wf_ref, bf_ref, o_ref):
    h = h_ref[...]
    h = jnp.maximum(
        lax.dot_general(h, w2_ref[...], (((1,), (1,)), ((), ())),
                        preferred_element_type=jnp.float32) + b2_ref[...], 0.0)
    h = jnp.maximum(
        lax.dot_general(h, w3_ref[...], (((1,), (1,)), ((), ())),
                        preferred_element_type=jnp.float32) + b3_ref[...], 0.0)
    o_ref[...] = (jnp.sum(h * wf_ref[...], axis=1, keepdims=True)
                  + bf_ref[0, 0])


def kernel(coarse_logits, fine_features, point_coords, W1, b1, W2, b2, W3, b3, Wf, bf):
    B, Cout, Hc, Wc = coarse_logits.shape
    _, Cin, Hf, Wfp = fine_features.shape
    P = point_coords.shape[1]
    FC = W2.shape[0]
    NPIX = Hf * Wfp
    NCPIX = Hc * Wc
    NPTS = B * P

    W1f = W1[:, :Cin]
    w1c = W1[:, Cin]
    xs = point_coords[..., 0].reshape(NPTS)
    ys = point_coords[..., 1].reshape(NPTS)
    coarse = coarse_logits.reshape(B, NCPIX)

    RB = 16
    z2d = pl.pallas_call(
        _z_kernel,
        grid=(B, Hf // RB),
        in_specs=[
            pl.BlockSpec((1, Cin, RB, Wfp), lambda b, r: (b, 0, r, 0)),
            pl.BlockSpec((FC, Cin), lambda b, r: (0, 0)),
        ],
        out_specs=pl.BlockSpec((RB * Wfp, FC),
                               lambda b, r: (b * (Hf // RB) + r, 0)),
        out_shape=jax.ShapeDtypeStruct((B * NPIX, FC), jnp.float32),
    )(fine_features, W1f)

    info = plsc.get_sparse_core_info()
    NC, NS = info.num_cores, info.num_subcores
    NW = NC * NS
    PT = NPTS // NW
    CHUNK = 32
    NCHUNK = PT // CHUNK
    mesh = plsc.VectorSubcoreMesh(core_axis_name="c", subcore_axis_name="s")

    @functools.partial(
        pl.kernel,
        out_type=jax.ShapeDtypeStruct((NPTS, FC), jnp.float32),
        mesh=mesh,
        compiler_params=pltpu.CompilerParams(needs_layout_passes=False),
        scratch_types=[
            pltpu.VMEM((PT,), jnp.float32),
            pltpu.VMEM((PT,), jnp.float32),
            pltpu.VMEM((4, PT), jnp.int32),
            pltpu.VMEM((5, PT), jnp.float32),
            pltpu.VMEM((4 * CHUNK, FC), jnp.float32),
            pltpu.VMEM((4 * CHUNK, FC), jnp.float32),
            pltpu.VMEM((CHUNK, FC), jnp.float32),
            pltpu.VMEM((CHUNK, FC), jnp.float32),
            pltpu.VMEM((NCPIX,), jnp.float32),
            pltpu.VMEM((FC,), jnp.float32),
            pltpu.VMEM((FC,), jnp.float32),
            pltpu.SemaphoreType.DMA,
            pltpu.SemaphoreType.DMA,
            pltpu.SemaphoreType.DMA,
            pltpu.SemaphoreType.DMA,
        ],
    )
    def _sc_stage(z_hbm, xs_hbm, ys_hbm, coarse_hbm, w1c_hbm, b1_hbm, h1_hbm,
                  xs_v, ys_v, idx_a, wgt_a, rows0, rows1, h1a, h1b,
                  coarse_v, w1c_v, b1_v, gsem0, gsem1, wsem0, wsem1):
        cid = lax.axis_index("c")
        sid = lax.axis_index("s")
        wid = sid * NC + cid
        bidx = wid // (NW // B)
        base = wid * PT
        zbase = bidx * NPIX

        pltpu.sync_copy(coarse_hbm.at[bidx], coarse_v)
        pltpu.sync_copy(w1c_hbm, w1c_v)
        pltpu.sync_copy(b1_hbm, b1_v)
        pltpu.sync_copy(xs_hbm.at[pl.ds(base, PT)], xs_v)
        pltpu.sync_copy(ys_hbm.at[pl.ds(base, PT)], ys_v)

        def wgt_body(gi, carry):
            s = pl.ds(gi * 16, 16)
            x = xs_v[s]
            y = ys_v[s]
            ix = x * Wfp - 0.5
            iy = y * Hf - 0.5
            ix0, fx = _floor_frac(ix)
            iy0, fy = _floor_frac(iy)
            zx0 = jnp.where(ix0 >= 0, 1.0 - fx, 0.0)
            zx1 = jnp.where(ix0 <= Wfp - 2, fx, 0.0)
            zy0 = jnp.where(iy0 >= 0, 1.0 - fy, 0.0)
            zy1 = jnp.where(iy0 <= Hf - 2, fy, 0.0)
            cx0 = jnp.maximum(ix0, 0)
            cx1 = jnp.minimum(ix0 + 1, Wfp - 1)
            cy0 = jnp.maximum(iy0, 0)
            cy1 = jnp.minimum(iy0 + 1, Hf - 1)
            idx_a[0, s] = zbase + cy0 * Wfp + cx0
            idx_a[1, s] = zbase + cy0 * Wfp + cx1
            idx_a[2, s] = zbase + cy1 * Wfp + cx0
            idx_a[3, s] = zbase + cy1 * Wfp + cx1
            wgt_a[0, s] = zx0 * zy0
            wgt_a[1, s] = zx1 * zy0
            wgt_a[2, s] = zx0 * zy1
            wgt_a[3, s] = zx1 * zy1
            jx = x * Wc - 0.5
            jy = y * Hc - 0.5
            jx0, gx = _floor_frac(jx)
            jy0, gy = _floor_frac(jy)
            ax0 = jnp.where(jx0 >= 0, 1.0 - gx, 0.0)
            ax1 = jnp.where(jx0 <= Wc - 2, gx, 0.0)
            ay0 = jnp.where(jy0 >= 0, 1.0 - gy, 0.0)
            ay1 = jnp.where(jy0 <= Hc - 2, gy, 0.0)
            px0 = jnp.maximum(jx0, 0)
            px1 = jnp.minimum(jx0 + 1, Wc - 1)
            py0 = jnp.maximum(jy0, 0)
            py1 = jnp.minimum(jy0 + 1, Hc - 1)
            c00 = plsc.load_gather(coarse_v, [py0 * Wc + px0])
            c01 = plsc.load_gather(coarse_v, [py0 * Wc + px1])
            c10 = plsc.load_gather(coarse_v, [py1 * Wc + px0])
            c11 = plsc.load_gather(coarse_v, [py1 * Wc + px1])
            wgt_a[4, s] = (c00 * (ax0 * ay0) + c01 * (ax1 * ay0)
                           + c10 * (ax0 * ay1) + c11 * (ax1 * ay1))
            return carry

        lax.fori_loop(0, PT // 16, wgt_body, 0)

        def gather_descs(ci, rows_v, sem):
            cb = ci * CHUNK
            return [pltpu.make_async_copy(
                z_hbm.at[idx_a.at[k, pl.ds(cb, CHUNK)]],
                rows_v.at[pl.ds(k * CHUNK, CHUNK)], sem)
                for k in range(4)]

        def start_gathers(ci, rows_v, sem):
            for cp in gather_descs(ci, rows_v, sem):
                cp.start()

        def wait_gathers(ci, rows_v, sem):
            for cp in gather_descs(ci, rows_v, sem):
                cp.wait()

        def write_desc(ci, h1_v, sem):
            return pltpu.make_async_copy(
                h1_v, h1_hbm.at[pl.ds(base + ci * CHUNK, CHUNK)], sem)

        def combine(ci, rows_v, h1_v):
            pbase = ci * CHUNK

            def pt_body(p, c2):
                pv = jnp.full((16,), 0, jnp.int32) + (pbase + p)
                w00 = plsc.load_gather(wgt_a, [jnp.full((16,), 0, jnp.int32), pv])
                w01 = plsc.load_gather(wgt_a, [jnp.full((16,), 1, jnp.int32), pv])
                w10 = plsc.load_gather(wgt_a, [jnp.full((16,), 2, jnp.int32), pv])
                w11 = plsc.load_gather(wgt_a, [jnp.full((16,), 3, jnp.int32), pv])
                csv = plsc.load_gather(wgt_a, [jnp.full((16,), 4, jnp.int32), pv])
                for c in range(FC // 16):
                    cslice = pl.ds(c * 16, 16)
                    acc = rows_v[p, cslice] * w00
                    acc = acc + rows_v[CHUNK + p, cslice] * w01
                    acc = acc + rows_v[2 * CHUNK + p, cslice] * w10
                    acc = acc + rows_v[3 * CHUNK + p, cslice] * w11
                    acc = acc + csv * w1c_v[cslice]
                    acc = acc + b1_v[cslice]
                    h1_v[p, cslice] = jnp.maximum(acc, 0.0)
                return c2

            lax.fori_loop(0, CHUNK, pt_body, 0)

        start_gathers(0, rows0, gsem0)

        def loop_body(i, carry):
            ci0 = 2 * i
            start_gathers(ci0 + 1, rows1, gsem1)
            wait_gathers(ci0, rows0, gsem0)

            @pl.when(i > 0)
            def _():
                write_desc(ci0 - 2, h1a, wsem0).wait()

            combine(ci0, rows0, h1a)
            write_desc(ci0, h1a, wsem0).start()

            @pl.when(i < NCHUNK // 2 - 1)
            def _():
                start_gathers(ci0 + 2, rows0, gsem0)

            wait_gathers(ci0 + 1, rows1, gsem1)

            @pl.when(i > 0)
            def _():
                write_desc(ci0 - 1, h1b, wsem1).wait()

            combine(ci0 + 1, rows1, h1b)
            write_desc(ci0 + 1, h1b, wsem1).start()
            return carry

        lax.fori_loop(0, NCHUNK // 2, loop_body, 0)
        write_desc(NCHUNK - 2, h1a, wsem0).wait()
        write_desc(NCHUNK - 1, h1b, wsem1).wait()

    h1 = _sc_stage(z2d, xs, ys, coarse, w1c, b1)

    PB = 2048
    out = pl.pallas_call(
        _mlp_kernel,
        grid=(NPTS // PB,),
        in_specs=[
            pl.BlockSpec((PB, FC), lambda i: (i, 0)),
            pl.BlockSpec((FC, FC), lambda i: (0, 0)),
            pl.BlockSpec((1, FC), lambda i: (0, 0)),
            pl.BlockSpec((FC, FC), lambda i: (0, 0)),
            pl.BlockSpec((1, FC), lambda i: (0, 0)),
            pl.BlockSpec((Cout, FC), lambda i: (0, 0)),
            pl.BlockSpec((1, Cout), lambda i: (0, 0)),
        ],
        out_specs=pl.BlockSpec((PB, Cout), lambda i: (i, 0)),
        out_shape=jax.ShapeDtypeStruct((NPTS, Cout), jnp.float32),
    )(h1, W2, b2.reshape(1, FC), W3, b3.reshape(1, FC),
      Wf, bf.reshape(1, Cout))

    return out.reshape(B, Cout, P)

# --- scband reference (transcript-rebuilt; emitter-appended) ---
"""Pipeline reference for scband-point-rend-module-30983894073417 (READ-ONLY COPY).

The authoritative reference and input builder live on the scoring server;
editing this copy changes nothing except your own understanding.
"""

import jax, jax.numpy as jnp
import numpy as np


def grid_sample_bilinear(inp, grid):
    # inp: [B, C, H, W]; grid: [B, Hg, Wg, 2] with (x, y) in [-1, 1]; align_corners=False, zero padding
    B, C, H, W = inp.shape
    gx = grid[..., 0]
    gy = grid[..., 1]
    ix = ((gx + 1.0) * W - 1.0) / 2.0
    iy = ((gy + 1.0) * H - 1.0) / 2.0
    ix0 = jnp.floor(ix)
    iy0 = jnp.floor(iy)
    ix1 = ix0 + 1.0
    iy1 = iy0 + 1.0
    wx1 = ix - ix0
    wx0 = 1.0 - wx1
    wy1 = iy - iy0
    wy0 = 1.0 - wy1
    flat = inp.reshape(B, C, H * W)

    def gather(ixc, iyc):
        valid = (ixc >= 0) & (ixc <= W - 1) & (iyc >= 0) & (iyc <= H - 1)
        ii = jnp.clip(ixc, 0, W - 1).astype(jnp.int32)
        jj = jnp.clip(iyc, 0, H - 1).astype(jnp.int32)
        idx = (jj * W + ii).reshape(B, 1, -1)
        vals = jnp.take_along_axis(flat, idx, axis=2)
        vals = vals.reshape(B, C, ixc.shape[1], ixc.shape[2])
        return vals * valid.astype(inp.dtype)[:, None, :, :]

    v00 = gather(ix0, iy0)
    v01 = gather(ix1, iy0)
    v10 = gather(ix0, iy1)
    v11 = gather(ix1, iy1)
    w00 = (wx0 * wy0)[:, None, :, :]
    w01 = (wx1 * wy0)[:, None, :, :]
    w10 = (wx0 * wy1)[:, None, :, :]
    w11 = (wx1 * wy1)[:, None, :, :]
    return v00 * w00 + v01 * w01 + v10 * w10 + v11 * w11


def point_sample(inp, coords):
    # coords: [B, P, 2] in [0, 1] -> sampled [B, C, P]
    grid = 2.0 * coords - 1.0
    grid = grid[:, None, :, :]  # [B, 1, P, 2]
    out = grid_sample_bilinear(inp, grid)  # [B, C, 1, P]
    return out[:, :, 0, :]


def mlp(x, W1, b1, W2, b2, W3, b3, Wf, bf):
    h = jax.nn.relu(jnp.einsum('oi,bip->bop', W1, x) + b1[None, :, None])
    h = jax.nn.relu(jnp.einsum('oi,bip->bop', W2, h) + b2[None, :, None])
    h = jax.nn.relu(jnp.einsum('oi,bip->bop', W3, h) + b3[None, :, None])
    return jnp.einsum('oi,bip->bop', Wf, h) + bf[None, :, None]


def setup_inputs(seed: int = 0) -> dict:
    key = jax.random.key(seed)
    ks = jax.random.split(key, 12)
    B, Cout, Hc, Wc = 8, 1, 64, 64
    Cin, Hf, Wf_ = 384, 128, 128
    P = 8192
    fc = 256
    in0 = Cin + Cout
    return {
        'coarse_logits': jax.random.normal(ks[0], (B, Cout, Hc, Wc), dtype=jnp.float32),
        'fine_features': jax.random.normal(ks[1], (B, Cin, Hf, Wf_), dtype=jnp.float32),
        'point_coords': jax.random.uniform(ks[2], (B, P, 2), dtype=jnp.float32),
        'W1': jax.random.normal(ks[3], (fc, in0), dtype=jnp.float32) * 0.02,
        'b1': jnp.zeros((fc,), dtype=jnp.float32),
        'W2': jax.random.normal(ks[4], (fc, fc), dtype=jnp.float32) * 0.02,
        'b2': jnp.zeros((fc,), dtype=jnp.float32),
        'W3': jax.random.normal(ks[5], (fc, fc), dtype=jnp.float32) * 0.02,
        'b3': jnp.zeros((fc,), dtype=jnp.float32),
        'Wf': jax.random.normal(ks[6], (1, fc), dtype=jnp.float32) * 0.02,
        'bf': jnp.zeros((1,), dtype=jnp.float32),
    }


def reference(coarse_logits, fine_features, point_coords, W1, b1, W2, b2, W3, b3, Wf, bf):
    coarse_sampled = point_sample(coarse_logits, point_coords)  # [B, Cout, P]
    fine_sampled = point_sample(fine_features, point_coords)    # [B, Cin, P]
    features = jnp.concatenate([fine_sampled, coarse_sampled], axis=1)
    return mlp(features, W1, b1, W2, b2, W3, b3, Wf, bf)

if __name__ == "__main__":
    import jax
    _d = setup_inputs()
    print(jax.jit(kernel)(*tuple(_d.values())))

</pallas_src>

<mosaic_0001>
#map = affine_map<(d0, d1) -> (0, 0)>
#map1 = affine_map<(d0, d1) -> (0)>
module attributes {stable_mosaic.version = 14 : i64} {
  func.func @_sc_stage(%arg0: i32, %arg1: i32, %arg2: memref<131072x256xf32, #tpu.memory_space<hbm>>, %arg3: memref<65536xf32, #tpu.memory_space<hbm>>, %arg4: memref<65536xf32, #tpu.memory_space<hbm>>, %arg5: memref<8x4096xf32, #tpu.memory_space<hbm>>, %arg6: memref<256xf32, #tpu.memory_space<hbm>>, %arg7: memref<256xf32, #tpu.memory_space<hbm>>, %arg8: memref<65536x256xf32, #tpu.memory_space<hbm>>, %arg9: memref<2048xf32, #tpu.memory_space<vmem>>, %arg10: memref<2048xf32, #tpu.memory_space<vmem>>, %arg11: memref<4x2048xi32, #tpu.memory_space<vmem>>, %arg12: memref<5x2048xf32, #tpu.memory_space<vmem>>, %arg13: memref<128x256xf32, #tpu.memory_space<vmem>>, %arg14: memref<128x256xf32, #tpu.memory_space<vmem>>, %arg15: memref<32x256xf32, #tpu.memory_space<vmem>>, %arg16: memref<32x256xf32, #tpu.memory_space<vmem>>, %arg17: memref<4096xf32, #tpu.memory_space<vmem>>, %arg18: memref<256xf32, #tpu.memory_space<vmem>>, %arg19: memref<256xf32, #tpu.memory_space<vmem>>, %arg20: memref<!tpu.dma_semaphore, #tpu.memory_space<semaphore_mem>>, %arg21: memref<!tpu.dma_semaphore, #tpu.memory_space<semaphore_mem>>, %arg22: memref<!tpu.dma_semaphore, #tpu.memory_space<semaphore_mem>>, %arg23: memref<!tpu.dma_semaphore, #tpu.memory_space<semaphore_mem>>) attributes {dimension_semantics = [#tpu.dimension_semantics<core_parallel>, #tpu.dimension_semantics<subcore_parallel>], iteration_bounds = array<i64: 2, 16>, scalar_prefetch = 0 : i64, scratch_operands = 15 : i64, tpu.core_type = #tpu.core_type<sc_vector_subcore>, window_params = [{transform_indices = #map}, {transform_indices = #map1}, {transform_indices = #map1}, {transform_indices = #map}, {transform_indices = #map1}, {transform_indices = #map1}, {transform_indices = #map}]} {
    %mul3A = arith.constant 2 : i32
    %mul3A_0 = arith.muli %arg1, %mul3A : i32
    %add3A = arith.addi %mul3A_0, %arg0 : i32
    %jit3A = arith.constant 4 : i32
    %div3A = arith.divsi %add3A, %jit3A : i32
    %sign3A = arith.constant 0 : i32
    %sign3A_1 = arith.cmpi sgt, %add3A, %sign3A : i32
    %sign3A_2 = arith.extui %sign3A_1 : i1 to i32
    %sign3A_3 = arith.constant 0 : i32
    %sign3A_4 = arith.cmpi slt, %add3A, %sign3A_3 : i32
    %sign3A_5 = arith.extui %sign3A_4 : i1 to i32
    %sign3A_6 = arith.subi %sign3A_2, %sign3A_5 : i32
    %sign3A_7 = arith.constant 0 : i32
    %sign3A_8 = arith.cmpi sgt, %jit3A, %sign3A_7 : i32
    %sign3A_9 = arith.extui %sign3A_8 : i1 to i32
    %sign3A_10 = arith.constant 0 : i32
    %sign3A_11 = arith.cmpi slt, %jit3A, %sign3A_10 : i32
    %sign3A_12 = arith.extui %sign3A_11 : i1 to i32
    %sign3A_13 = arith.subi %sign3A_9, %sign3A_12 : i32
    %ne3A = arith.cmpi ne, %sign3A_6, %sign3A_13 : i32
    %rem3A = arith.remsi %add3A, %jit3A : i32
    %ne3A_14 = arith.constant 0 : i32
    %ne3A_15 = arith.cmpi ne, %rem3A, %ne3A_14 : i32
    %and3A = arith.andi %ne3A, %ne3A_15 : i1
    %sub3A = arith.constant 1 : i32
    %sub3A_16 = arith.subi %div3A, %sub3A : i32
    %select_n3A = arith.select %and3A, %sub3A_16, %div3A : i32
    %mul3A_17 = arith.constant 2048 : i32
    %mul3A_18 = arith.muli %add3A, %mul3A_17 : i32
    %mul3A_19 = arith.constant 16384 : i32
    %mul3A_20 = arith.muli %select_n3A, %mul3A_19 : i32
    "tpu.region"() ({
      %run_scoped3A = tpu.sem_alloc : memref<!tpu.dma_semaphore, #tpu.memory_space<semaphore_mem>>
      %dma_start3A_82 = arith.constant 0 : i32
      %dma_start3A_83 = tpu.memref_slice %arg5[%select_n3A, %dma_start3A_82] : memref<8x4096xf32, #tpu.memory_space<hbm>> -> memref<1x4096xf32, #tpu.memory_space<hbm>>
      %dma_start3A_84 = tpu.memref_squeeze %dma_start3A_83 : memref<1x4096xf32, #tpu.memory_space<hbm>> -> memref<4096xf32, #tpu.memory_space<hbm>>
      %dma_start3A_85 = arith.constant 0 : i32
      %dma_start3A_86 = tpu.memref_slice %arg5[%select_n3A, %dma_start3A_85] : memref<8x4096xf32, #tpu.memory_space<hbm>> -> memref<1x4096xf32, #tpu.memory_space<hbm>>
      %dma_start3A_87 = tpu.memref_squeeze %dma_start3A_86 : memref<1x4096xf32, #tpu.memory_space<hbm>> -> memref<4096xf32, #tpu.memory_space<hbm>>
      tpu.enqueue_dma source(%dma_start3A_87 : memref<4096xf32, #tpu.memory_space<hbm>>) target(%arg17 : memref<4096xf32, #tpu.memory_space<vmem>>) target_semaphore(%run_scoped3A : memref<!tpu.dma_semaphore, #tpu.memory_space<semaphore_mem>>)
      %dma_wait3A_88 = arith.constant 0 : i32
      %dma_wait3A_89 = tpu.memref_slice %arg5[%select_n3A, %dma_wait3A_88] : memref<8x4096xf32, #tpu.memory_space<hbm>> -> memref<1x4096xf32, #tpu.memory_space<hbm>>
      %dma_wait3A_90 = tpu.memref_squeeze %dma_wait3A_89 : memref<1x4096xf32, #tpu.memory_space<hbm>> -> memref<4096xf32, #tpu.memory_space<hbm>>
      %dma_wait3A_91 = arith.constant 0 : i32
      %dma_wait3A_92 = tpu.memref_slice %arg5[%select_n3A, %dma_wait3A_91] : memref<8x4096xf32, #tpu.memory_space<hbm>> -> memref<1x4096xf32, #tpu.memory_space<hbm>>
      %dma_wait3A_93 = tpu.memref_squeeze %dma_wait3A_92 : memref<1x4096xf32, #tpu.memory_space<hbm>> -> memref<4096xf32, #tpu.memory_space<hbm>>
      tpu.wait_dma2 semaphore(%run_scoped3A : memref<!tpu.dma_semaphore, #tpu.memory_space<semaphore_mem>>) src(%dma_wait3A_93 : memref<4096xf32, #tpu.memory_space<hbm>>) dst(%arg17 : memref<4096xf32, #tpu.memory_space<vmem>>)
      tpu.yield
    }) : () -> ()
    "tpu.region"() ({
      %run_scoped3A = tpu.sem_alloc : memref<!tpu.dma_semaphore, #tpu.memory_space<semaphore_mem>>
      tpu.enqueue_dma source(%arg6 : memref<256xf32, #tpu.memory_space<hbm>>) target(%arg18 : memref<256xf32, #tpu.memory_space<vmem>>) target_semaphore(%run_scoped3A : memref<!tpu.dma_semaphore, #tpu.memory_space<semaphore_mem>>)
      tpu.wait_dma2 semaphore(%run_scoped3A : memref<!tpu.dma_semaphore, #tpu.memory_space<semaphore_mem>>) src(%arg6 : memref<256xf32, #tpu.memory_space<hbm>>) dst(%arg18 : memref<256xf32, #tpu.memory_space<vmem>>)
      tpu.yield
    }) : () -> ()
    "tpu.region"() ({
      %run_scoped3A = tpu.sem_alloc : memref<!tpu.dma_semaphore, #tpu.memory_space<semaphore_mem>>
      tpu.enqueue_dma source(%arg7 : memref<256xf32, #tpu.memory_space<hbm>>) target(%arg19 : memref<256xf32, #tpu.memory_space<vmem>>) target_semaphore(%run_scoped3A : memref<!tpu.dma_semaphore, #tpu.memory_space<semaphore_mem>>)
      tpu.wait_dma2 semaphore(%run_scoped3A : memref<!tpu.dma_semaphore, #tpu.memory_space<semaphore_mem>>) src(%arg7 : memref<256xf32, #tpu.memory_space<hbm>>) dst(%arg19 : memref<256xf32, #tpu.memory_space<vmem>>)
      tpu.yield
    }) : () -> ()
    "tpu.region"() ({
      %run_scoped3A = tpu.sem_alloc : memref<!tpu.dma_semaphore, #tpu.memory_space<semaphore_mem>>
      %dma_start3A_82 = tpu.memref_slice %arg3[%mul3A_18] : memref<65536xf32, #tpu.memory_space<hbm>> -> memref<2048xf32, #tpu.memory_space<hbm>>
      %dma_start3A_83 = tpu.memref_slice %arg3[%mul3A_18] : memref<65536xf32, #tpu.memory_space<hbm>> -> memref<2048xf32, #tpu.memory_space<hbm>>
      tpu.enqueue_dma source(%dma_start3A_83 : memref<2048xf32, #tpu.memory_space<hbm>>) target(%arg9 : memref<2048xf32, #tpu.memory_space<vmem>>) target_semaphore(%run_scoped3A : memref<!tpu.dma_semaphore, #tpu.memory_space<semaphore_mem>>)
      %dma_wait3A_84 = tpu.memref_slice %arg3[%mul3A_18] : memref<65536xf32, #tpu.memory_space<hbm>> -> memref<2048xf32, #tpu.memory_space<hbm>>
      %dma_wait3A_85 = tpu.memref_slice %arg3[%mul3A_18] : memref<65536xf32, #tpu.memory_space<hbm>> -> memref<2048xf32, #tpu.memory_space<hbm>>
      tpu.wait_dma2 semaphore(%run_scoped3A : memref<!tpu.dma_semaphore, #tpu.memory_space<semaphore_mem>>) src(%dma_wait3A_85 : memref<2048xf32, #tpu.memory_space<hbm>>) dst(%arg9 : memref<2048xf32, #tpu.memory_space<vmem>>)
      tpu.yield
    }) : () -> ()
    "tpu.region"() ({
      %run_scoped3A = tpu.sem_alloc : memref<!tpu.dma_semaphore, #tpu.memory_space<semaphore_mem>>
      %dma_start3A_82 = tpu.memref_slice %arg4[%mul3A_18] : memref<65536xf32, #tpu.memory_space<hbm>> -> memref<2048xf32, #tpu.memory_space<hbm>>
      %dma_start3A_83 = tpu.memref_slice %arg4[%mul3A_18] : memref<65536xf32, #tpu.memory_space<hbm>> -> memref<2048xf32, #tpu.memory_space<hbm>>
      tpu.enqueue_dma source(%dma_start3A_83 : memref<2048xf32, #tpu.memory_space<hbm>>) target(%arg10 : memref<2048xf32, #tpu.memory_space<vmem>>) target_semaphore(%run_scoped3A : memref<!tpu.dma_semaphore, #tpu.memory_space<semaphore_mem>>)
      %dma_wait3A_84 = tpu.memref_slice %arg4[%mul3A_18] : memref<65536xf32, #tpu.memory_space<hbm>> -> memref<2048xf32, #tpu.memory_space<hbm>>
      %dma_wait3A_85 = tpu.memref_slice %arg4[%mul3A_18] : memref<65536xf32, #tpu.memory_space<hbm>> -> memref<2048xf32, #tpu.memory_space<hbm>>
      tpu.wait_dma2 semaphore(%run_scoped3A : memref<!tpu.dma_semaphore, #tpu.memory_space<semaphore_mem>>) src(%dma_wait3A_85 : memref<2048xf32, #tpu.memory_space<hbm>>) dst(%arg10 : memref<2048xf32, #tpu.memory_space<vmem>>)
      tpu.yield
    }) : () -> ()
    %scan3A = arith.constant 0 : i32
    %scan3A_21 = arith.constant 0 : i32
    %scan3A_22 = arith.constant 128 : i32
    %scan3A_23 = arith.addi %scan3A_21, %scan3A_22 : i32
    %scan3A_24 = arith.constant 1 : i32
    scf.for %scan3A_82 = %scan3A_21 to %scan3A_23 step %scan3A_24  : i32 {
      %mul3A_83 = arith.constant 16 : i32
      %mul3A_84 = arith.muli %scan3A_82, %mul3A_83 : i32
      %get3A = arith.index_cast %mul3A_84 : i32 to index
      %get3A_85 = tpu.vector_load %arg9[%get3A] {strides = array<i32>} : memref<2048xf32, #tpu.memory_space<vmem>>, vector<16xf32>,
      %get3A_86 = arith.index_cast %mul3A_84 : i32 to index
      %get3A_87 = tpu.vector_load %arg10[%get3A_86] {strides = array<i32>} : memref<2048xf32, #tpu.memory_space<vmem>>, vector<16xf32>,
      %mul3A_88 = arith.constant 1.280000e+02 : f32
      %mul3A_89 = vector.broadcast %mul3A_88 : f32 to vector<16xf32>
      %mul3A_90 = arith.mulf %get3A_85, %mul3A_89 : vector<16xf32>
      %sub3A_91 = arith.constant 5.000000e-01 : f32
      %sub3A_92 = vector.broadcast %sub3A_91 : f32 to vector<16xf32>
      %sub3A_93 = arith.subf %mul3A_90, %sub3A_92 : vector<16xf32>
      %mul3A_94 = arith.constant 1.280000e+02 : f32
      %mul3A_95 = vector.broadcast %mul3A_94 : f32 to vector<16xf32>
      %mul3A_96 = arith.mulf %get3A_87, %mul3A_95 : vector<16xf32>
      %sub3A_97 = arith.constant 5.000000e-01 : f32
      %sub3A_98 = vector.broadcast %sub3A_97 : f32 to vector<16xf32>
      %sub3A_99 = arith.subf %mul3A_96, %sub3A_98 : vector<16xf32>
      %convert_element_type3A = arith.fptosi %sub3A_93 : vector<16xf32> to vector<16xi32>
      %convert_element_type3A_100 = arith.sitofp %convert_element_type3A : vector<16xi32> to vector<16xf32>
      %lt3A = arith.cmpf olt, %sub3A_93, %convert_element_type3A_100 : vector<16xf32>
      %sub3A_101 = arith.constant 1 : i32
      %sub3A_102 = vector.broadcast %sub3A_101 : i32 to vector<16xi32>
      %sub3A_103 = arith.subi %convert_element_type3A, %sub3A_102 : vector<16xi32>
      %select_n3A_104 = arith.select %lt3A, %sub3A_103, %convert_element_type3A : vector<16xi1>, vector<16xi32>
      %convert_element_type3A_105 = arith.sitofp %select_n3A_104 : vector<16xi32> to vector<16xf32>
      %sub3A_106 = arith.subf %sub3A_93, %convert_element_type3A_105 : vector<16xf32>
      %convert_element_type3A_107 = arith.fptosi %sub3A_99 : vector<16xf32> to vector<16xi32>
      %convert_element_type3A_108 = arith.sitofp %convert_element_type3A_107 : vector<16xi32> to vector<16xf32>
      %lt3A_109 = arith.cmpf olt, %sub3A_99, %convert_element_type3A_108 : vector<16xf32>
      %sub3A_110 = arith.constant 1 : i32
      %sub3A_111 = vector.broadcast %sub3A_110 : i32 to vector<16xi32>
      %sub3A_112 = arith.subi %convert_element_type3A_107, %sub3A_111 : vector<16xi32>
      %select_n3A_113 = arith.select %lt3A_109, %sub3A_112, %convert_element_type3A_107 : vector<16xi1>, vector<16xi32>
      %convert_element_type3A_114 = arith.sitofp %select_n3A_113 : vector<16xi32> to vector<16xf32>
      %sub3A_115 = arith.subf %sub3A_99, %convert_element_type3A_114 : vector<16xf32>
      %ge3A = arith.constant 0 : i32
      %ge3A_116 = vector.broadcast %ge3A : i32 to vector<16xi32>
      %ge3A_117 = arith.cmpi sge, %select_n3A_104, %ge3A_116 : vector<16xi32>
      %sub3A_118 = arith.constant 1.000000e+00 : f32
      %sub3A_119 = vector.broadcast %sub3A_118 : f32 to vector<16xf32>
      %sub3A_120 = arith.subf %sub3A_119, %sub3A_106 : vector<16xf32>
      %jit3A_121 = arith.constant 0.000000e+00 : f32
      %broadcast_in_dim3A = vector.broadcast %jit3A_121 : f32 to vector<16xf32>
      %select_n3A_122 = arith.select %ge3A_117, %sub3A_120, %broadcast_in_dim3A : vector<16xi1>, vector<16xf32>
      %le3A = arith.constant 126 : i32
      %le3A_123 = vector.broadcast %le3A : i32 to vector<16xi32>
      %le3A_124 = arith.cmpi sle, %select_n3A_104, %le3A_123 : vector<16xi32>
      %jit3A_125 = arith.constant 0.000000e+00 : f32
      %broadcast_in_dim3A_126 = vector.broadcast %jit3A_125 : f32 to vector<16xf32>
      %select_n3A_127 = arith.select %le3A_124, %sub3A_106, %broadcast_in_dim3A_126 : vector<16xi1>, vector<16xf32>
      %ge3A_128 = arith.constant 0 : i32
      %ge3A_129 = vector.broadcast %ge3A_128 : i32 to vector<16xi32>
      %ge3A_130 = arith.cmpi sge, %select_n3A_113, %ge3A_129 : vector<16xi32>
      %sub3A_131 = arith.constant 1.000000e+00 : f32
      %sub3A_132 = vector.broadcast %sub3A_131 : f32 to vector<16xf32>
      %sub3A_133 = arith.subf %sub3A_132, %sub3A_115 : vector<16xf32>
      %jit3A_134 = arith.constant 0.000000e+00 : f32
      %broadcast_in_dim3A_135 = vector.broadcast %jit3A_134 : f32 to vector<16xf32>
      %select_n3A_136 = arith.select %ge3A_130, %sub3A_133, %broadcast_in_dim3A_135 : vector<16xi1>, vector<16xf32>
      %le3A_137 = arith.constant 126 : i32
      %le3A_138 = vector.broadcast %le3A_137 : i32 to vector<16xi32>
      %le3A_139 = arith.cmpi sle, %select_n3A_113, %le3A_138 : vector<16xi32>
      %jit3A_140 = arith.constant 0.000000e+00 : f32
      %broadcast_in_dim3A_141 = vector.broadcast %jit3A_140 : f32 to vector<16xf32>
      %select_n3A_142 = arith.select %le3A_139, %sub3A_115, %broadcast_in_dim3A_141 : vector<16xi1>, vector<16xf32>
      %max3A = arith.constant 0 : i32
      %max3A_143 = vector.broadcast %max3A : i32 to vector<16xi32>
      %max3A_144 = arith.maxsi %select_n3A_104, %max3A_143 : vector<16xi32>
      %add3A_145 = arith.constant 1 : i32
      %add3A_146 = vector.broadcast %add3A_145 : i32 to vector<16xi32>
      %add3A_147 = arith.addi %select_n3A_104, %add3A_146 : vector<16xi32>
      %min3A = arith.constant 127 : i32
      %min3A_148 = vector.broadcast %min3A : i32 to vector<16xi32>
      %min3A_149 = arith.minsi %add3A_147, %min3A_148 : vector<16xi32>
      %max3A_150 = arith.constant 0 : i32
      %max3A_151 = vector.broadcast %max3A_150 : i32 to vector<16xi32>
      %max3A_152 = arith.maxsi %select_n3A_113, %max3A_151 : vector<16xi32>
      %add3A_153 = arith.constant 1 : i32
      %add3A_154 = vector.broadcast %add3A_153 : i32 to vector<16xi32>
      %add3A_155 = arith.addi %select_n3A_113, %add3A_154 : vector<16xi32>
      %min3A_156 = arith.constant 127 : i32
      %min3A_157 = vector.broadcast %min3A_156 : i32 to vector<16xi32>
      %min3A_158 = arith.minsi %add3A_155, %min3A_157 : vector<16xi32>
      %mul3A_159 = arith.constant 128 : i32
      %mul3A_160 = vector.broadcast %mul3A_159 : i32 to vector<16xi32>
      %mul3A_161 = arith.muli %max3A_152, %mul3A_160 : vector<16xi32>
      %add3A_162 = vector.broadcast %mul3A_20 : i32 to vector<16xi32>
      %add3A_163 = arith.addi %add3A_162, %mul3A_161 : vector<16xi32>
      %add3A_164 = arith.addi %add3A_163, %max3A_144 : vector<16xi32>
      %swap3A = arith.constant 0 : i32
      %swap3A_165 = arith.index_cast %swap3A : i32 to index
      %swap3A_166 = arith.index_cast %mul3A_84 : i32 to index
      %swap3A_167 = tpu.vector_load %arg11[%swap3A_165, %swap3A_166] {strides = array<i32>} : memref<4x2048xi32, #tpu.memory_space<vmem>>, vector<16xi32>,
      tpu.vector_store %arg11[%swap3A_165, %swap3A_166], %add3A_164 {strides = array<i32>} : memref<4x2048xi32, #tpu.memory_space<vmem>>, vector<16xi32>,
      %mul3A_168 = arith.constant 128 : i32
      %mul3A_169 = vector.broadcast %mul3A_168 : i32 to vector<16xi32>
      %mul3A_170 = arith.muli %max3A_152, %mul3A_169 : vector<16xi32>
      %add3A_171 = vector.broadcast %mul3A_20 : i32 to vector<16xi32>
      %add3A_172 = arith.addi %add3A_171, %mul3A_170 : vector<16xi32>
      %add3A_173 = arith.addi %add3A_172, %min3A_149 : vector<16xi32>
      %swap3A_174 = arith.constant 1 : i32
      %swap3A_175 = arith.index_cast %swap3A_174 : i32 to index
      %swap3A_176 = arith.index_cast %mul3A_84 : i32 to index
      %swap3A_177 = tpu.vector_load %arg11[%swap3A_175, %swap3A_176] {strides = array<i32>} : memref<4x2048xi32, #tpu.memory_space<vmem>>, vector<16xi32>,
      tpu.vector_store %arg11[%swap3A_175, %swap3A_176], %add3A_173 {strides = array<i32>} : memref<4x2048xi32, #tpu.memory_space<vmem>>, vector<16xi32>,
      %mul3A_178 = arith.constant 128 : i32
      %mul3A_179 = vector.broadcast %mul3A_178 : i32 to vector<16xi32>
      %mul3A_180 = arith.muli %min3A_158, %mul3A_179 : vector<16xi32>
      %add3A_181 = vector.broadcast %mul3A_20 : i32 to vector<16xi32>
      %add3A_182 = arith.addi %add3A_181, %mul3A_180 : vector<16xi32>
      %add3A_183 = arith.addi %add3A_182, %max3A_144 : vector<16xi32>
      %swap3A_184 = arith.constant 2 : i32
      %swap3A_185 = arith.index_cast %swap3A_184 : i32 to index
      %swap3A_186 = arith.index_cast %mul3A_84 : i32 to index
      %swap3A_187 = tpu.vector_load %arg11[%swap3A_185, %swap3A_186] {strides = array<i32>} : memref<4x2048xi32, #tpu.memory_space<vmem>>, vector<16xi32>,
      tpu.vector_store %arg11[%swap3A_185, %swap3A_186], %add3A_183 {strides = array<i32>} : memref<4x2048xi32, #tpu.memory_space<vmem>>, vector<16xi32>,
      %mul3A_188 = arith.constant 128 : i32
      %mul3A_189 = vector.broadcast %mul3A_188 : i32 to vector<16xi32>
      %mul3A_190 = arith.muli %min3A_158, %mul3A_189 : vector<16xi32>
      %add3A_191 = vector.broadcast %mul3A_20 : i32 to vector<16xi32>
      %add3A_192 = arith.addi %add3A_191, %mul3A_190 : vector<16xi32>
      %add3A_193 = arith.addi %add3A_192, %min3A_149 : vector<16xi32>
      %swap3A_194 = arith.constant 3 : i32
      %swap3A_195 = arith.index_cast %swap3A_194 : i32 to index
      %swap3A_196 = arith.index_cast %mul3A_84 : i32 to index
      %swap3A_197 = tpu.vector_load %arg11[%swap3A_195, %swap3A_196] {strides = array<i32>} : memref<4x2048xi32, #tpu.memory_space<vmem>>, vector<16xi32>,
      tpu.vector_store %arg11[%swap3A_195, %swap3A_196], %add3A_193 {strides = array<i32>} : memref<4x2048xi32, #tpu.memory_space<vmem>>, vector<16xi32>,
      %mul3A_198 = arith.mulf %select_n3A_122, %select_n3A_136 : vector<16xf32>
      %swap3A_199 = arith.constant 0 : i32
      %swap3A_200 = arith.index_cast %swap3A_199 : i32 to index
      %swap3A_201 = arith.index_cast %mul3A_84 : i32 to index
      %swap3A_202 = tpu.vector_load %arg12[%swap3A_200, %swap3A_201] {strides = array<i32>} : memref<5x2048xf32, #tpu.memory_space<vmem>>, vector<16xf32>,
      tpu.vector_store %arg12[%swap3A_200, %swap3A_201], %mul3A_198 {strides = array<i32>} : memref<5x2048xf32, #tpu.memory_space<vmem>>, vector<16xf32>,
      %mul3A_203 = arith.mulf %select_n3A_127, %select_n3A_136 : vector<16xf32>
      %swap3A_204 = arith.constant 1 : i32
      %swap3A_205 = arith.index_cast %swap3A_204 : i32 to index
      %swap3A_206 = arith.index_cast %mul3A_84 : i32 to index
      %swap3A_207 = tpu.vector_load %arg12[%swap3A_205, %swap3A_206] {strides = array<i32>} : memref<5x2048xf32, #tpu.memory_space<vmem>>, vector<16xf32>,
      tpu.vector_store %arg12[%swap3A_205, %swap3A_206], %mul3A_203 {strides = array<i32>} : memref<5x2048xf32, #tpu.memory_space<vmem>>, vector<16xf32>,
      %mul3A_208 = arith.mulf %select_n3A_122, %select_n3A_142 : vector<16xf32>
      %swap3A_209 = arith.constant 2 : i32
      %swap3A_210 = arith.index_cast %swap3A_209 : i32 to index
      %swap3A_211 = arith.index_cast %mul3A_84 : i32 to index
      %swap3A_212 = tpu.vector_load %arg12[%swap3A_210, %swap3A_211] {strides = array<i32>} : memref<5x2048xf32, #tpu.memory_space<vmem>>, vector<16xf32>,
      tpu.vector_store %arg12[%swap3A_210, %swap3A_211], %mul3A_208 {strides = array<i32>} : memref<5x2048xf32, #tpu.memory_space<vmem>>, vector<16xf32>,
      %mul3A_213 = arith.mulf %select_n3A_127, %select_n3A_142 : vector<16xf32>
      %swap3A_214 = arith.constant 3 : i32
      %swap3A_215 = arith.index_cast %swap3A_214 : i32 to index
      %swap3A_216 = arith.index_cast %mul3A_84 : i32 to index
      %swap3A_217 = tpu.vector_load %arg12[%swap3A_215, %swap3A_216] {strides = array<i32>} : memref<5x2048xf32, #tpu.memory_space<vmem>>, vector<16xf32>,
      tpu.vector_store %arg12[%swap3A_215, %swap3A_216], %mul3A_213 {strides = array<i32>} : memref<5x2048xf32, #tpu.memory_space<vmem>>, vector<16xf32>,
      %mul3A_218 = arith.constant 6.400000e+01 : f32
      %mul3A_219 = vector.broadcast %mul3A_218 : f32 to vector<16xf32>
      %mul3A_220 = arith.mulf %get3A_85, %mul3A_219 : vector<16xf32>
      %sub3A_221 = arith.constant 5.000000e-01 : f32
      %sub3A_222 = vector.broadcast %sub3A_221 : f32 to vector<16xf32>
      %sub3A_223 = arith.subf %mul3A_220, %sub3A_222 : vector<16xf32>
      %mul3A_224 = arith.constant 6.400000e+01 : f32
      %mul3A_225 = vector.broadcast %mul3A_224 : f32 to vector<16xf32>
      %mul3A_226 = arith.mulf %get3A_87, %mul3A_225 : vector<16xf32>
      %sub3A_227 = arith.constant 5.000000e-01 : f32
      %sub3A_228 = vector.broadcast %sub3A_227 : f32 to vector<16xf32>
      %sub3A_229 = arith.subf %mul3A_226, %sub3A_228 : vector<16xf32>
      %convert_element_type3A_230 = arith.fptosi %sub3A_223 : vector<16xf32> to vector<16xi32>
      %convert_element_type3A_231 = arith.sitofp %convert_element_type3A_230 : vector<16xi32> to vector<16xf32>
      %lt3A_232 = arith.cmpf olt, %sub3A_223, %convert_element_type3A_231 : vector<16xf32>
      %sub3A_233 = arith.constant 1 : i32
      %sub3A_234 = vector.broadcast %sub3A_233 : i32 to vector<16xi32>
      %sub3A_235 = arith.subi %convert_element_type3A_230, %sub3A_234 : vector<16xi32>
      %select_n3A_236 = arith.select %lt3A_232, %sub3A_235, %convert_element_type3A_230 : vector<16xi1>, vector<16xi32>
      %convert_element_type3A_237 = arith.sitofp %select_n3A_236 : vector<16xi32> to vector<16xf32>
      %sub3A_238 = arith.subf %sub3A_223, %convert_element_type3A_237 : vector<16xf32>
      %convert_element_type3A_239 = arith.fptosi %sub3A_229 : vector<16xf32> to vector<16xi32>
      %convert_element_type3A_240 = arith.sitofp %convert_element_type3A_239 : vector<16xi32> to vector<16xf32>
      %lt3A_241 = arith.cmpf olt, %sub3A_229, %convert_element_type3A_240 : vector<16xf32>
      %sub3A_242 = arith.constant 1 : i32
      %sub3A_243 = vector.broadcast %sub3A_242 : i32 to vector<16xi32>
      %sub3A_244 = arith.subi %convert_element_type3A_239, %sub3A_243 : vector<16xi32>
      %select_n3A_245 = arith.select %lt3A_241, %sub3A_244, %convert_element_type3A_239 : vector<16xi1>, vector<16xi32>
      %convert_element_type3A_246 = arith.sitofp %select_n3A_245 : vector<16xi32> to vector<16xf32>
      %sub3A_247 = arith.subf %sub3A_229, %convert_element_type3A_246 : vector<16xf32>
      %ge3A_248 = arith.constant 0 : i32
      %ge3A_249 = vector.broadcast %ge3A_248 : i32 to vector<16xi32>
      %ge3A_250 = arith.cmpi sge, %select_n3A_236, %ge3A_249 : vector<16xi32>
      %sub3A_251 = arith.constant 1.000000e+00 : f32
      %sub3A_252 = vector.broadcast %sub3A_251 : f32 to vector<16xf32>
      %sub3A_253 = arith.subf %sub3A_252, %sub3A_238 : vector<16xf32>
      %jit3A_254 = arith.constant 0.000000e+00 : f32
      %broadcast_in_dim3A_255 = vector.broadcast %jit3A_254 : f32 to vector<16xf32>
      %select_n3A_256 = arith.select %ge3A_250, %sub3A_253, %broadcast_in_dim3A_255 : vector<16xi1>, vector<16xf32>
      %le3A_257 = arith.constant 62 : i32
      %le3A_258 = vector.broadcast %le3A_257 : i32 to vector<16xi32>
      %le3A_259 = arith.cmpi sle, %select_n3A_236, %le3A_258 : vector<16xi32>
      %jit3A_260 = arith.constant 0.000000e+00 : f32
      %broadcast_in_dim3A_261 = vector.broadcast %jit3A_260 : f32 to vector<16xf32>
      %select_n3A_262 = arith.select %le3A_259, %sub3A_238, %broadcast_in_dim3A_261 : vector<16xi1>, vector<16xf32>
      %ge3A_263 = arith.constant 0 : i32
      %ge3A_264 = vector.broadcast %ge3A_263 : i32 to vector<16xi32>
      %ge3A_265 = arith.cmpi sge, %select_n3A_245, %ge3A_264 : vector<16xi32>
      %sub3A_266 = arith.constant 1.000000e+00 : f32
      %sub3A_267 = vector.broadcast %sub3A_266 : f32 to vector<16xf32>
      %sub3A_268 = arith.subf %sub3A_267, %sub3A_247 : vector<16xf32>
      %jit3A_269 = arith.constant 0.000000e+00 : f32
      %broadcast_in_dim3A_270 = vector.broadcast %jit3A_269 : f32 to vector<16xf32>
      %select_n3A_271 = arith.select %ge3A_265, %sub3A_268, %broadcast_in_dim3A_270 : vector<16xi1>, vector<16xf32>
      %le3A_272 = arith.constant 62 : i32
      %le3A_273 = vector.broadcast %le3A_272 : i32 to vector<16xi32>
      %le3A_274 = arith.cmpi sle, %select_n3A_245, %le3A_273 : vector<16xi32>
      %jit3A_275 = arith.constant 0.000000e+00 : f32
      %broadcast_in_dim3A_276 = vector.broadcast %jit3A_275 : f32 to vector<16xf32>
      %select_n3A_277 = arith.select %le3A_274, %sub3A_247, %broadcast_in_dim3A_276 : vector<16xi1>, vector<16xf32>
      %max3A_278 = arith.constant 0 : i32
      %max3A_279 = vector.broadcast %max3A_278 : i32 to vector<16xi32>
      %max3A_280 = arith.maxsi %select_n3A_236, %max3A_279 : vector<16xi32>
      %add3A_281 = arith.constant 1 : i32
      %add3A_282 = vector.broadcast %add3A_281 : i32 to vector<16xi32>
      %add3A_283 = arith.addi %select_n3A_236, %add3A_282 : vector<16xi32>
      %min3A_284 = arith.constant 63 : i32
      %min3A_285 = vector.broadcast %min3A_284 : i32 to vector<16xi32>
      %min3A_286 = arith.minsi %add3A_283, %min3A_285 : vector<16xi32>
      %max3A_287 = arith.constant 0 : i32
      %max3A_288 = vector.broadcast %max3A_287 : i32 to vector<16xi32>
      %max3A_289 = arith.maxsi %select_n3A_245, %max3A_288 : vector<16xi32>
      %add3A_290 = arith.constant 1 : i32
      %add3A_291 = vector.broadcast %add3A_290 : i32 to vector<16xi32>
      %add3A_292 = arith.addi %select_n3A_245, %add3A_291 : vector<16xi32>
      %min3A_293 = arith.constant 63 : i32
      %min3A_294 = vector.broadcast %min3A_293 : i32 to vector<16xi32>
      %min3A_295 = arith.minsi %add3A_292, %min3A_294 : vector<16xi32>
      %mul3A_296 = arith.constant 64 : i32
      %mul3A_297 = vector.broadcast %mul3A_296 : i32 to vector<16xi32>
      %mul3A_298 = arith.muli %max3A_289, %mul3A_297 : vector<16xi32>
      %add3A_299 = arith.addi %mul3A_298, %max3A_280 : vector<16xi32>
      %gather3A = tpu.vector_load_idx %arg17[%add3A_299] : memref<4096xf32, #tpu.memory_space<vmem>>[vector<16xi32>], vector<16xf32>,
      %mul3A_300 = arith.constant 64 : i32
      %mul3A_301 = vector.broadcast %mul3A_300 : i32 to vector<16xi32>
      %mul3A_302 = arith.muli %max3A_289, %mul3A_301 : vector<16xi32>
      %add3A_303 = arith.addi %mul3A_302, %min3A_286 : vector<16xi32>
      %gather3A_304 = tpu.vector_load_idx %arg17[%add3A_303] : memref<4096xf32, #tpu.memory_space<vmem>>[vector<16xi32>], vector<16xf32>,
      %mul3A_305 = arith.constant 64 : i32
      %mul3A_306 = vector.broadcast %mul3A_305 : i32 to vector<16xi32>
      %mul3A_307 = arith.muli %min3A_295, %mul3A_306 : vector<16xi32>
      %add3A_308 = arith.addi %mul3A_307, %max3A_280 : vector<16xi32>
      %gather3A_309 = tpu.vector_load_idx %arg17[%add3A_308] : memref<4096xf32, #tpu.memory_space<vmem>>[vector<16xi32>], vector<16xf32>,
      %mul3A_310 = arith.constant 64 : i32
      %mul3A_311 = vector.broadcast %mul3A_310 : i32 to vector<16xi32>
      %mul3A_312 = arith.muli %min3A_295, %mul3A_311 : vector<16xi32>
      %add3A_313 = arith.addi %mul3A_312, %min3A_286 : vector<16xi32>
      %gather3A_314 = tpu.vector_load_idx %arg17[%add3A_313] : memref<4096xf32, #tpu.memory_space<vmem>>[vector<16xi32>], vector<16xf32>,
      %mul3A_315 = arith.mulf %select_n3A_256, %select_n3A_271 : vector<16xf32>
      %mul3A_316 = arith.mulf %gather3A, %mul3A_315 : vector<16xf32>
      %mul3A_317 = arith.mulf %select_n3A_262, %select_n3A_271 : vector<16xf32>
      %mul3A_318 = arith.mulf %gather3A_304, %mul3A_317 : vector<16xf32>
      %add3A_319 = arith.addf %mul3A_316, %mul3A_318 : vector<16xf32>
      %mul3A_320 = arith.mulf %select_n3A_256, %select_n3A_277 : vector<16xf32>
      %mul3A_321 = arith.mulf %gather3A_309, %mul3A_320 : vector<16xf32>
      %add3A_322 = arith.addf %add3A_319, %mul3A_321 : vector<16xf32>
      %mul3A_323 = arith.mulf %select_n3A_262, %select_n3A_277 : vector<16xf32>
      %mul3A_324 = arith.mulf %gather3A_314, %mul3A_323 : vector<16xf32>
      %add3A_325 = arith.addf %add3A_322, %mul3A_324 : vector<16xf32>
      %swap3A_326 = arith.constant 4 : i32
      %swap3A_327 = arith.index_cast %swap3A_326 : i32 to index
      %swap3A_328 = arith.index_cast %mul3A_84 : i32 to index
      %swap3A_329 = tpu.vector_load %arg12[%swap3A_327, %swap3A_328] {strides = array<i32>} : memref<5x2048xf32, #tpu.memory_space<vmem>>, vector<16xf32>,
      tpu.vector_store %arg12[%swap3A_327, %swap3A_328], %add3A_325 {strides = array<i32>} : memref<5x2048xf32, #tpu.memory_space<vmem>>, vector<16xf32>,
    }
    %scan3A_25 = arith.constant 128 : i32
    %dma_start3A = arith.constant 0 : i32
    %dma_start3A_26 = arith.constant 0 : i32
    %dma_start3A_27 = arith.constant 0 : i32
    %dma_start3A_28 = tpu.memref_slice %arg13[%dma_start3A_26, %dma_start3A_27] : memref<128x256xf32, #tpu.memory_space<vmem>> -> memref<32x256xf32, #tpu.memory_space<vmem>>
    %dma_start3A_29 = arith.constant 0 : i32
    %dma_start3A_30 = tpu.memref_slice %arg11[%dma_start3A, %dma_start3A_29] : memref<4x2048xi32, #tpu.memory_space<vmem>> -> memref<1x32xi32, #tpu.memory_space<vmem>>
    %dma_start3A_31 = tpu.memref_squeeze %dma_start3A_30 : memref<1x32xi32, #tpu.memory_space<vmem>> -> memref<32xi32, #tpu.memory_space<vmem>>
    %dma_start3A_32 = arith.constant 0 : i32
    %dma_start3A_33 = arith.constant 0 : i32
    %dma_start3A_34 = tpu.memref_slice %arg2[%dma_start3A_32, %dma_start3A_33] : memref<131072x256xf32, #tpu.memory_space<hbm>> -> memref<131072x256xf32, #tpu.memory_space<hbm>>
    tpu.enqueue_indirect_dma source(%dma_start3A_34 : memref<131072x256xf32, #tpu.memory_space<hbm>>) target(%dma_start3A_28 : memref<32x256xf32, #tpu.memory_space<vmem>>) offsets(%dma_start3A_31 : memref<32xi32, #tpu.memory_space<vmem>>) semaphore(%arg20 : memref<!tpu.dma_semaphore, #tpu.memory_space<semaphore_mem>>)
    %dma_start3A_35 = arith.constant 1 : i32
    %dma_start3A_36 = arith.constant 32 : i32
    %dma_start3A_37 = arith.constant 0 : i32
    %dma_start3A_38 = tpu.memref_slice %arg13[%dma_start3A_36, %dma_start3A_37] : memref<128x256xf32, #tpu.memory_space<vmem>> -> memref<32x256xf32, #tpu.memory_space<vmem>>
    %dma_start3A_39 = arith.constant 0 : i32
    %dma_start3A_40 = tpu.memref_slice %arg11[%dma_start3A_35, %dma_start3A_39] : memref<4x2048xi32, #tpu.memory_space<vmem>> -> memref<1x32xi32, #tpu.memory_space<vmem>>
    %dma_start3A_41 = tpu.memref_squeeze %dma_start3A_40 : memref<1x32xi32, #tpu.memory_space<vmem>> -> memref<32xi32, #tpu.memory_space<vmem>>
    %dma_start3A_42 = arith.constant 0 : i32
    %dma_start3A_43 = arith.constant 0 : i32
    %dma_start3A_44 = tpu.memref_slice %arg2[%dma_start3A_42, %dma_start3A_43] : memref<131072x256xf32, #tpu.memory_space<hbm>> -> memref<131072x256xf32, #tpu.memory_space<hbm>>
    tpu.enqueue_indirect_dma source(%dma_start3A_44 : memref<131072x256xf32, #tpu.memory_space<hbm>>) target(%dma_start3A_38 : memref<32x256xf32, #tpu.memory_space<vmem>>) offsets(%dma_start3A_41 : memref<32xi32, #tpu.memory_space<vmem>>) semaphore(%arg20 : memref<!tpu.dma_semaphore, #tpu.memory_space<semaphore_mem>>)
    %dma_start3A_45 = arith.constant 2 : i32
    %dma_start3A_46 = arith.constant 64 : i32
    %dma_start3A_47 = arith.constant 0 : i32
    %dma_start3A_48 = tpu.memref_slice %arg13[%dma_start3A_46, %dma_start3A_47] : memref<128x256xf32, #tpu.memory_space<vmem>> -> memref<32x256xf32, #tpu.memory_space<vmem>>
    %dma_start3A_49 = arith.constant 0 : i32
    %dma_start3A_50 = tpu.memref_slice %arg11[%dma_start3A_45, %dma_start3A_49] : memref<4x2048xi32, #tpu.memory_space<vmem>> -> memref<1x32xi32, #tpu.memory_space<vmem>>
    %dma_start3A_51 = tpu.memref_squeeze %dma_start3A_50 : memref<1x32xi32, #tpu.memory_space<vmem>> -> memref<32xi32, #tpu.memory_space<vmem>>
    %dma_start3A_52 = arith.constant 0 : i32
    %dma_start3A_53 = arith.constant 0 : i32
    %dma_start3A_54 = tpu.memref_slice %arg2[%dma_start3A_52, %dma_start3A_53] : memref<131072x256xf32, #tpu.memory_space<hbm>> -> memref<131072x256xf32, #tpu.memory_space<hbm>>
    tpu.enqueue_indirect_dma source(%dma_start3A_54 : memref<131072x256xf32, #tpu.memory_space<hbm>>) target(%dma_start3A_48 : memref<32x256xf32, #tpu.memory_space<vmem>>) offsets(%dma_start3A_51 : memref<32xi32, #tpu.memory_space<vmem>>) semaphore(%arg20 : memref<!tpu.dma_semaphore, #tpu.memory_space<semaphore_mem>>)
    %dma_start3A_55 = arith.constant 3 : i32
    %dma_start3A_56 = arith.constant 96 : i32
    %dma_start3A_57 = arith.constant 0 : i32
    %dma_start3A_58 = tpu.memref_slice %arg13[%dma_start3A_56, %dma_start3A_57] : memref<128x256xf32, #tpu.memory_space<vmem>> -> memref<32x256xf32, #tpu.memory_space<vmem>>
    %dma_start3A_59 = arith.constant 0 : i32
    %dma_start3A_60 = tpu.memref_slice %arg11[%dma_start3A_55, %dma_start3A_59] : memref<4x2048xi32, #tpu.memory_space<vmem>> -> memref<1x32xi32, #tpu.memory_space<vmem>>
    %dma_start3A_61 = tpu.memref_squeeze %dma_start3A_60 : memref<1x32xi32, #tpu.memory_space<vmem>> -> memref<32xi32, #tpu.memory_space<vmem>>
    %dma_start3A_62 = arith.constant 0 : i32
    %dma_start3A_63 = arith.constant 0 : i32
    %dma_start3A_64 = tpu.memref_slice %arg2[%dma_start3A_62, %dma_start3A_63] : memref<131072x256xf32, #tpu.memory_space<hbm>> -> memref<131072x256xf32, #tpu.memory_space<hbm>>
    tpu.enqueue_indirect_dma source(%dma_start3A_64 : memref<131072x256xf32, #tpu.memory_space<hbm>>) target(%dma_start3A_58 : memref<32x256xf32, #tpu.memory_space<vmem>>) offsets(%dma_start3A_61 : memref<32xi32, #tpu.memory_space<vmem>>) semaphore(%arg20 : memref<!tpu.dma_semaphore, #tpu.memory_space<semaphore_mem>>)
    %scan3A_65 = arith.constant 0 : i32
    %scan3A_66 = arith.constant 0 : i32
    %scan3A_67 = arith.constant 32 : i32
    %scan3A_68 = arith.addi %scan3A_66, %scan3A_67 : i32
    %scan3A_69 = arith.constant 1 : i32
    scf.for %scan3A_82 = %scan3A_66 to %scan3A_68 step %scan3A_69  : i32 {
      %mul3A_83 = arith.constant 2 : i32
      %mul3A_84 = arith.muli %mul3A_83, %scan3A_82 : i32
      %add3A_85 = arith.constant 1 : i32
      %add3A_86 = arith.addi %mul3A_84, %add3A_85 : i32
      %mul3A_87 = arith.constant 32 : i32
      %mul3A_88 = arith.muli %add3A_86, %mul3A_87 : i32
      %dma_start3A_89 = arith.constant 0 : i32
      %dma_start3A_90 = arith.constant 0 : i32
      %dma_start3A_91 = arith.constant 0 : i32
      %dma_start3A_92 = tpu.memref_slice %arg14[%dma_start3A_90, %dma_start3A_91] : memref<128x256xf32, #tpu.memory_space<vmem>> -> memref<32x256xf32, #tpu.memory_space<vmem>>
      %dma_start3A_93 = tpu.memref_slice %arg11[%dma_start3A_89, %mul3A_88] : memref<4x2048xi32, #tpu.memory_space<vmem>> -> memref<1x32xi32, #tpu.memory_space<vmem>>
      %dma_start3A_94 = tpu.memref_squeeze %dma_start3A_93 : memref<1x32xi32, #tpu.memory_space<vmem>> -> memref<32xi32, #tpu.memory_space<vmem>>
      %dma_start3A_95 = arith.constant 0 : i32
      %dma_start3A_96 = arith.constant 0 : i32
      %dma_start3A_97 = tpu.memref_slice %arg2[%dma_start3A_95, %dma_start3A_96] : memref<131072x256xf32, #tpu.memory_space<hbm>> -> memref<131072x256xf32, #tpu.memory_space<hbm>>
      tpu.enqueue_indirect_dma source(%dma_start3A_97 : memref<131072x256xf32, #tpu.memory_space<hbm>>) target(%dma_start3A_92 : memref<32x256xf32, #tpu.memory_space<vmem>>) offsets(%dma_start3A_94 : memref<32xi32, #tpu.memory_space<vmem>>) semaphore(%arg21 : memref<!tpu.dma_semaphore, #tpu.memory_space<semaphore_mem>>)
      %dma_start3A_98 = arith.constant 1 : i32
      %dma_start3A_99 = arith.constant 32 : i32
      %dma_start3A_100 = arith.constant 0 : i32
      %dma_start3A_101 = tpu.memref_slice %arg14[%dma_start3A_99, %dma_start3A_100] : memref<128x256xf32, #tpu.memory_space<vmem>> -> memref<32x256xf32, #tpu.memory_space<vmem>>
      %dma_start3A_102 = tpu.memref_slice %arg11[%dma_start3A_98, %mul3A_88] : memref<4x2048xi32, #tpu.memory_space<vmem>> -> memref<1x32xi32, #tpu.memory_space<vmem>>
      %dma_start3A_103 = tpu.memref_squeeze %dma_start3A_102 : memref<1x32xi32, #tpu.memory_space<vmem>> -> memref<32xi32, #tpu.memory_space<vmem>>
      %dma_start3A_104 = arith.constant 0 : i32
      %dma_start3A_105 = arith.constant 0 : i32
      %dma_start3A_106 = tpu.memref_slice %arg2[%dma_start3A_104, %dma_start3A_105] : memref<131072x256xf32, #tpu.memory_space<hbm>> -> memref<131072x256xf32, #tpu.memory_space<hbm>>
      tpu.enqueue_indirect_dma source(%dma_start3A_106 : memref<131072x256xf32, #tpu.memory_space<hbm>>) target(%dma_start3A_101 : memref<32x256xf32, #tpu.memory_space<vmem>>) offsets(%dma_start3A_103 : memref<32xi32, #tpu.memory_space<vmem>>) semaphore(%arg21 : memref<!tpu.dma_semaphore, #tpu.memory_space<semaphore_mem>>)
      %dma_start3A_107 = arith.constant 2 : i32
      %dma_start3A_108 = arith.constant 64 : i32
      %dma_start3A_109 = arith.constant 0 : i32
      %dma_start3A_110 = tpu.memref_slice %arg14[%dma_start3A_108, %dma_start3A_109] : memref<128x256xf32, #tpu.memory_space<vmem>> -> memref<32x256xf32, #tpu.memory_space<vmem>>
      %dma_start3A_111 = tpu.memref_slice %arg11[%dma_start3A_107, %mul3A_88] : memref<4x2048xi32, #tpu.memory_space<vmem>> -> memref<1x32xi32, #tpu.memory_space<vmem>>
      %dma_start3A_112 = tpu.memref_squeeze %dma_start3A_111 : memref<1x32xi32, #tpu.memory_space<vmem>> -> memref<32xi32, #tpu.memory_space<vmem>>
      %dma_start3A_113 = arith.constant 0 : i32
      %dma_start3A_114 = arith.constant 0 : i32
      %dma_start3A_115 = tpu.memref_slice %arg2[%dma_start3A_113, %dma_start3A_114] : memref<131072x256xf32, #tpu.memory_space<hbm>> -> memref<131072x256xf32, #tpu.memory_space<hbm>>
      tpu.enqueue_indirect_dma source(%dma_start3A_115 : memref<131072x256xf32, #tpu.memory_space<hbm>>) target(%dma_start3A_110 : memref<32x256xf32, #tpu.memory_space<vmem>>) offsets(%dma_start3A_112 : memref<32xi32, #tpu.memory_space<vmem>>) semaphore(%arg21 : memref<!tpu.dma_semaphore, #tpu.memory_space<semaphore_mem>>)
      %dma_start3A_116 = arith.constant 3 : i32
      %dma_start3A_117 = arith.constant 96 : i32
      %dma_start3A_118 = arith.constant 0 : i32
      %dma_start3A_119 = tpu.memref_slice %arg14[%dma_start3A_117, %dma_start3A_118] : memref<128x256xf32, #tpu.memory_space<vmem>> -> memref<32x256xf32, #tpu.memory_space<vmem>>
      %dma_start3A_120 = tpu.memref_slice %arg11[%dma_start3A_116, %mul3A_88] : memref<4x2048xi32, #tpu.memory_space<vmem>> -> memref<1x32xi32, #tpu.memory_space<vmem>>
      %dma_start3A_121 = tpu.memref_squeeze %dma_start3A_120 : memref<1x32xi32, #tpu.memory_space<vmem>> -> memref<32xi32, #tpu.memory_space<vmem>>
      %dma_start3A_122 = arith.constant 0 : i32
      %dma_start3A_123 = arith.constant 0 : i32
      %dma_start3A_124 = tpu.memref_slice %arg2[%dma_start3A_122, %dma_start3A_123] : memref<131072x256xf32, #tpu.memory_space<hbm>> -> memref<131072x256xf32, #tpu.memory_space<hbm>>
      tpu.enqueue_indirect_dma source(%dma_start3A_124 : memref<131072x256xf32, #tpu.memory_space<hbm>>) target(%dma_start3A_119 : memref<32x256xf32, #tpu.memory_space<vmem>>) offsets(%dma_start3A_121 : memref<32xi32, #tpu.memory_space<vmem>>) semaphore(%arg21 : memref<!tpu.dma_semaphore, #tpu.memory_space<semaphore_mem>>)
      %mul3A_125 = arith.constant 32 : i32
      %mul3A_126 = arith.muli %mul3A_84, %mul3A_125 : i32
      %dma_wait3A_127 = arith.constant 0 : i32
      %dma_wait3A_128 = arith.constant 0 : i32
      %dma_wait3A_129 = arith.constant 0 : i32
      %dma_wait3A_130 = tpu.memref_slice %arg13[%dma_wait3A_128, %dma_wait3A_129] : memref<128x256xf32, #tpu.memory_space<vmem>> -> memref<32x256xf32, #tpu.memory_space<vmem>>
      %dma_wait3A_131 = tpu.memref_slice %arg11[%dma_wait3A_127, %mul3A_126] : memref<4x2048xi32, #tpu.memory_space<vmem>> -> memref<1x32xi32, #tpu.memory_space<vmem>>
      %dma_wait3A_132 = tpu.memref_squeeze %dma_wait3A_131 : memref<1x32xi32, #tpu.memory_space<vmem>> -> memref<32xi32, #tpu.memory_space<vmem>>
      %dma_wait3A_133 = arith.constant 0 : i32
      %dma_wait3A_134 = arith.constant 0 : i32
      %dma_wait3A_135 = tpu.memref_slice %arg2[%dma_wait3A_133, %dma_wait3A_134] : memref<131072x256xf32, #tpu.memory_space<hbm>> -> memref<131072x256xf32, #tpu.memory_space<hbm>>
      tpu.wait_indirect_dma semaphore(%arg20 : memref<!tpu.dma_semaphore, #tpu.memory_space<semaphore_mem>>) src(%dma_wait3A_135 : memref<131072x256xf32, #tpu.memory_space<hbm>>) dst(%dma_wait3A_130 : memref<32x256xf32, #tpu.memory_space<vmem>>)
      %dma_wait3A_136 = arith.constant 1 : i32
      %dma_wait3A_137 = arith.constant 32 : i32
      %dma_wait3A_138 = arith.constant 0 : i32
      %dma_wait3A_139 = tpu.memref_slice %arg13[%dma_wait3A_137, %dma_wait3A_138] : memref<128x256xf32, #tpu.memory_space<vmem>> -> memref<32x256xf32, #tpu.memory_space<vmem>>
      %dma_wait3A_140 = tpu.memref_slice %arg11[%dma_wait3A_136, %mul3A_126] : memref<4x2048xi32, #tpu.memory_space<vmem>> -> memref<1x32xi32, #tpu.memory_space<vmem>>
      %dma_wait3A_141 = tpu.memref_squeeze %dma_wait3A_140 : memref<1x32xi32, #tpu.memory_space<vmem>> -> memref<32xi32, #tpu.memory_space<vmem>>
      %dma_wait3A_142 = arith.constant 0 : i32
      %dma_wait3A_143 = arith.constant 0 : i32
      %dma_wait3A_144 = tpu.memref_slice %arg2[%dma_wait3A_142, %dma_wait3A_143] : memref<131072x256xf32, #tpu.memory_space<hbm>> -> memref<131072x256xf32, #tpu.memory_space<hbm>>
      tpu.wait_indirect_dma semaphore(%arg20 : memref<!tpu.dma_semaphore, #tpu.memory_space<semaphore_mem>>) src(%dma_wait3A_144 : memref<131072x256xf32, #tpu.memory_space<hbm>>) dst(%dma_wait3A_139 : memref<32x256xf32, #tpu.memory_space<vmem>>)
      %dma_wait3A_145 = arith.constant 2 : i32
      %dma_wait3A_146 = arith.constant 64 : i32
      %dma_wait3A_147 = arith.constant 0 : i32
      %dma_wait3A_148 = tpu.memref_slice %arg13[%dma_wait3A_146, %dma_wait3A_147] : memref<128x256xf32, #tpu.memory_space<vmem>> -> memref<32x256xf32, #tpu.memory_space<vmem>>
      %dma_wait3A_149 = tpu.memref_slice %arg11[%dma_wait3A_145, %mul3A_126] : memref<4x2048xi32, #tpu.memory_space<vmem>> -> memref<1x32xi32, #tpu.memory_space<vmem>>
      %dma_wait3A_150 = tpu.memref_squeeze %dma_wait3A_149 : memref<1x32xi32, #tpu.memory_space<vmem>> -> memref<32xi32, #tpu.memory_space<vmem>>
      %dma_wait3A_151 = arith.constant 0 : i32
      %dma_wait3A_152 = arith.constant 0 : i32
      %dma_wait3A_153 = tpu.memref_slice %arg2[%dma_wait3A_151, %dma_wait3A_152] : memref<131072x256xf32, #tpu.memory_space<hbm>> -> memref<131072x256xf32, #tpu.memory_space<hbm>>
      tpu.wait_indirect_dma semaphore(%arg20 : memref<!tpu.dma_semaphore, #tpu.memory_space<semaphore_mem>>) src(%dma_wait3A_153 : memref<131072x256xf32, #tpu.memory_space<hbm>>) dst(%dma_wait3A_148 : memref<32x256xf32, #tpu.memory_space<vmem>>)
      %dma_wait3A_154 = arith.constant 3 : i32
      %dma_wait3A_155 = arith.constant 96 : i32
      %dma_wait3A_156 = arith.constant 0 : i32
      %dma_wait3A_157 = tpu.memref_slice %arg13[%dma_wait3A_155, %dma_wait3A_156] : memref<128x256xf32, #tpu.memory_space<vmem>> -> memref<32x256xf32, #tpu.memory_space<vmem>>
      %dma_wait3A_158 = tpu.memref_slice %arg11[%dma_wait3A_154, %mul3A_126] : memref<4x2048xi32, #tpu.memory_space<vmem>> -> memref<1x32xi32, #tpu.memory_space<vmem>>
      %dma_wait3A_159 = tpu.memref_squeeze %dma_wait3A_158 : memref<1x32xi32, #tpu.memory_space<vmem>> -> memref<32xi32, #tpu.memory_space<vmem>>
      %dma_wait3A_160 = arith.constant 0 : i32
      %dma_wait3A_161 = arith.constant 0 : i32
      %dma_wait3A_162 = tpu.memref_slice %arg2[%dma_wait3A_160, %dma_wait3A_161] : memref<131072x256xf32, #tpu.memory_space<hbm>> -> memref<131072x256xf32, #tpu.memory_space<hbm>>
      tpu.wait_indirect_dma semaphore(%arg20 : memref<!tpu.dma_semaphore, #tpu.memory_space<semaphore_mem>>) src(%dma_wait3A_162 : memref<131072x256xf32, #tpu.memory_space<hbm>>) dst(%dma_wait3A_157 : memref<32x256xf32, #tpu.memory_space<vmem>>)
      %gt3A = arith.constant 0 : i32
      %gt3A_163 = arith.cmpi sgt, %scan3A_82, %gt3A : i32
      %convert_element_type3A = arith.extui %gt3A_163 : i1 to i32
      %cond3A = arith.constant 0 : i32
      %cond3A_164 = arith.cmpi ne, %convert_element_type3A, %cond3A : i32
      scf.if %cond3A_164 {
        %sub3A_248 = arith.constant 2 : i32
        %sub3A_249 = arith.subi %mul3A_84, %sub3A_248 : i32
        %mul3A_250 = arith.constant 32 : i32
        %mul3A_251 = arith.muli %sub3A_249, %mul3A_250 : i32
        %add3A_252 = arith.addi %mul3A_18, %mul3A_251 : i32
        %dma_wait3A_253 = arith.constant 0 : i32
        %dma_wait3A_254 = tpu.memref_slice %arg8[%add3A_252, %dma_wait3A_253] : memref<65536x256xf32, #tpu.memory_space<hbm>> -> memref<32x256xf32, #tpu.memory_space<hbm>>
        %dma_wait3A_255 = arith.constant 0 : i32
        %dma_wait3A_256 = tpu.memref_slice %arg8[%add3A_252, %dma_wait3A_255] : memref<65536x256xf32, #tpu.memory_space<hbm>> -> memref<32x256xf32, #tpu.memory_space<hbm>>
        tpu.wait_dma2 semaphore(%arg22 : memref<!tpu.dma_semaphore, #tpu.memory_space<semaphore_mem>>) src(%arg15 : memref<32x256xf32, #tpu.memory_space<vmem>>) dst(%dma_wait3A_256 : memref<32x256xf32, #tpu.memory_space<hbm>>)
      } else {
      }
      %mul3A_165 = arith.constant 32 : i32
      %mul3A_166 = arith.muli %mul3A_84, %mul3A_165 : i32
      %scan3A_167 = arith.constant 0 : i32
      %scan3A_168 = arith.constant 0 : i32
      %scan3A_169 = arith.constant 32 : i32
      %scan3A_170 = arith.addi %scan3A_168, %scan3A_169 : i32
      %scan3A_171 = arith.constant 1 : i32
      scf.for %scan3A_248 = %scan3A_168 to %scan3A_170 step %scan3A_171  : i32 {
        %broadcast_in_dim3A = arith.constant 0 : i32
        %broadcast_in_dim3A_249 = vector.broadcast %broadcast_in_dim3A : i32 to vector<16xi32>
        %add3A_250 = arith.addi %mul3A_166, %scan3A_248 : i32
        %add3A_251 = vector.broadcast %add3A_250 : i32 to vector<16xi32>
        %add3A_252 = arith.addi %broadcast_in_dim3A_249, %add3A_251 : vector<16xi32>
        %broadcast_in_dim3A_253 = arith.constant 0 : i32
        %broadcast_in_dim3A_254 = vector.broadcast %broadcast_in_dim3A_253 : i32 to vector<16xi32>
        %gather3A = tpu.vector_load_idx %arg12[%broadcast_in_dim3A_254, %add3A_252] : memref<5x2048xf32, #tpu.memory_space<vmem>>[vector<16xi32>, vector<16xi32>], vector<16xf32>,
        %broadcast_in_dim3A_255 = arith.constant 1 : i32
        %broadcast_in_dim3A_256 = vector.broadcast %broadcast_in_dim3A_255 : i32 to vector<16xi32>
        %gather3A_257 = tpu.vector_load_idx %arg12[%broadcast_in_dim3A_256, %add3A_252] : memref<5x2048xf32, #tpu.memory_space<vmem>>[vector<16xi32>, vector<16xi32>], vector<16xf32>,
        %broadcast_in_dim3A_258 = arith.constant 2 : i32
        %broadcast_in_dim3A_259 = vector.broadcast %broadcast_in_dim3A_258 : i32 to vector<16xi32>
        %gather3A_260 = tpu.vector_load_idx %arg12[%broadcast_in_dim3A_259, %add3A_252] : memref<5x2048xf32, #tpu.memory_space<vmem>>[vector<16xi32>, vector<16xi32>], vector<16xf32>,
        %broadcast_in_dim3A_261 = arith.constant 3 : i32
        %broadcast_in_dim3A_262 = vector.broadcast %broadcast_in_dim3A_261 : i32 to vector<16xi32>
        %gather3A_263 = tpu.vector_load_idx %arg12[%broadcast_in_dim3A_262, %add3A_252] : memref<5x2048xf32, #tpu.memory_space<vmem>>[vector<16xi32>, vector<16xi32>], vector<16xf32>,
        %broadcast_in_dim3A_264 = arith.constant 4 : i32
        %broadcast_in_dim3A_265 = vector.broadcast %broadcast_in_dim3A_264 : i32 to vector<16xi32>
        %gather3A_266 = tpu.vector_load_idx %arg12[%broadcast_in_dim3A_265, %add3A_252] : memref<5x2048xf32, #tpu.memory_space<vmem>>[vector<16xi32>, vector<16xi32>], vector<16xf32>,
        %get3A = arith.index_cast %scan3A_248 : i32 to index
        %get3A_267 = arith.constant 0 : index
        %get3A_268 = tpu.vector_load %arg13[%get3A, %get3A_267] {strides = array<i32>} : memref<128x256xf32, #tpu.memory_space<vmem>>, vector<16xf32>,
        %mul3A_269 = arith.mulf %get3A_268, %gather3A : vector<16xf32>
        %add3A_270 = arith.constant 32 : i32
        %add3A_271 = arith.addi %add3A_270, %scan3A_248 : i32
        %get3A_272 = arith.index_cast %add3A_271 : i32 to index
        %get3A_273 = arith.constant 0 : index
        %get3A_274 = tpu.vector_load %arg13[%get3A_272, %get3A_273] {strides = array<i32>} : memref<128x256xf32, #tpu.memory_space<vmem>>, vector<16xf32>,
        %mul3A_275 = arith.mulf %get3A_274, %gather3A_257 : vector<16xf32>
        %add3A_276 = arith.addf %mul3A_269, %mul3A_275 : vector<16xf32>
        %add3A_277 = arith.constant 64 : i32
        %add3A_278 = arith.addi %add3A_277, %scan3A_248 : i32
        %get3A_279 = arith.index_cast %add3A_278 : i32 to index
        %get3A_280 = arith.constant 0 : index
        %get3A_281 = tpu.vector_load %arg13[%get3A_279, %get3A_280] {strides = array<i32>} : memref<128x256xf32, #tpu.memory_space<vmem>>, vector<16xf32>,
        %mul3A_282 = arith.mulf %get3A_281, %gather3A_260 : vector<16xf32>
        %add3A_283 = arith.addf %add3A_276, %mul3A_282 : vector<16xf32>
        %add3A_284 = arith.constant 96 : i32
        %add3A_285 = arith.addi %add3A_284, %scan3A_248 : i32
        %get3A_286 = arith.index_cast %add3A_285 : i32 to index
        %get3A_287 = arith.constant 0 : index
        %get3A_288 = tpu.vector_load %arg13[%get3A_286, %get3A_287] {strides = array<i32>} : memref<128x256xf32, #tpu.memory_space<vmem>>, vector<16xf32>,
        %mul3A_289 = arith.mulf %get3A_288, %gather3A_263 : vector<16xf32>
        %add3A_290 = arith.addf %add3A_283, %mul3A_289 : vector<16xf32>
        %get3A_291 = arith.constant 0 : index
        %get3A_292 = tpu.vector_load %arg18[%get3A_291] {strides = array<i32>} : memref<256xf32, #tpu.memory_space<vmem>>, vector<16xf32>,
        %mul3A_293 = arith.mulf %gather3A_266, %get3A_292 : vector<16xf32>
        %add3A_294 = arith.addf %add3A_290, %mul3A_293 : vector<16xf32>
        %get3A_295 = arith.constant 0 : index
        %get3A_296 = tpu.vector_load %arg19[%get3A_295] {strides = array<i32>} : memref<256xf32, #tpu.memory_space<vmem>>, vector<16xf32>,
        %add3A_297 = arith.addf %add3A_294, %get3A_296 : vector<16xf32>
        %max3A = arith.constant 0.000000e+00 : f32
        %max3A_298 = vector.broadcast %max3A : f32 to vector<16xf32>
        %max3A_299 = arith.maximumf %add3A_297, %max3A_298 : vector<16xf32>
        %swap3A = arith.index_cast %scan3A_248 : i32 to index
        %swap3A_300 = arith.constant 0 : index
        %swap3A_301 = tpu.vector_load %arg15[%swap3A, %swap3A_300] {strides = array<i32>} : memref<32x256xf32, #tpu.memory_space<vmem>>, vector<16xf32>,
        tpu.vector_store %arg15[%swap3A, %swap3A_300], %max3A_299 {strides = array<i32>} : memref<32x256xf32, #tpu.memory_space<vmem>>, vector<16xf32>,
        %get3A_302 = arith.index_cast %scan3A_248 : i32 to index
        %get3A_303 = arith.constant 16 : index
        %get3A_304 = tpu.vector_load %arg13[%get3A_302, %get3A_303] {strides = array<i32>} : memref<128x256xf32, #tpu.memory_space<vmem>>, vector<16xf32>,
        %mul3A_305 = arith.mulf %get3A_304, %gather3A : vector<16xf32>
        %add3A_306 = arith.constant 32 : i32
        %add3A_307 = arith.addi %add3A_306, %scan3A_248 : i32
        %get3A_308 = arith.index_cast %add3A_307 : i32 to index
        %get3A_309 = arith.constant 16 : index
        %get3A_310 = tpu.vector_load %arg13[%get3A_308, %get3A_309] {strides = array<i32>} : memref<128x256xf32, #tpu.memory_space<vmem>>, vector<16xf32>,
        %mul3A_311 = arith.mulf %get3A_310, %gather3A_257 : vector<16xf32>
        %add3A_312 = arith.addf %mul3A_305, %mul3A_311 : vector<16xf32>
        %add3A_313 = arith.constant 64 : i32
        %add3A_314 = arith.addi %add3A_313, %scan3A_248 : i32
        %get3A_315 = arith.index_cast %add3A_314 : i32 to index
        %get3A_316 = arith.constant 16 : index
        %get3A_317 = tpu.vector_load %arg13[%get3A_315, %get3A_316] {strides = array<i32>} : memref<128x256xf32, #tpu.memory_space<vmem>>, vector<16xf32>,
        %mul3A_318 = arith.mulf %get3A_317, %gather3A_260 : vector<16xf32>
        %add3A_319 = arith.addf %add3A_312, %mul3A_318 : vector<16xf32>
        %add3A_320 = arith.constant 96 : i32
        %add3A_321 = arith.addi %add3A_320, %scan3A_248 : i32
        %get3A_322 = arith.index_cast %add3A_321 : i32 to index
        %get3A_323 = arith.constant 16 : index
        %get3A_324 = tpu.vector_load %arg13[%get3A_322, %get3A_323] {strides = array<i32>} : memref<128x256xf32, #tpu.memory_space<vmem>>, vector<16xf32>,
        %mul3A_325 = arith.mulf %get3A_324, %gather3A_263 : vector<16xf32>
        %add3A_326 = arith.addf %add3A_319, %mul3A_325 : vector<16xf32>
        %get3A_327 = arith.constant 16 : index
        %get3A_328 = tpu.vector_load %arg18[%get3A_327] {strides = array<i32>} : memref<256xf32, #tpu.memory_space<vmem>>, vector<16xf32>,
        %mul3A_329 = arith.mulf %gather3A_266, %get3A_328 : vector<16xf32>
        %add3A_330 = arith.addf %add3A_326, %mul3A_329 : vector<16xf32>
        %get3A_331 = arith.constant 16 : index
        %get3A_332 = tpu.vector_load %arg19[%get3A_331] {strides = array<i32>} : memref<256xf32, #tpu.memory_space<vmem>>, vector<16xf32>,
        %add3A_333 = arith.addf %add3A_330, %get3A_332 : vector<16xf32>
        %max3A_334 = arith.constant 0.000000e+00 : f32
        %max3A_335 = vector.broadcast %max3A_334 : f32 to vector<16xf32>
        %max3A_336 = arith.maximumf %add3A_333, %max3A_335 : vector<16xf32>
        %swap3A_337 = arith.index_cast %scan3A_248 : i32 to index
        %swap3A_338 = arith.constant 16 : index
        %swap3A_339 = tpu.vector_load %arg15[%swap3A_337, %swap3A_338] {strides = array<i32>} : memref<32x256xf32, #tpu.memory_space<vmem>>, vector<16xf32>,
        tpu.vector_store %arg15[%swap3A_337, %swap3A_338], %max3A_336 {strides = array<i32>} : memref<32x256xf32, #tpu.memory_space<vmem>>, vector<16xf32>,
        %get3A_340 = arith.index_cast %scan3A_248 : i32 to index
        %get3A_341 = arith.constant 32 : index
        %get3A_342 = tpu.vector_load %arg13[%get3A_340, %get3A_341] {strides = array<i32>} : memref<128x256xf32, #tpu.memory_space<vmem>>, vector<16xf32>,
        %mul3A_343 = arith.mulf %get3A_342, %gather3A : vector<16xf32>
        %add3A_344 = arith.constant 32 : i32
        %add3A_345 = arith.addi %add3A_344, %scan3A_248 : i32
        %get3A_346 = arith.index_cast %add3A_345 : i32 to index
        %get3A_347 = arith.constant 32 : index
        %get3A_348 = tpu.vector_load %arg13[%get3A_346, %get3A_347] {strides = array<i32>} : memref<128x256xf32, #tpu.memory_space<vmem>>, vector<16xf32>,
        %mul3A_349 = arith.mulf %get3A_348, %gather3A_257 : vector<16xf32>
        %add3A_350 = arith.addf %mul3A_343, %mul3A_349 : vector<16xf32>
        %add3A_351 = arith.constant 64 : i32
        %add3A_352 = arith.addi %add3A_351, %scan3A_248 : i32
        %get3A_353 = arith.index_cast %add3A_352 : i32 to index
        %get3A_354 = arith.constant 32 : index
        %get3A_355 = tpu.vector_load %arg13[%get3A_353, %get3A_354] {strides = array<i32>} : memref<128x256xf32, #tpu.memory_space<vmem>>, vector<16xf32>,
        %mul3A_356 = arith.mulf %get3A_355, %gather3A_260 : vector<16xf32>
        %add3A_357 = arith.addf %add3A_350, %mul3A_356 : vector<16xf32>
        %add3A_358 = arith.constant 96 : i32
        %add3A_359 = arith.addi %add3A_358, %scan3A_248 : i32
        %get3A_360 = arith.index_cast %add3A_359 : i32 to index
        %get3A_361 = arith.constant 32 : index
        %get3A_362 = tpu.vector_load %arg13[%get3A_360, %get3A_361] {strides = array<i32>} : memref<128x256xf32, #tpu.memory_space<vmem>>, vector<16xf32>,
        %mul3A_363 = arith.mulf %get3A_362, %gather3A_263 : vector<16xf32>
        %add3A_364 = arith.addf %add3A_357, %mul3A_363 : vector<16xf32>
        %get3A_365 = arith.constant 32 : index
        %get3A_366 = tpu.vector_load %arg18[%get3A_365] {strides = array<i32>} : memref<256xf32, #tpu.memory_space<vmem>>, vector<16xf32>,
        %mul3A_367 = arith.mulf %gather3A_266, %get3A_366 : vector<16xf32>
        %add3A_368 = arith.addf %add3A_364, %mul3A_367 : vector<16xf32>
        %get3A_369 = arith.constant 32 : index
        %get3A_370 = tpu.vector_load %arg19[%get3A_369] {strides = array<i32>} : memref<256xf32, #tpu.memory_space<vmem>>, vector<16xf32>,
        %add3A_371 = arith.addf %add3A_368, %get3A_370 : vector<16xf32>
        %max3A_372 = arith.constant 0.000000e+00 : f32
        %max3A_373 = vector.broadcast %max3A_372 : f32 to vector<16xf32>
        %max3A_374 = arith.maximumf %add3A_371, %max3A_373 : vector<16xf32>
        %swap3A_375 = arith.index_cast %scan3A_248 : i32 to index
        %swap3A_376 = arith.constant 32 : index
        %swap3A_377 = tpu.vector_load %arg15[%swap3A_375, %swap3A_376] {strides = array<i32>} : memref<32x256xf32, #tpu.memory_space<vmem>>, vector<16xf32>,
        tpu.vector_store %arg15[%swap3A_375, %swap3A_376], %max3A_374 {strides = array<i32>} : memref<32x256xf32, #tpu.memory_space<vmem>>, vector<16xf32>,
        %get3A_378 = arith.index_cast %scan3A_248 : i32 to index
        %get3A_379 = arith.constant 48 : index
        %get3A_380 = tpu.vector_load %arg13[%get3A_378, %get3A_379] {strides = array<i32>} : memref<128x256xf32, #tpu.memory_space<vmem>>, vector<16xf32>,
        %mul3A_381 = arith.mulf %get3A_380, %gather3A : vector<16xf32>
        %add3A_382 = arith.constant 32 : i32
        %add3A_383 = arith.addi %add3A_382, %scan3A_248 : i32
        %get3A_384 = arith.index_cast %add3A_383 : i32 to index
        %get3A_385 = arith.constant 48 : index
        %get3A_386 = tpu.vector_load %arg13[%get3A_384, %get3A_385] {strides = array<i32>} : memref<128x256xf32, #tpu.memory_space<vmem>>, vector<16xf32>,
        %mul3A_387 = arith.mulf %get3A_386, %gather3A_257 : vector<16xf32>
        %add3A_388 = arith.addf %mul3A_381, %mul3A_387 : vector<16xf32>
        %add3A_389 = arith.constant 64 : i32
        %add3A_390 = arith.addi %add3A_389, %scan3A_248 : i32
        %get3A_391 = arith.index_cast %add3A_390 : i32 to index
        %get3A_392 = arith.constant 48 : index
        %get3A_393 = tpu.vector_load %arg13[%get3A_391, %get3A_392] {strides = array<i32>} : memref<128x256xf32, #tpu.memory_space<vmem>>, vector<16xf32>,
        %mul3A_394 = arith.mulf %get3A_393, %gather3A_260 : vector<16xf32>
        %add3A_395 = arith.addf %add3A_388, %mul3A_394 : vector<16xf32>
        %add3A_396 = arith.constant 96 : i32
        %add3A_397 = arith.addi %add3A_396, %scan3A_248 : i32
        %get3A_398 = arith.index_cast %add3A_397 : i32 to index
        %get3A_399 = arith.constant 48 : index
        %get3A_400 = tpu.vector_load %arg13[%get3A_398, %get3A_399] {strides = array<i32>} : memref<128x256xf32, #tpu.memory_space<vmem>>, vector<16xf32>,
        %mul3A_401 = arith.mulf %get3A_400, %gather3A_263 : vector<16xf32>
        %add3A_402 = arith.addf %add3A_395, %mul3A_401 : vector<16xf32>
        %get3A_403 = arith.constant 48 : index
        %get3A_404 = tpu.vector_load %arg18[%get3A_403] {strides = array<i32>} : memref<256xf32, #tpu.memory_space<vmem>>, vector<16xf32>,
        %mul3A_405 = arith.mulf %gather3A_266, %get3A_404 : vector<16xf32>
        %add3A_406 = arith.addf %add3A_402, %mul3A_405 : vector<16xf32>
        %get3A_407 = arith.constant 48 : index
        %get3A_408 = tpu.vector_load %arg19[%get3A_407] {strides = array<i32>} : memref<256xf32, #tpu.memory_space<vmem>>, vector<16xf32>,
        %add3A_409 = arith.addf %add3A_406, %get3A_408 : vector<16xf32>
        %max3A_410 = arith.constant 0.000000e+00 : f32
        %max3A_411 = vector.broadcast %max3A_410 : f32 to vector<16xf32>
        %max3A_412 = arith.maximumf %add3A_409, %max3A_411 : vector<16xf32>
        %swap3A_413 = arith.index_cast %scan3A_248 : i32 to index
        %swap3A_414 = arith.constant 48 : index
        %swap3A_415 = tpu.vector_load %arg15[%swap3A_413, %swap3A_414] {strides = array<i32>} : memref<32x256xf32, #tpu.memory_space<vmem>>, vector<16xf32>,
        tpu.vector_store %arg15[%swap3A_413, %swap3A_414], %max3A_412 {strides = array<i32>} : memref<32x256xf32, #tpu.memory_space<vmem>>, vector<16xf32>,
        %get3A_416 = arith.index_cast %scan3A_248 : i32 to index
        %get3A_417 = arith.constant 64 : index
        %get3A_418 = tpu.vector_load %arg13[%get3A_416, %get3A_417] {strides = array<i32>} : memref<128x256xf32, #tpu.memory_space<vmem>>, vector<16xf32>,
        %mul3A_419 = arith.mulf %get3A_418, %gather3A : vector<16xf32>
        %add3A_420 = arith.constant 32 : i32
        %add3A_421 = arith.addi %add3A_420, %scan3A_248 : i32
        %get3A_422 = arith.index_cast %add3A_421 : i32 to index
        %get3A_423 = arith.constant 64 : index
        %get3A_424 = tpu.vector_load %arg13[%get3A_422, %get3A_423] {strides = array<i32>} : memref<128x256xf32, #tpu.memory_space<vmem>>, vector<16xf32>,
        %mul3A_425 = arith.mulf %get3A_424, %gather3A_257 : vector<16xf32>
        %add3A_426 = arith.addf %mul3A_419, %mul3A_425 : vector<16xf32>
        %add3A_427 = arith.constant 64 : i32
        %add3A_428 = arith.addi %add3A_427, %scan3A_248 : i32
        %get3A_429 = arith.index_cast %add3A_428 : i32 to index
        %get3A_430 = arith.constant 64 : index
        %get3A_431 = tpu.vector_load %arg13[%get3A_429, %get3A_430] {strides = array<i32>} : memref<128x256xf32, #tpu.memory_space<vmem>>, vector<16xf32>,
        %mul3A_432 = arith.mulf %get3A_431, %gather3A_260 : vector<16xf32>
        %add3A_433 = arith.addf %add3A_426, %mul3A_432 : vector<16xf32>
        %add3A_434 = arith.constant 96 : i32
        %add3A_435 = arith.addi %add3A_434, %scan3A_248 : i32
        %get3A_436 = arith.index_cast %add3A_435 : i32 to index
        %get3A_437 = arith.constant 64 : index
        %get3A_438 = tpu.vector_load %arg13[%get3A_436, %get3A_437] {strides = array<i32>} : memref<128x256xf32, #tpu.memory_space<vmem>>, vector<16xf32>,
        %mul3A_439 = arith.mulf %get3A_438, %gather3A_263 : vector<16xf32>
        %add3A_440 = arith.addf %add3A_433, %mul3A_439 : vector<16xf32>
        %get3A_441 = arith.constant 64 : index
        %get3A_442 = tpu.vector_load %arg18[%get3A_441] {strides = array<i32>} : memref<256xf32, #tpu.memory_space<vmem>>, vector<16xf32>,
        %mul3A_443 = arith.mulf %gather3A_266, %get3A_442 : vector<16xf32>
        %add3A_444 = arith.addf %add3A_440, %mul3A_443 : vector<16xf32>
        %get3A_445 = arith.constant 64 : index
        %get3A_446 = tpu.vector_load %arg19[%get3A_445] {strides = array<i32>} : memref<256xf32, #tpu.memory_space<vmem>>, vector<16xf32>,
        %add3A_447 = arith.addf %add3A_444, %get3A_446 : vector<16xf32>
        %max3A_448 = arith.constant 0.000000e+00 : f32
        %max3A_449 = vector.broadcast %max3A_448 : f32 to vector<16xf32>
        %max3A_450 = arith.maximumf %add3A_447, %max3A_449 : vector<16xf32>
        %swap3A_451 = arith.index_cast %scan3A_248 : i32 to index
        %swap3A_452 = arith.constant 64 : index
        %swap3A_453 = tpu.vector_load %arg15[%swap3A_451, %swap3A_452] {strides = array<i32>} : memref<32x256xf32, #tpu.memory_space<vmem>>, vector<16xf32>,
        tpu.vector_store %arg15[%swap3A_451, %swap3A_452], %max3A_450 {strides = array<i32>} : memref<32x256xf32, #tpu.memory_space<vmem>>, vector<16xf32>,
        %get3A_454 = arith.index_cast %scan3A_248 : i32 to index
        %get3A_455 = arith.constant 80 : index
        %get3A_456 = tpu.vector_load %arg13[%get3A_454, %get3A_455] {strides = array<i32>} : memref<128x256xf32, #tpu.memory_space<vmem>>, vector<16xf32>,
        %mul3A_457 = arith.mulf %get3A_456, %gather3A : vector<16xf32>
        %add3A_458 = arith.constant 32 : i32
        %add3A_459 = arith.addi %add3A_458, %scan3A_248 : i32
        %get3A_460 = arith.index_cast %add3A_459 : i32 to index
        %get3A_461 = arith.constant 80 : index
        %get3A_462 = tpu.vector_load %arg13[%get3A_460, %get3A_461] {strides = array<i32>} : memref<128x256xf32, #tpu.memory_space<vmem>>, vector<16xf32>,
        %mul3A_463 = arith.mulf %get3A_462, %gather3A_257 : vector<16xf32>
        %add3A_464 = arith.addf %mul3A_457, %mul3A_463 : vector<16xf32>
        %add3A_465 = arith.constant 64 : i32
        %add3A_466 = arith.addi %add3A_465, %scan3A_248 : i32
        %get3A_467 = arith.index_cast %add3A_466 : i32 to index
        %get3A_468 = arith.constant 80 : index
        %get3A_469 = tpu.vector_load %arg13[%get3A_467, %get3A_468] {strides = array<i32>} : memref<128x256xf32, #tpu.memory_space<vmem>>, vector<16xf32>,
        %mul3A_470 = arith.mulf %get3A_469, %gather3A_260 : vector<16xf32>
        %add3A_471 = arith.addf %add3A_464, %mul3A_470 : vector<16xf32>
        %add3A_472 = arith.constant 96 : i32
        %add3A_473 = arith.addi %add3A_472, %scan3A_248 : i32
        %get3A_474 = arith.index_cast %add3A_473 : i32 to index
        %get3A_475 = arith.constant 80 : index
        %get3A_476 = tpu.vector_load %arg13[%get3A_474, %get3A_475] {strides = array<i32>} : memref<128x256xf32, #tpu.memory_space<vmem>>, vector<16xf32>,
        %mul3A_477 = arith.mulf %get3A_476, %gather3A_263 : vector<16xf32>
        %add3A_478 = arith.addf %add3A_471, %mul3A_477 : vector<16xf32>
        %get3A_479 = arith.constant 80 : index
        %get3A_480 = tpu.vector_load %arg18[%get3A_479] {strides = array<i32>} : memref<256xf32, #tpu.memory_space<vmem>>, vector<16xf32>,
        %mul3A_481 = arith.mulf %gather3A_266, %get3A_480 : vector<16xf32>
        %add3A_482 = arith.addf %add3A_478, %mul3A_481 : vector<16xf32>
        %get3A_483 = arith.constant 80 : index
        %get3A_484 = tpu.vector_load %arg19[%get3A_483] {strides = array<i32>} : memref<256xf32, #tpu.memory_space<vmem>>, vector<16xf32>,
        %add3A_485 = arith.addf %add3A_482, %get3A_484 : vector<16xf32>
        %max3A_486 = arith.constant 0.000000e+00 : f32
        %max3A_487 = vector.broadcast %max3A_486 : f32 to vector<16xf32>
        %max3A_488 = arith.maximumf %add3A_485, %max3A_487 : vector<16xf32>
        %swap3A_489 = arith.index_cast %scan3A_248 : i32 to index
        %swap3A_490 = arith.constant 80 : index
        %swap3A_491 = tpu.vector_load %arg15[%swap3A_489, %swap3A_490] {strides = array<i32>} : memref<32x256xf32, #tpu.memory_space<vmem>>, vector<16xf32>,
        tpu.vector_store %arg15[%swap3A_489, %swap3A_490], %max3A_488 {strides = array<i32>} : memref<32x256xf32, #tpu.memory_space<vmem>>, vector<16xf32>,
        %get3A_492 = arith.index_cast %scan3A_248 : i32 to index
        %get3A_493 = arith.constant 96 : index
        %get3A_494 = tpu.vector_load %arg13[%get3A_492, %get3A_493] {strides = array<i32>} : memref<128x256xf32, #tpu.memory_space<vmem>>, vector<16xf32>,
        %mul3A_495 = arith.mulf %get3A_494, %gather3A : vector<16xf32>
        %add3A_496 = arith.constant 32 : i32
        %add3A_497 = arith.addi %add3A_496, %scan3A_248 : i32
        %get3A_498 = arith.index_cast %add3A_497 : i32 to index
        %get3A_499 = arith.constant 96 : index
        %get3A_500 = tpu.vector_load %arg13[%get3A_498, %get3A_499] {strides = array<i32>} : memref<128x256xf32, #tpu.memory_space<vmem>>, vector<16xf32>,
        %mul3A_501 = arith.mulf %get3A_500, %gather3A_257 : vector<16xf32>
        %add3A_502 = arith.addf %mul3A_495, %mul3A_501 : vector<16xf32>
        %add3A_503 = arith.constant 64 : i32
        %add3A_504 = arith.addi %add3A_503, %scan3A_248 : i32
        %get3A_505 = arith.index_cast %add3A_504 : i32 to index
        %get3A_506 = arith.constant 96 : index
        %get3A_507 = tpu.vector_load %arg13[%get3A_505, %get3A_506] {strides = array<i32>} : memref<128x256xf32, #tpu.memory_space<vmem>>, vector<16xf32>,
        %mul3A_508 = arith.mulf %get3A_507, %gather3A_260 : vector<16xf32>
        %add3A_509 = arith.addf %add3A_502, %mul3A_508 : vector<16xf32>
        %add3A_510 = arith.constant 96 : i32
        %add3A_511 = arith.addi %add3A_510, %scan3A_248 : i32
        %get3A_512 = arith.index_cast %add3A_511 : i32 to index
        %get3A_513 = arith.constant 96 : index
        %get3A_514 = tpu.vector_load %arg13[%get3A_512, %get3A_513] {strides = array<i32>} : memref<128x256xf32, #tpu.memory_space<vmem>>, vector<16xf32>,
        %mul3A_515 = arith.mulf %get3A_514, %gather3A_263 : vector<16xf32>
        %add3A_516 = arith.addf %add3A_509, %mul3A_515 : vector<16xf32>
        %get3A_517 = arith.constant 96 : index
        %get3A_518 = tpu.vector_load %arg18[%get3A_517] {strides = array<i32>} : memref<256xf32, #tpu.memory_space<vmem>>, vector<16xf32>,
        %mul3A_519 = arith.mulf %gather3A_266, %get3A_518 : vector<16xf32>
        %add3A_520 = arith.addf %add3A_516, %mul3A_519 : vector<16xf32>
        %get3A_521 = arith.constant 96 : index
        %get3A_522 = tpu.vector_load %arg19[%get3A_521] {strides = array<i32>} : memref<256xf32, #tpu.memory_space<vmem>>, vector<16xf32>,
        %add3A_523 = arith.addf %add3A_520, %get3A_522 : vector<16xf32>
        %max3A_524 = arith.constant 0.000000e+00 : f32
        %max3A_525 = vector.broadcast %max3A_524 : f32 to vector<16xf32>
        %max3A_526 = arith.maximumf %add3A_523, %max3A_525 : vector<16xf32>
        %swap3A_527 = arith.index_cast %scan3A_248 : i32 to index
        %swap3A_528 = arith.constant 96 : index
        %swap3A_529 = tpu.vector_load %arg15[%swap3A_527, %swap3A_528] {strides = array<i32>} : memref<32x256xf32, #tpu.memory_space<vmem>>, vector<16xf32>,
        tpu.vector_store %arg15[%swap3A_527, %swap3A_528], %max3A_526 {strides = array<i32>} : memref<32x256xf32, #tpu.memory_space<vmem>>, vector<16xf32>,
        %get3A_530 = arith.index_cast %scan3A_248 : i32 to index
        %get3A_531 = arith.constant 112 : index
        %get3A_532 = tpu.vector_load %arg13[%get3A_530, %get3A_531] {strides = array<i32>} : memref<128x256xf32, #tpu.memory_space<vmem>>, vector<16xf32>,
        %mul3A_533 = arith.mulf %get3A_532, %gather3A : vector<16xf32>
        %add3A_534 = arith.constant 32 : i32
        %add3A_535 = arith.addi %add3A_534, %scan3A_248 : i32
        %get3A_536 = arith.index_cast %add3A_535 : i32 to index
        %get3A_537 = arith.constant 112 : index
        %get3A_538 = tpu.vector_load %arg13[%get3A_536, %get3A_537] {strides = array<i32>} : memref<128x256xf32, #tpu.memory_space<vmem>>, vector<16xf32>,
        %mul3A_539 = arith.mulf %get3A_538, %gather3A_257 : vector<16xf32>
        %add3A_540 = arith.addf %mul3A_533, %mul3A_539 : vector<16xf32>
        %add3A_541 = arith.constant 64 : i32
        %add3A_542 = arith.addi %add3A_541, %scan3A_248 : i32
        %get3A_543 = arith.index_cast %add3A_542 : i32 to index
        %get3A_544 = arith.constant 112 : index
        %get3A_545 = tpu.vector_load %arg13[%get3A_543, %get3A_544] {strides = array<i32>} : memref<128x256xf32, #tpu.memory_space<vmem>>, vector<16xf32>,
        %mul3A_546 = arith.mulf %get3A_545, %gather3A_260 : vector<16xf32>
        %add3A_547 = arith.addf %add3A_540, %mul3A_546 : vector<16xf32>
        %add3A_548 = arith.constant 96 : i32
        %add3A_549 = arith.addi %add3A_548, %scan3A_248 : i32
        %get3A_550 = arith.index_cast %add3A_549 : i32 to index
        %get3A_551 = arith.constant 112 : index
        %get3A_552 = tpu.vector_load %arg13[%get3A_550, %get3A_551] {strides = array<i32>} : memref<128x256xf32, #tpu.memory_space<vmem>>, vector<16xf32>,
        %mul3A_553 = arith.mulf %get3A_552, %gather3A_263 : vector<16xf32>
        %add3A_554 = arith.addf %add3A_547, %mul3A_553 : vector<16xf32>
        %get3A_555 = arith.constant 112 : index
        %get3A_556 = tpu.vector_load %arg18[%get3A_555] {strides = array<i32>} : memref<256xf32, #tpu.memory_space<vmem>>, vector<16xf32>,
        %mul3A_557 = arith.mulf %gather3A_266, %get3A_556 : vector<16xf32>
        %add3A_558 = arith.addf %add3A_554, %mul3A_557 : vector<16xf32>
        %get3A_559 = arith.constant 112 : index
        %get3A_560 = tpu.vector_load %arg19[%get3A_559] {strides = array<i32>} : memref<256xf32, #tpu.memory_space<vmem>>, vector<16xf32>,
        %add3A_561 = arith.addf %add3A_558, %get3A_560 : vector<16xf32>
        %max3A_562 = arith.constant 0.000000e+00 : f32
        %max3A_563 = vector.broadcast %max3A_562 : f32 to vector<16xf32>
        %max3A_564 = arith.maximumf %add3A_561, %max3A_563 : vector<16xf32>
        %swap3A_565 = arith.index_cast %scan3A_248 : i32 to index
        %swap3A_566 = arith.constant 112 : index
        %swap3A_567 = tpu.vector_load %arg15[%swap3A_565, %swap3A_566] {strides = array<i32>} : memref<32x256xf32, #tpu.memory_space<vmem>>, vector<16xf32>,
        tpu.vector_store %arg15[%swap3A_565, %swap3A_566], %max3A_564 {strides = array<i32>} : memref<32x256xf32, #tpu.memory_space<vmem>>, vector<16xf32>,
        %get3A_568 = arith.index_cast %scan3A_248 : i32 to index
        %get3A_569 = arith.constant 128 : index
        %get3A_570 = tpu.vector_load %arg13[%get3A_568, %get3A_569] {strides = array<i32>} : memref<128x256xf32, #tpu.memory_space<vmem>>, vector<16xf32>,
        %mul3A_571 = arith.mulf %get3A_570, %gather3A : vector<16xf32>
        %add3A_572 = arith.constant 32 : i32
        %add3A_573 = arith.addi %add3A_572, %scan3A_248 : i32
        %get3A_574 = arith.index_cast %add3A_573 : i32 to index
        %get3A_575 = arith.constant 128 : index
        %get3A_576 = tpu.vector_load %arg13[%get3A_574, %get3A_575] {strides = array<i32>} : memref<128x256xf32, #tpu.memory_space<vmem>>, vector<16xf32>,
        %mul3A_577 = arith.mulf %get3A_576, %gather3A_257 : vector<16xf32>
        %add3A_578 = arith.addf %mul3A_571, %mul3A_577 : vector<16xf32>
        %add3A_579 = arith.constant 64 : i32
        %add3A_580 = arith.addi %add3A_579, %scan3A_248 : i32
        %get3A_581 = arith.index_cast %add3A_580 : i32 to index
        %get3A_582 = arith.constant 128 : index
        %get3A_583 = tpu.vector_load %arg13[%get3A_581, %get3A_582] {strides = array<i32>} : memref<128x256xf32, #tpu.memory_space<vmem>>, vector<16xf32>,
        %mul3A_584 = arith.mulf %get3A_583, %gather3A_260 : vector<16xf32>
        %add3A_585 = arith.addf %add3A_578, %mul3A_584 : vector<16xf32>
        %add3A_586 = arith.constant 96 : i32
        %add3A_587 = arith.addi %add3A_586, %scan3A_248 : i32
        %get3A_588 = arith.index_cast %add3A_587 : i32 to index
        %get3A_589 = arith.constant 128 : index
        %get3A_590 = tpu.vector_load %arg13[%get3A_588, %get3A_589] {strides = array<i32>} : memref<128x256xf32, #tpu.memory_space<vmem>>, vector<16xf32>,
        %mul3A_591 = arith.mulf %get3A_590, %gather3A_263 : vector<16xf32>
        %add3A_592 = arith.addf %add3A_585, %mul3A_591 : vector<16xf32>
        %get3A_593 = arith.constant 128 : index
        %get3A_594 = tpu.vector_load %arg18[%get3A_593] {strides = array<i32>} : memref<256xf32, #tpu.memory_space<vmem>>, vector<16xf32>,
        %mul3A_595 = arith.mulf %gather3A_266, %get3A_594 : vector<16xf32>
        %add3A_596 = arith.addf %add3A_592, %mul3A_595 : vector<16xf32>
        %get3A_597 = arith.constant 128 : index
        %get3A_598 = tpu.vector_load %arg19[%get3A_597] {strides = array<i32>} : memref<256xf32, #tpu.memory_space<vmem>>, vector<16xf32>,
        %add3A_599 = arith.addf %add3A_596, %get3A_598 : vector<16xf32>
        %max3A_600 = arith.constant 0.000000e+00 : f32
        %max3A_601 = vector.broadcast %max3A_600 : f32 to vector<16xf32>
        %max3A_602 = arith.maximumf %add3A_599, %max3A_601 : vector<16xf32>
        %swap3A_603 = arith.index_cast %scan3A_248 : i32 to index
        %swap3A_604 = arith.constant 128 : index
        %swap3A_605 = tpu.vector_load %arg15[%swap3A_603, %swap3A_604] {strides = array<i32>} : memref<32x256xf32, #tpu.memory_space<vmem>>, vector<16xf32>,
        tpu.vector_store %arg15[%swap3A_603, %swap3A_604], %max3A_602 {strides = array<i32>} : memref<32x256xf32, #tpu.memory_space<vmem>>, vector<16xf32>,
        %get3A_606 = arith.index_cast %scan3A_248 : i32 to index
        %get3A_607 = arith.constant 144 : index
        %get3A_608 = tpu.vector_load %arg13[%get3A_606, %get3A_607] {strides = array<i32>} : memref<128x256xf32, #tpu.memory_space<vmem>>, vector<16xf32>,
        %mul3A_609 = arith.mulf %get3A_608, %gather3A : vector<16xf32>
        %add3A_610 = arith.constant 32 : i32
        %add3A_611 = arith.addi %add3A_610, %scan3A_248 : i32
        %get3A_612 = arith.index_cast %add3A_611 : i32 to index
        %get3A_613 = arith.constant 144 : index
        %get3A_614 = tpu.vector_load %arg13[%get3A_612, %get3A_613] {strides = array<i32>} : memref<128x256xf32, #tpu.memory_space<vmem>>, vector<16xf32>,
        %mul3A_615 = arith.mulf %get3A_614, %gather3A_257 : vector<16xf32>
        %add3A_616 = arith.addf %mul3A_609, %mul3A_615 : vector<16xf32>
        %add3A_617 = arith.constant 64 : i32
        %add3A_618 = arith.addi %add3A_617, %scan3A_248 : i32
        %get3A_619 = arith.index_cast %add3A_618 : i32 to index
        %get3A_620 = arith.constant 144 : index
        %get3A_621 = tpu.vector_load %arg13[%get3A_619, %get3A_620] {strides = array<i32>} : memref<128x256xf32, #tpu.memory_space<vmem>>, vector<16xf32>,
        %mul3A_622 = arith.mulf %get3A_621, %gather3A_260 : vector<16xf32>
        %add3A_623 = arith.addf %add3A_616, %mul3A_622 : vector<16xf32>
        %add3A_624 = arith.constant 96 : i32
        %add3A_625 = arith.addi %add3A_624, %scan3A_248 : i32
        %get3A_626 = arith.index_cast %add3A_625 : i32 to index
        %get3A_627 = arith.constant 144 : index
        %get3A_628 = tpu.vector_load %arg13[%get3A_626, %get3A_627] {strides = array<i32>} : memref<128x256xf32, #tpu.memory_space<vmem>>, vector<16xf32>,
        %mul3A_629 = arith.mulf %get3A_628, %gather3A_263 : vector<16xf32>
        %add3A_630 = arith.addf %add3A_623, %mul3A_629 : vector<16xf32>
        %get3A_631 = arith.constant 144 : index
        %get3A_632 = tpu.vector_load %arg18[%get3A_631] {strides = array<i32>} : memref<256xf32, #tpu.memory_space<vmem>>, vector<16xf32>,
        %mul3A_633 = arith.mulf %gather3A_266, %get3A_632 : vector<16xf32>
        %add3A_634 = arith.addf %add3A_630, %mul3A_633 : vector<16xf32>
        %get3A_635 = arith.constant 144 : index
        %get3A_636 = tpu.vector_load %arg19[%get3A_635] {strides = array<i32>} : memref<256xf32, #tpu.memory_space<vmem>>, vector<16xf32>,
        %add3A_637 = arith.addf %add3A_634, %get3A_636 : vector<16xf32>
        %max3A_638 = arith.constant 0.000000e+00 : f32
        %max3A_639 = vector.broadcast %max3A_638 : f32 to vector<16xf32>
        %max3A_640 = arith.maximumf %add3A_637, %max3A_639 : vector<16xf32>
        %swap3A_641 = arith.index_cast %scan3A_248 : i32 to index
        %swap3A_642 = arith.constant 144 : index
        %swap3A_643 = tpu.vector_load %arg15[%swap3A_641, %swap3A_642] {strides = array<i32>} : memref<32x256xf32, #tpu.memory_space<vmem>>, vector<16xf32>,
        tpu.vector_store %arg15[%swap3A_641, %swap3A_642], %max3A_640 {strides = array<i32>} : memref<32x256xf32, #tpu.memory_space<vmem>>, vector<16xf32>,
        %get3A_644 = arith.index_cast %scan3A_248 : i32 to index
        %get3A_645 = arith.constant 160 : index
        %get3A_646 = tpu.vector_load %arg13[%get3A_644, %get3A_645] {strides = array<i32>} : memref<128x256xf32, #tpu.memory_space<vmem>>, vector<16xf32>,
        %mul3A_647 = arith.mulf %get3A_646, %gather3A : vector<16xf32>
        %add3A_648 = arith.constant 32 : i32
        %add3A_649 = arith.addi %add3A_648, %scan3A_248 : i32
        %get3A_650 = arith.index_cast %add3A_649 : i32 to index
        %get3A_651 = arith.constant 160 : index
        %get3A_652 = tpu.vector_load %arg13[%get3A_650, %get3A_651] {strides = array<i32>} : memref<128x256xf32, #tpu.memory_space<vmem>>, vector<16xf32>,
        %mul3A_653 = arith.mulf %get3A_652, %gather3A_257 : vector<16xf32>
        %add3A_654 = arith.addf %mul3A_647, %mul3A_653 : vector<16xf32>
        %add3A_655 = arith.constant 64 : i32
        %add3A_656 = arith.addi %add3A_655, %scan3A_248 : i32
        %get3A_657 = arith.index_cast %add3A_656 : i32 to index
        %get3A_658 = arith.constant 160 : index
        %get3A_659 = tpu.vector_load %arg13[%get3A_657, %get3A_658] {strides = array<i32>} : memref<128x256xf32, #tpu.memory_space<vmem>>, vector<16xf32>,
        %mul3A_660 = arith.mulf %get3A_659, %gather3A_260 : vector<16xf32>
        %add3A_661 = arith.addf %add3A_654, %mul3A_660 : vector<16xf32>
        %add3A_662 = arith.constant 96 : i32
        %add3A_663 = arith.addi %add3A_662, %scan3A_248 : i32
        %get3A_664 = arith.index_cast %add3A_663 : i32 to index
        %get3A_665 = arith.constant 160 : index
        %get3A_666 = tpu.vector_load %arg13[%get3A_664, %get3A_665] {strides = array<i32>} : memref<128x256xf32, #tpu.memory_space<vmem>>, vector<16xf32>,
        %mul3A_667 = arith.mulf %get3A_666, %gather3A_263 : vector<16xf32>
        %add3A_668 = arith.addf %add3A_661, %mul3A_667 : vector<16xf32>
        %get3A_669 = arith.constant 160 : index
        %get3A_670 = tpu.vector_load %arg18[%get3A_669] {strides = array<i32>} : memref<256xf32, #tpu.memory_space<vmem>>, vector<16xf32>,
        %mul3A_671 = arith.mulf %gather3A_266, %get3A_670 : vector<16xf32>
        %add3A_672 = arith.addf %add3A_668, %mul3A_671 : vector<16xf32>
        %get3A_673 = arith.constant 160 : index
        %get3A_674 = tpu.vector_load %arg19[%get3A_673] {strides = array<i32>} : memref<256xf32, #tpu.memory_space<vmem>>, vector<16xf32>,
        %add3A_675 = arith.addf %add3A_672, %get3A_674 : vector<16xf32>
        %max3A_676 = arith.constant 0.000000e+00 : f32
        %max3A_677 = vector.broadcast %max3A_676 : f32 to vector<16xf32>
        %max3A_678 = arith.maximumf %add3A_675, %max3A_677 : vector<16xf32>
        %swap3A_679 = arith.index_cast %scan3A_248 : i32 to index
        %swap3A_680 = arith.constant 160 : index
        %swap3A_681 = tpu.vector_load %arg15[%swap3A_679, %swap3A_680] {strides = array<i32>} : memref<32x256xf32, #tpu.memory_space<vmem>>, vector<16xf32>,
        tpu.vector_store %arg15[%swap3A_679, %swap3A_680], %max3A_678 {strides = array<i32>} : memref<32x256xf32, #tpu.memory_space<vmem>>, vector<16xf32>,
        %get3A_682 = arith.index_cast %scan3A_248 : i32 to index
        %get3A_683 = arith.constant 176 : index
        %get3A_684 = tpu.vector_load %arg13[%get3A_682, %get3A_683] {strides = array<i32>} : memref<128x256xf32, #tpu.memory_space<vmem>>, vector<16xf32>,
        %mul3A_685 = arith.mulf %get3A_684, %gather3A : vector<16xf32>
        %add3A_686 = arith.constant 32 : i32
        %add3A_687 = arith.addi %add3A_686, %scan3A_248 : i32
        %get3A_688 = arith.index_cast %add3A_687 : i32 to index
        %get3A_689 = arith.constant 176 : index
        %get3A_690 = tpu.vector_load %arg13[%get3A_688, %get3A_689] {strides = array<i32>} : memref<128x256xf32, #tpu.memory_space<vmem>>, vector<16xf32>,
        %mul3A_691 = arith.mulf %get3A_690, %gather3A_257 : vector<16xf32>
        %add3A_692 = arith.addf %mul3A_685, %mul3A_691 : vector<16xf32>
        %add3A_693 = arith.constant 64 : i32
        %add3A_694 = arith.addi %add3A_693, %scan3A_248 : i32
        %get3A_695 = arith.index_cast %add3A_694 : i32 to index
        %get3A_696 = arith.constant 176 : index
        %get3A_697 = tpu.vector_load %arg13[%get3A_695, %get3A_696] {strides = array<i32>} : memref<128x256xf32, #tpu.memory_space<vmem>>, vector<16xf32>,
        %mul3A_698 = arith.mulf %get3A_697, %gather3A_260 : vector<16xf32>
        %add3A_699 = arith.addf %add3A_692, %mul3A_698 : vector<16xf32>
        %add3A_700 = arith.constant 96 : i32
        %add3A_701 = arith.addi %add3A_700, %scan3A_248 : i32
        %get3A_702 = arith.index_cast %add3A_701 : i32 to index
        %get3A_703 = arith.constant 176 : index
        %get3A_704 = tpu.vector_load %arg13[%get3A_702, %get3A_703] {strides = array<i32>} : memref<128x256xf32, #tpu.memory_space<vmem>>, vector<16xf32>,
        %mul3A_705 = arith.mulf %get3A_704, %gather3A_263 : vector<16xf32>
        %add3A_706 = arith.addf %add3A_699, %mul3A_705 : vector<16xf32>
        %get3A_707 = arith.constant 176 : index
        %get3A_708 = tpu.vector_load %arg18[%get3A_707] {strides = array<i32>} : memref<256xf32, #tpu.memory_space<vmem>>, vector<16xf32>,
        %mul3A_709 = arith.mulf %gather3A_266, %get3A_708 : vector<16xf32>
        %add3A_710 = arith.addf %add3A_706, %mul3A_709 : vector<16xf32>
        %get3A_711 = arith.constant 176 : index
        %get3A_712 = tpu.vector_load %arg19[%get3A_711] {strides = array<i32>} : memref<256xf32, #tpu.memory_space<vmem>>, vector<16xf32>,
        %add3A_713 = arith.addf %add3A_710, %get3A_712 : vector<16xf32>
        %max3A_714 = arith.constant 0.000000e+00 : f32
        %max3A_715 = vector.broadcast %max3A_714 : f32 to vector<16xf32>
        %max3A_716 = arith.maximumf %add3A_713, %max3A_715 : vector<16xf32>
        %swap3A_717 = arith.index_cast %scan3A_248 : i32 to index
        %swap3A_718 = arith.constant 176 : index
        %swap3A_719 = tpu.vector_load %arg15[%swap3A_717, %swap3A_718] {strides = array<i32>} : memref<32x256xf32, #tpu.memory_space<vmem>>, vector<16xf32>,
        tpu.vector_store %arg15[%swap3A_717, %swap3A_718], %max3A_716 {strides = array<i32>} : memref<32x256xf32, #tpu.memory_space<vmem>>, vector<16xf32>,
        %get3A_720 = arith.index_cast %scan3A_248 : i32 to index
        %get3A_721 = arith.constant 192 : index
        %get3A_722 = tpu.vector_load %arg13[%get3A_720, %get3A_721] {strides = array<i32>} : memref<128x256xf32, #tpu.memory_space<vmem>>, vector<16xf32>,
        %mul3A_723 = arith.mulf %get3A_722, %gather3A : vector<16xf32>
        %add3A_724 = arith.constant 32 : i32
        %add3A_725 = arith.addi %add3A_724, %scan3A_248 : i32
        %get3A_726 = arith.index_cast %add3A_725 : i32 to index
        %get3A_727 = arith.constant 192 : index
        %get3A_728 = tpu.vector_load %arg13[%get3A_726, %get3A_727] {strides = array<i32>} : memref<128x256xf32, #tpu.memory_space<vmem>>, vector<16xf32>,
        %mul3A_729 = arith.mulf %get3A_728, %gather3A_257 : vector<16xf32>
        %add3A_730 = arith.addf %mul3A_723, %mul3A_729 : vector<16xf32>
        %add3A_731 = arith.constant 64 : i32
        %add3A_732 = arith.addi %add3A_731, %scan3A_248 : i32
        %get3A_733 = arith.index_cast %add3A_732 : i32 to index
        %get3A_734 = arith.constant 192 : index
        %get3A_735 = tpu.vector_load %arg13[%get3A_733, %get3A_734] {strides = array<i32>} : memref<128x256xf32, #tpu.memory_space<vmem>>, vector<16xf32>,
        %mul3A_736 = arith.mulf %get3A_735, %gather3A_260 : vector<16xf32>
        %add3A_737 = arith.addf %add3A_730, %mul3A_736 : vector<16xf32>
        %add3A_738 = arith.constant 96 : i32
        %add3A_739 = arith.addi %add3A_738, %scan3A_248 : i32
        %get3A_740 = arith.index_cast %add3A_739 : i32 to index
        %get3A_741 = arith.constant 192 : index
        %get3A_742 = tpu.vector_load %arg13[%get3A_740, %get3A_741] {strides = array<i32>} : memref<128x256xf32, #tpu.memory_space<vmem>>, vector<16xf32>,
        %mul3A_743 = arith.mulf %get3A_742, %gather3A_263 : vector<16xf32>
        %add3A_744 = arith.addf %add3A_737, %mul3A_743 : vector<16xf32>
        %get3A_745 = arith.constant 192 : index
        %get3A_746 = tpu.vector_load %arg18[%get3A_745] {strides = array<i32>} : memref<256xf32, #tpu.memory_space<vmem>>, vector<16xf32>,
        %mul3A_747 = arith.mulf %gather3A_266, %get3A_746 : vector<16xf32>
        %add3A_748 = arith.addf %add3A_744, %mul3A_747 : vector<16xf32>
        %get3A_749 = arith.constant 192 : index
        %get3A_750 = tpu.vector_load %arg19[%get3A_749] {strides = array<i32>} : memref<256xf32, #tpu.memory_space<vmem>>, vector<16xf32>,
        %add3A_751 = arith.addf %add3A_748, %get3A_750 : vector<16xf32>
        %max3A_752 = arith.constant 0.000000e+00 : f32
        %max3A_753 = vector.broadcast %max3A_752 : f32 to vector<16xf32>
        %max3A_754 = arith.maximumf %add3A_751, %max3A_753 : vector<16xf32>
        %swap3A_755 = arith.index_cast %scan3A_248 : i32 to index
        %swap3A_756 = arith.constant 192 : index
        %swap3A_757 = tpu.vector_load %arg15[%swap3A_755, %swap3A_756] {strides = array<i32>} : memref<32x256xf32, #tpu.memory_space<vmem>>, vector<16xf32>,
        tpu.vector_store %arg15[%swap3A_755, %swap3A_756], %max3A_754 {strides = array<i32>} : memref<32x256xf32, #tpu.memory_space<vmem>>, vector<16xf32>,
        %get3A_758 = arith.index_cast %scan3A_248 : i32 to index
        %get3A_759 = arith.constant 208 : index
        %get3A_760 = tpu.vector_load %arg13[%get3A_758, %get3A_759] {strides = array<i32>} : memref<128x256xf32, #tpu.memory_space<vmem>>, vector<16xf32>,
        %mul3A_761 = arith.mulf %get3A_760, %gather3A : vector<16xf32>
        %add3A_762 = arith.constant 32 : i32
        %add3A_763 = arith.addi %add3A_762, %scan3A_248 : i32
        %get3A_764 = arith.index_cast %add3A_763 : i32 to index
        %get3A_765 = arith.constant 208 : index
        %get3A_766 = tpu.vector_load %arg13[%get3A_764, %get3A_765] {strides = array<i32>} : memref<128x256xf32, #tpu.memory_space<vmem>>, vector<16xf32>,
        %mul3A_767 = arith.mulf %get3A_766, %gather3A_257 : vector<16xf32>
        %add3A_768 = arith.addf %mul3A_761, %mul3A_767 : vector<16xf32>
        %add3A_769 = arith.constant 64 : i32
        %add3A_770 = arith.addi %add3A_769, %scan3A_248 : i32
        %get3A_771 = arith.index_cast %add3A_770 : i32 to index
        %get3A_772 = arith.constant 208 : index
        %get3A_773 = tpu.vector_load %arg13[%get3A_771, %get3A_772] {strides = array<i32>} : memref<128x256xf32, #tpu.memory_space<vmem>>, vector<16xf32>,
        %mul3A_774 = arith.mulf %get3A_773, %gather3A_260 : vector<16xf32>
        %add3A_775 = arith.addf %add3A_768, %mul3A_774 : vector<16xf32>
        %add3A_776 = arith.constant 96 : i32
        %add3A_777 = arith.addi %add3A_776, %scan3A_248 : i32
        %get3A_778 = arith.index_cast %add3A_777 : i32 to index
        %get3A_779 = arith.constant 208 : index
        %get3A_780 = tpu.vector_load %arg13[%get3A_778, %get3A_779] {strides = array<i32>} : memref<128x256xf32, #tpu.memory_space<vmem>>, vector<16xf32>,
        %mul3A_781 = arith.mulf %get3A_780, %gather3A_263 : vector<16xf32>
        %add3A_782 = arith.addf %add3A_775, %mul3A_781 : vector<16xf32>
        %get3A_783 = arith.constant 208 : index
        %get3A_784 = tpu.vector_load %arg18[%get3A_783] {strides = array<i32>} : memref<256xf32, #tpu.memory_space<vmem>>, vector<16xf32>,
        %mul3A_785 = arith.mulf %gather3A_266, %get3A_784 : vector<16xf32>
        %add3A_786 = arith.addf %add3A_782, %mul3A_785 : vector<16xf32>
        %get3A_787 = arith.constant 208 : index
        %get3A_788 = tpu.vector_load %arg19[%get3A_787] {strides = array<i32>} : memref<256xf32, #tpu.memory_space<vmem>>, vector<16xf32>,
        %add3A_789 = arith.addf %add3A_786, %get3A_788 : vector<16xf32>
        %max3A_790 = arith.constant 0.000000e+00 : f32
        %max3A_791 = vector.broadcast %max3A_790 : f32 to vector<16xf32>
        %max3A_792 = arith.maximumf %add3A_789, %max3A_791 : vector<16xf32>
        %swap3A_793 = arith.index_cast %scan3A_248 : i32 to index
        %swap3A_794 = arith.constant 208 : index
        %swap3A_795 = tpu.vector_load %arg15[%swap3A_793, %swap3A_794] {strides = array<i32>} : memref<32x256xf32, #tpu.memory_space<vmem>>, vector<16xf32>,
        tpu.vector_store %arg15[%swap3A_793, %swap3A_794], %max3A_792 {strides = array<i32>} : memref<32x256xf32, #tpu.memory_space<vmem>>, vector<16xf32>,
        %get3A_796 = arith.index_cast %scan3A_248 : i32 to index
        %get3A_797 = arith.constant 224 : index
        %get3A_798 = tpu.vector_load %arg13[%get3A_796, %get3A_797] {strides = array<i32>} : memref<128x256xf32, #tpu.memory_space<vmem>>, vector<16xf32>,
        %mul3A_799 = arith.mulf %get3A_798, %gather3A : vector<16xf32>
        %add3A_800 = arith.constant 32 : i32
        %add3A_801 = arith.addi %add3A_800, %scan3A_248 : i32
        %get3A_802 = arith.index_cast %add3A_801 : i32 to index
        %get3A_803 = arith.constant 224 : index
        %get3A_804 = tpu.vector_load %arg13[%get3A_802, %get3A_803] {strides = array<i32>} : memref<128x256xf32, #tpu.memory_space<vmem>>, vector<16xf32>,
        %mul3A_805 = arith.mulf %get3A_804, %gather3A_257 : vector<16xf32>
        %add3A_806 = arith.addf %mul3A_799, %mul3A_805 : vector<16xf32>
        %add3A_807 = arith.constant 64 : i32
        %add3A_808 = arith.addi %add3A_807, %scan3A_248 : i32
        %get3A_809 = arith.index_cast %add3A_808 : i32 to index
        %get3A_810 = arith.constant 224 : index
        %get3A_811 = tpu.vector_load %arg13[%get3A_809, %get3A_810] {strides = array<i32>} : memref<128x256xf32, #tpu.memory_space<vmem>>, vector<16xf32>,
        %mul3A_812 = arith.mulf %get3A_811, %gather3A_260 : vector<16xf32>
        %add3A_813 = arith.addf %add3A_806, %mul3A_812 : vector<16xf32>
        %add3A_814 = arith.constant 96 : i32
        %add3A_815 = arith.addi %add3A_814, %scan3A_248 : i32
        %get3A_816 = arith.index_cast %add3A_815 : i32 to index
        %get3A_817 = arith.constant 224 : index
        %get3A_818 = tpu.vector_load %arg13[%get3A_816, %get3A_817] {strides = array<i32>} : memref<128x256xf32, #tpu.memory_space<vmem>>, vector<16xf32>,
        %mul3A_819 = arith.mulf %get3A_818, %gather3A_263 : vector<16xf32>
        %add3A_820 = arith.addf %add3A_813, %mul3A_819 : vector<16xf32>
        %get3A_821 = arith.constant 224 : index
        %get3A_822 = tpu.vector_load %arg18[%get3A_821] {strides = array<i32>} : memref<256xf32, #tpu.memory_space<vmem>>, vector<16xf32>,
        %mul3A_823 = arith.mulf %gather3A_266, %get3A_822 : vector<16xf32>
        %add3A_824 = arith.addf %add3A_820, %mul3A_823 : vector<16xf32>
        %get3A_825 = arith.constant 224 : index
        %get3A_826 = tpu.vector_load %arg19[%get3A_825] {strides = array<i32>} : memref<256xf32, #tpu.memory_space<vmem>>, vector<16xf32>,
        %add3A_827 = arith.addf %add3A_824, %get3A_826 : vector<16xf32>
        %max3A_828 = arith.constant 0.000000e+00 : f32
        %max3A_829 = vector.broadcast %max3A_828 : f32 to vector<16xf32>
        %max3A_830 = arith.maximumf %add3A_827, %max3A_829 : vector<16xf32>
        %swap3A_831 = arith.index_cast %scan3A_248 : i32 to index
        %swap3A_832 = arith.constant 224 : index
        %swap3A_833 = tpu.vector_load %arg15[%swap3A_831, %swap3A_832] {strides = array<i32>} : memref<32x256xf32, #tpu.memory_space<vmem>>, vector<16xf32>,
        tpu.vector_store %arg15[%swap3A_831, %swap3A_832], %max3A_830 {strides = array<i32>} : memref<32x256xf32, #tpu.memory_space<vmem>>, vector<16xf32>,
        %get3A_834 = arith.index_cast %scan3A_248 : i32 to index
        %get3A_835 = arith.constant 240 : index
        %get3A_836 = tpu.vector_load %arg13[%get3A_834, %get3A_835] {strides = array<i32>} : memref<128x256xf32, #tpu.memory_space<vmem>>, vector<16xf32>,
        %mul3A_837 = arith.mulf %get3A_836, %gather3A : vector<16xf32>
        %add3A_838 = arith.constant 32 : i32
        %add3A_839 = arith.addi %add3A_838, %scan3A_248 : i32
        %get3A_840 = arith.index_cast %add3A_839 : i32 to index
        %get3A_841 = arith.constant 240 : index
        %get3A_842 = tpu.vector_load %arg13[%get3A_840, %get3A_841] {strides = array<i32>} : memref<128x256xf32, #tpu.memory_space<vmem>>, vector<16xf32>,
        %mul3A_843 = arith.mulf %get3A_842, %gather3A_257 : vector<16xf32>
        %add3A_844 = arith.addf %mul3A_837, %mul3A_843 : vector<16xf32>
        %add3A_845 = arith.constant 64 : i32
        %add3A_846 = arith.addi %add3A_845, %scan3A_248 : i32
        %get3A_847 = arith.index_cast %add3A_846 : i32 to index
        %get3A_848 = arith.constant 240 : index
        %get3A_849 = tpu.vector_load %arg13[%get3A_847, %get3A_848] {strides = array<i32>} : memref<128x256xf32, #tpu.memory_space<vmem>>, vector<16xf32>,
        %mul3A_850 = arith.mulf %get3A_849, %gather3A_260 : vector<16xf32>
        %add3A_851 = arith.addf %add3A_844, %mul3A_850 : vector<16xf32>
        %add3A_852 = arith.constant 96 : i32
        %add3A_853 = arith.addi %add3A_852, %scan3A_248 : i32
        %get3A_854 = arith.index_cast %add3A_853 : i32 to index
        %get3A_855 = arith.constant 240 : index
        %get3A_856 = tpu.vector_load %arg13[%get3A_854, %get3A_855] {strides = array<i32>} : memref<128x256xf32, #tpu.memory_space<vmem>>, vector<16xf32>,
        %mul3A_857 = arith.mulf %get3A_856, %gather3A_263 : vector<16xf32>
        %add3A_858 = arith.addf %add3A_851, %mul3A_857 : vector<16xf32>
        %get3A_859 = arith.constant 240 : index
        %get3A_860 = tpu.vector_load %arg18[%get3A_859] {strides = array<i32>} : memref<256xf32, #tpu.memory_space<vmem>>, vector<16xf32>,
        %mul3A_861 = arith.mulf %gather3A_266, %get3A_860 : vector<16xf32>
        %add3A_862 = arith.addf %add3A_858, %mul3A_861 : vector<16xf32>
        %get3A_863 = arith.constant 240 : index
        %get3A_864 = tpu.vector_load %arg19[%get3A_863] {strides = array<i32>} : memref<256xf32, #tpu.memory_space<vmem>>, vector<16xf32>,
        %add3A_865 = arith.addf %add3A_862, %get3A_864 : vector<16xf32>
        %max3A_866 = arith.constant 0.000000e+00 : f32
        %max3A_867 = vector.broadcast %max3A_866 : f32 to vector<16xf32>
        %max3A_868 = arith.maximumf %add3A_865, %max3A_867 : vector<16xf32>
        %swap3A_869 = arith.index_cast %scan3A_248 : i32 to index
        %swap3A_870 = arith.constant 240 : index
        %swap3A_871 = tpu.vector_load %arg15[%swap3A_869, %swap3A_870] {strides = array<i32>} : memref<32x256xf32, #tpu.memory_space<vmem>>, vector<16xf32>,
        tpu.vector_store %arg15[%swap3A_869, %swap3A_870], %max3A_868 {strides = array<i32>} : memref<32x256xf32, #tpu.memory_space<vmem>>, vector<16xf32>,
      }
      %scan3A_172 = arith.constant 32 : i32
      %mul3A_173 = arith.constant 32 : i32
      %mul3A_174 = arith.muli %mul3A_84, %mul3A_173 : i32
      %add3A_175 = arith.addi %mul3A_18, %mul3A_174 : i32
      %dma_start3A_176 = arith.constant 0 : i32
      %dma_start3A_177 = tpu.memref_slice %arg8[%add3A_175, %dma_start3A_176] : memref<65536x256xf32, #tpu.memory_space<hbm>> -> memref<32x256xf32, #tpu.memory_space<hbm>>
      %dma_start3A_178 = arith.constant 0 : i32
      %dma_start3A_179 = tpu.memref_slice %arg8[%add3A_175, %dma_start3A_178] : memref<65536x256xf32, #tpu.memory_space<hbm>> -> memref<32x256xf32, #tpu.memory_space<hbm>>
      tpu.enqueue_dma source(%arg15 : memref<32x256xf32, #tpu.memory_space<vmem>>) target(%dma_start3A_179 : memref<32x256xf32, #tpu.memory_space<hbm>>) target_semaphore(%arg22 : memref<!tpu.dma_semaphore, #tpu.memory_space<semaphore_mem>>)
      %lt3A = arith.constant 31 : i32
      %lt3A_180 = arith.cmpi slt, %scan3A_82, %lt3A : i32
      %convert_element_type3A_181 = arith.extui %lt3A_180 : i1 to i32
      %cond3A_182 = arith.constant 0 : i32
      %cond3A_183 = arith.cmpi ne, %convert_element_type3A_181, %cond3A_182 : i32
      scf.if %cond3A_183 {
        %add3A_248 = arith.constant 2 : i32
        %add3A_249 = arith.addi %mul3A_84, %add3A_248 : i32
        %mul3A_250 = arith.constant 32 : i32
        %mul3A_251 = arith.muli %add3A_249, %mul3A_250 : i32
        %dma_start3A_252 = arith.constant 0 : i32
        %dma_start3A_253 = arith.constant 0 : i32
        %dma_start3A_254 = arith.constant 0 : i32
        %dma_start3A_255 = tpu.memref_slice %arg13[%dma_start3A_253, %dma_start3A_254] : memref<128x256xf32, #tpu.memory_space<vmem>> -> memref<32x256xf32, #tpu.memory_space<vmem>>
        %dma_start3A_256 = tpu.memref_slice %arg11[%dma_start3A_252, %mul3A_251] : memref<4x2048xi32, #tpu.memory_space<vmem>> -> memref<1x32xi32, #tpu.memory_space<vmem>>
        %dma_start3A_257 = tpu.memref_squeeze %dma_start3A_256 : memref<1x32xi32, #tpu.memory_space<vmem>> -> memref<32xi32, #tpu.memory_space<vmem>>
        %dma_start3A_258 = arith.constant 0 : i32
        %dma_start3A_259 = arith.constant 0 : i32
        %dma_start3A_260 = tpu.memref_slice %arg2[%dma_start3A_258, %dma_start3A_259] : memref<131072x256xf32, #tpu.memory_space<hbm>> -> memref<131072x256xf32, #tpu.memory_space<hbm>>
        tpu.enqueue_indirect_dma source(%dma_start3A_260 : memref<131072x256xf32, #tpu.memory_space<hbm>>) target(%dma_start3A_255 : memref<32x256xf32, #tpu.memory_space<vmem>>) offsets(%dma_start3A_257 : memref<32xi32, #tpu.memory_space<vmem>>) semaphore(%arg20 : memref<!tpu.dma_semaphore, #tpu.memory_space<semaphore_mem>>)
        %dma_start3A_261 = arith.constant 1 : i32
        %dma_start3A_262 = arith.constant 32 : i32
        %dma_start3A_263 = arith.constant 0 : i32
        %dma_start3A_264 = tpu.memref_slice %arg13[%dma_start3A_262, %dma_start3A_263] : memref<128x256xf32, #tpu.memory_space<vmem>> -> memref<32x256xf32, #tpu.memory_space<vmem>>
        %dma_start3A_265 = tpu.memref_slice %arg11[%dma_start3A_261, %mul3A_251] : memref<4x2048xi32, #tpu.memory_space<vmem>> -> memref<1x32xi32, #tpu.memory_space<vmem>>
        %dma_start3A_266 = tpu.memref_squeeze %dma_start3A_265 : memref<1x32xi32, #tpu.memory_space<vmem>> -> memref<32xi32, #tpu.memory_space<vmem>>
        %dma_start3A_267 = arith.constant 0 : i32
        %dma_start3A_268 = arith.constant 0 : i32
        %dma_start3A_269 = tpu.memref_slice %arg2[%dma_start3A_267, %dma_start3A_268] : memref<131072x256xf32, #tpu.memory_space<hbm>> -> memref<131072x256xf32, #tpu.memory_space<hbm>>
        tpu.enqueue_indirect_dma source(%dma_start3A_269 : memref<131072x256xf32, #tpu.memory_space<hbm>>) target(%dma_start3A_264 : memref<32x256xf32, #tpu.memory_space<vmem>>) offsets(%dma_start3A_266 : memref<32xi32, #tpu.memory_space<vmem>>) semaphore(%arg20 : memref<!tpu.dma_semaphore, #tpu.memory_space<semaphore_mem>>)
        %dma_start3A_270 = arith.constant 2 : i32
        %dma_start3A_271 = arith.constant 64 : i32
        %dma_start3A_272 = arith.constant 0 : i32
        %dma_start3A_273 = tpu.memref_slice %arg13[%dma_start3A_271, %dma_start3A_272] : memref<128x256xf32, #tpu.memory_space<vmem>> -> memref<32x256xf32, #tpu.memory_space<vmem>>
        %dma_start3A_274 = tpu.memref_slice %arg11[%dma_start3A_270, %mul3A_251] : memref<4x2048xi32, #tpu.memory_space<vmem>> -> memref<1x32xi32, #tpu.memory_space<vmem>>
        %dma_start3A_275 = tpu.memref_squeeze %dma_start3A_274 : memref<1x32xi32, #tpu.memory_space<vmem>> -> memref<32xi32, #tpu.memory_space<vmem>>
        %dma_start3A_276 = arith.constant 0 : i32
        %dma_start3A_277 = arith.constant 0 : i32
        %dma_start3A_278 = tpu.memref_slice %arg2[%dma_start3A_276, %dma_start3A_277] : memref<131072x256xf32, #tpu.memory_space<hbm>> -> memref<131072x256xf32, #tpu.memory_space<hbm>>
        tpu.enqueue_indirect_dma source(%dma_start3A_278 : memref<131072x256xf32, #tpu.memory_space<hbm>>) target(%dma_start3A_273 : memref<32x256xf32, #tpu.memory_space<vmem>>) offsets(%dma_start3A_275 : memref<32xi32, #tpu.memory_space<vmem>>) semaphore(%arg20 : memref<!tpu.dma_semaphore, #tpu.memory_space<semaphore_mem>>)
        %dma_start3A_279 = arith.constant 3 : i32
        %dma_start3A_280 = arith.constant 96 : i32
        %dma_start3A_281 = arith.constant 0 : i32
        %dma_start3A_282 = tpu.memref_slice %arg13[%dma_start3A_280, %dma_start3A_281] : memref<128x256xf32, #tpu.memory_space<vmem>> -> memref<32x256xf32, #tpu.memory_space<vmem>>
        %dma_start3A_283 = tpu.memref_slice %arg11[%dma_start3A_279, %mul3A_251] : memref<4x2048xi32, #tpu.memory_space<vmem>> -> memref<1x32xi32, #tpu.memory_space<vmem>>
        %dma_start3A_284 = tpu.memref_squeeze %dma_start3A_283 : memref<1x32xi32, #tpu.memory_space<vmem>> -> memref<32xi32, #tpu.memory_space<vmem>>
        %dma_start3A_285 = arith.constant 0 : i32
        %dma_start3A_286 = arith.constant 0 : i32
        %dma_start3A_287 = tpu.memref_slice %arg2[%dma_start3A_285, %dma_start3A_286] : memref<131072x256xf32, #tpu.memory_space<hbm>> -> memref<131072x256xf32, #tpu.memory_space<hbm>>
        tpu.enqueue_indirect_dma source(%dma_start3A_287 : memref<131072x256xf32, #tpu.memory_space<hbm>>) target(%dma_start3A_282 : memref<32x256xf32, #tpu.memory_space<vmem>>) offsets(%dma_start3A_284 : memref<32xi32, #tpu.memory_space<vmem>>) semaphore(%arg20 : memref<!tpu.dma_semaphore, #tpu.memory_space<semaphore_mem>>)
      } else {
      }
      %add3A_184 = arith.constant 1 : i32
      %add3A_185 = arith.addi %mul3A_84, %add3A_184 : i32
      %mul3A_186 = arith.constant 32 : i32
      %mul3A_187 = arith.muli %add3A_185, %mul3A_186 : i32
      %dma_wait3A_188 = arith.constant 0 : i32
      %dma_wait3A_189 = arith.constant 0 : i32
      %dma_wait3A_190 = arith.constant 0 : i32
      %dma_wait3A_191 = tpu.memref_slice %arg14[%dma_wait3A_189, %dma_wait3A_190] : memref<128x256xf32, #tpu.memory_space<vmem>> -> memref<32x256xf32, #tpu.memory_space<vmem>>
      %dma_wait3A_192 = tpu.memref_slice %arg11[%dma_wait3A_188, %mul3A_187] : memref<4x2048xi32, #tpu.memory_space<vmem>> -> memref<1x32xi32, #tpu.memory_space<vmem>>
      %dma_wait3A_193 = tpu.memref_squeeze %dma_wait3A_192 : memref<1x32xi32, #tpu.memory_space<vmem>> -> memref<32xi32, #tpu.memory_space<vmem>>
      %dma_wait3A_194 = arith.constant 0 : i32
      %dma_wait3A_195 = arith.constant 0 : i32
      %dma_wait3A_196 = tpu.memref_slice %arg2[%dma_wait3A_194, %dma_wait3A_195] : memref<131072x256xf32, #tpu.memory_space<hbm>> -> memref<131072x256xf32, #tpu.memory_space<hbm>>
      tpu.wait_indirect_dma semaphore(%arg21 : memref<!tpu.dma_semaphore, #tpu.memory_space<semaphore_mem>>) src(%dma_wait3A_196 : memref<131072x256xf32, #tpu.memory_space<hbm>>) dst(%dma_wait3A_191 : memref<32x256xf32, #tpu.memory_space<vmem>>)
      %dma_wait3A_197 = arith.constant 1 : i32
      %dma_wait3A_198 = arith.constant 32 : i32
      %dma_wait3A_199 = arith.constant 0 : i32
      %dma_wait3A_200 = tpu.memref_slice %arg14[%dma_wait3A_198, %dma_wait3A_199] : memref<128x256xf32, #tpu.memory_space<vmem>> -> memref<32x256xf32, #tpu.memory_space<vmem>>
      %dma_wait3A_201 = tpu.memref_slice %arg11[%dma_wait3A_197, %mul3A_187] : memref<4x2048xi32, #tpu.memory_space<vmem>> -> memref<1x32xi32, #tpu.memory_space<vmem>>
      %dma_wait3A_202 = tpu.memref_squeeze %dma_wait3A_201 : memref<1x32xi32, #tpu.memory_space<vmem>> -> memref<32xi32, #tpu.memory_space<vmem>>
      %dma_wait3A_203 = arith.constant 0 : i32
      %dma_wait3A_204 = arith.constant 0 : i32
      %dma_wait3A_205 = tpu.memref_slice %arg2[%dma_wait3A_203, %dma_wait3A_204] : memref<131072x256xf32, #tpu.memory_space<hbm>> -> memref<131072x256xf32, #tpu.memory_space<hbm>>
      tpu.wait_indirect_dma semaphore(%arg21 : memref<!tpu.dma_semaphore, #tpu.memory_space<semaphore_mem>>) src(%dma_wait3A_205 : memref<131072x256xf32, #tpu.memory_space<hbm>>) dst(%dma_wait3A_200 : memref<32x256xf32, #tpu.memory_space<vmem>>)
      %dma_wait3A_206 = arith.constant 2 : i32
      %dma_wait3A_207 = arith.constant 64 : i32
      %dma_wait3A_208 = arith.constant 0 : i32
      %dma_wait3A_209 = tpu.memref_slice %arg14[%dma_wait3A_207, %dma_wait3A_208] : memref<128x256xf32, #tpu.memory_space<vmem>> -> memref<32x256xf32, #tpu.memory_space<vmem>>
      %dma_wait3A_210 = tpu.memref_slice %arg11[%dma_wait3A_206, %mul3A_187] : memref<4x2048xi32, #tpu.memory_space<vmem>> -> memref<1x32xi32, #tpu.memory_space<vmem>>
      %dma_wait3A_211 = tpu.memref_squeeze %dma_wait3A_210 : memref<1x32xi32, #tpu.memory_space<vmem>> -> memref<32xi32, #tpu.memory_space<vmem>>
      %dma_wait3A_212 = arith.constant 0 : i32
      %dma_wait3A_213 = arith.constant 0 : i32
      %dma_wait3A_214 = tpu.memref_slice %arg2[%dma_wait3A_212, %dma_wait3A_213] : memref<131072x256xf32, #tpu.memory_space<hbm>> -> memref<131072x256xf32, #tpu.memory_space<hbm>>
      tpu.wait_indirect_dma semaphore(%arg21 : memref<!tpu.dma_semaphore, #tpu.memory_space<semaphore_mem>>) src(%dma_wait3A_214 : memref<131072x256xf32, #tpu.memory_space<hbm>>) dst(%dma_wait3A_209 : memref<32x256xf32, #tpu.memory_space<vmem>>)
      %dma_wait3A_215 = arith.constant 3 : i32
      %dma_wait3A_216 = arith.constant 96 : i32
      %dma_wait3A_217 = arith.constant 0 : i32
      %dma_wait3A_218 = tpu.memref_slice %arg14[%dma_wait3A_216, %dma_wait3A_217] : memref<128x256xf32, #tpu.memory_space<vmem>> -> memref<32x256xf32, #tpu.memory_space<vmem>>
      %dma_wait3A_219 = tpu.memref_slice %arg11[%dma_wait3A_215, %mul3A_187] : memref<4x2048xi32, #tpu.memory_space<vmem>> -> memref<1x32xi32, #tpu.memory_space<vmem>>
      %dma_wait3A_220 = tpu.memref_squeeze %dma_wait3A_219 : memref<1x32xi32, #tpu.memory_space<vmem>> -> memref<32xi32, #tpu.memory_space<vmem>>
      %dma_wait3A_221 = arith.constant 0 : i32
      %dma_wait3A_222 = arith.constant 0 : i32
      %dma_wait3A_223 = tpu.memref_slice %arg2[%dma_wait3A_221, %dma_wait3A_222] : memref<131072x256xf32, #tpu.memory_space<hbm>> -> memref<131072x256xf32, #tpu.memory_space<hbm>>
      tpu.wait_indirect_dma semaphore(%arg21 : memref<!tpu.dma_semaphore, #tpu.memory_space<semaphore_mem>>) src(%dma_wait3A_223 : memref<131072x256xf32, #tpu.memory_space<hbm>>) dst(%dma_wait3A_218 : memref<32x256xf32, #tpu.memory_space<vmem>>)
      %gt3A_224 = arith.constant 0 : i32
      %gt3A_225 = arith.cmpi sgt, %scan3A_82, %gt3A_224 : i32
      %convert_element_type3A_226 = arith.extui %gt3A_225 : i1 to i32
      %cond3A_227 = arith.constant 0 : i32
      %cond3A_228 = arith.cmpi ne, %convert_element_type3A_226, %cond3A_227 : i32
      scf.if %cond3A_228 {
        %sub3A_248 = arith.constant 1 : i32
        %sub3A_249 = arith.subi %mul3A_84, %sub3A_248 : i32
        %mul3A_250 = arith.constant 32 : i32
        %mul3A_251 = arith.muli %sub3A_249, %mul3A_250 : i32
        %add3A_252 = arith.addi %mul3A_18, %mul3A_251 : i32
        %dma_wait3A_253 = arith.constant 0 : i32
        %dma_wait3A_254 = tpu.memref_slice %arg8[%add3A_252, %dma_wait3A_253] : memref<65536x256xf32, #tpu.memory_space<hbm>> -> memref<32x256xf32, #tpu.memory_space<hbm>>
        %dma_wait3A_255 = arith.constant 0 : i32
        %dma_wait3A_256 = tpu.memref_slice %arg8[%add3A_252, %dma_wait3A_255] : memref<65536x256xf32, #tpu.memory_space<hbm>> -> memref<32x256xf32, #tpu.memory_space<hbm>>
        tpu.wait_dma2 semaphore(%arg23 : memref<!tpu.dma_semaphore, #tpu.memory_space<semaphore_mem>>) src(%arg16 : memref<32x256xf32, #tpu.memory_space<vmem>>) dst(%dma_wait3A_256 : memref<32x256xf32, #tpu.memory_space<hbm>>)
      } else {
      }
      %add3A_229 = arith.constant 1 : i32
      %add3A_230 = arith.addi %mul3A_84, %add3A_229 : i32
      %mul3A_231 = arith.constant 32 : i32
      %mul3A_232 = arith.muli %add3A_230, %mul3A_231 : i32
      %scan3A_233 = arith.constant 0 : i32
      %scan3A_234 = arith.constant 0 : i32
      %scan3A_235 = arith.constant 32 : i32
      %scan3A_236 = arith.addi %scan3A_234, %scan3A_235 : i32
      %scan3A_237 = arith.constant 1 : i32
      scf.for %scan3A_248 = %scan3A_234 to %scan3A_236 step %scan3A_237  : i32 {
        %broadcast_in_dim3A = arith.constant 0 : i32
        %broadcast_in_dim3A_249 = vector.broadcast %broadcast_in_dim3A : i32 to vector<16xi32>
        %add3A_250 = arith.addi %mul3A_232, %scan3A_248 : i32
        %add3A_251 = vector.broadcast %add3A_250 : i32 to vector<16xi32>
        %add3A_252 = arith.addi %broadcast_in_dim3A_249, %add3A_251 : vector<16xi32>
        %broadcast_in_dim3A_253 = arith.constant 0 : i32
        %broadcast_in_dim3A_254 = vector.broadcast %broadcast_in_dim3A_253 : i32 to vector<16xi32>
        %gather3A = tpu.vector_load_idx %arg12[%broadcast_in_dim3A_254, %add3A_252] : memref<5x2048xf32, #tpu.memory_space<vmem>>[vector<16xi32>, vector<16xi32>], vector<16xf32>,
        %broadcast_in_dim3A_255 = arith.constant 1 : i32
        %broadcast_in_dim3A_256 = vector.broadcast %broadcast_in_dim3A_255 : i32 to vector<16xi32>
        %gather3A_257 = tpu.vector_load_idx %arg12[%broadcast_in_dim3A_256, %add3A_252] : memref<5x2048xf32, #tpu.memory_space<vmem>>[vector<16xi32>, vector<16xi32>], vector<16xf32>,
        %broadcast_in_dim3A_258 = arith.constant 2 : i32
        %broadcast_in_dim3A_259 = vector.broadcast %broadcast_in_dim3A_258 : i32 to vector<16xi32>
        %gather3A_260 = tpu.vector_load_idx %arg12[%broadcast_in_dim3A_259, %add3A_252] : memref<5x2048xf32, #tpu.memory_space<vmem>>[vector<16xi32>, vector<16xi32>], vector<16xf32>,
        %broadcast_in_dim3A_261 = arith.constant 3 : i32
        %broadcast_in_dim3A_262 = vector.broadcast %broadcast_in_dim3A_261 : i32 to vector<16xi32>
        %gather3A_263 = tpu.vector_load_idx %arg12[%broadcast_in_dim3A_262, %add3A_252] : memref<5x2048xf32, #tpu.memory_space<vmem>>[vector<16xi32>, vector<16xi32>], vector<16xf32>,
        %broadcast_in_dim3A_264 = arith.constant 4 : i32
        %broadcast_in_dim3A_265 = vector.broadcast %broadcast_in_dim3A_264 : i32 to vector<16xi32>
        %gather3A_266 = tpu.vector_load_idx %arg12[%broadcast_in_dim3A_265, %add3A_252] : memref<5x2048xf32, #tpu.memory_space<vmem>>[vector<16xi32>, vector<16xi32>], vector<16xf32>,
        %get3A = arith.index_cast %scan3A_248 : i32 to index
        %get3A_267 = arith.constant 0 : index
        %get3A_268 = tpu.vector_load %arg14[%get3A, %get3A_267] {strides = array<i32>} : memref<128x256xf32, #tpu.memory_space<vmem>>, vector<16xf32>,
        %mul3A_269 = arith.mulf %get3A_268, %gather3A : vector<16xf32>
        %add3A_270 = arith.constant 32 : i32
        %add3A_271 = arith.addi %add3A_270, %scan3A_248 : i32
        %get3A_272 = arith.index_cast %add3A_271 : i32 to index
        %get3A_273 = arith.constant 0 : index
        %get3A_274 = tpu.vector_load %arg14[%get3A_272, %get3A_273] {strides = array<i32>} : memref<128x256xf32, #tpu.memory_space<vmem>>, vector<16xf32>,
        %mul3A_275 = arith.mulf %get3A_274, %gather3A_257 : vector<16xf32>
        %add3A_276 = arith.addf %mul3A_269, %mul3A_275 : vector<16xf32>
        %add3A_277 = arith.constant 64 : i32
        %add3A_278 = arith.addi %add3A_277, %scan3A_248 : i32
        %get3A_279 = arith.index_cast %add3A_278 : i32 to index
        %get3A_280 = arith.constant 0 : index
        %get3A_281 = tpu.vector_load %arg14[%get3A_279, %get3A_280] {strides = array<i32>} : memref<128x256xf32, #tpu.memory_space<vmem>>, vector<16xf32>,
        %mul3A_282 = arith.mulf %get3A_281, %gather3A_260 : vector<16xf32>
        %add3A_283 = arith.addf %add3A_276, %mul3A_282 : vector<16xf32>
        %add3A_284 = arith.constant 96 : i32
        %add3A_285 = arith.addi %add3A_284, %scan3A_248 : i32
        %get3A_286 = arith.index_cast %add3A_285 : i32 to index
        %get3A_287 = arith.constant 0 : index
        %get3A_288 = tpu.vector_load %arg14[%get3A_286, %get3A_287] {strides = array<i32>} : memref<128x256xf32, #tpu.memory_space<vmem>>, vector<16xf32>,
        %mul3A_289 = arith.mulf %get3A_288, %gather3A_263 : vector<16xf32>
        %add3A_290 = arith.addf %add3A_283, %mul3A_289 : vector<16xf32>
        %get3A_291 = arith.constant 0 : index
        %get3A_292 = tpu.vector_load %arg18[%get3A_291] {strides = array<i32>} : memref<256xf32, #tpu.memory_space<vmem>>, vector<16xf32>,
        %mul3A_293 = arith.mulf %gather3A_266, %get3A_292 : vector<16xf32>
        %add3A_294 = arith.addf %add3A_290, %mul3A_293 : vector<16xf32>
        %get3A_295 = arith.constant 0 : index
        %get3A_296 = tpu.vector_load %arg19[%get3A_295] {strides = array<i32>} : memref<256xf32, #tpu.memory_space<vmem>>, vector<16xf32>,
        %add3A_297 = arith.addf %add3A_294, %get3A_296 : vector<16xf32>
        %max3A = arith.constant 0.000000e+00 : f32
        %max3A_298 = vector.broadcast %max3A : f32 to vector<16xf32>
        %max3A_299 = arith.maximumf %add3A_297, %max3A_298 : vector<16xf32>
        %swap3A = arith.index_cast %scan3A_248 : i32 to index
        %swap3A_300 = arith.constant 0 : index
        %swap3A_301 = tpu.vector_load %arg16[%swap3A, %swap3A_300] {strides = array<i32>} : memref<32x256xf32, #tpu.memory_space<vmem>>, vector<16xf32>,
        tpu.vector_store %arg16[%swap3A, %swap3A_300], %max3A_299 {strides = array<i32>} : memref<32x256xf32, #tpu.memory_space<vmem>>, vector<16xf32>,
        %get3A_302 = arith.index_cast %scan3A_248 : i32 to index
        %get3A_303 = arith.constant 16 : index
        %get3A_304 = tpu.vector_load %arg14[%get3A_302, %get3A_303] {strides = array<i32>} : memref<128x256xf32, #tpu.memory_space<vmem>>, vector<16xf32>,
        %mul3A_305 = arith.mulf %get3A_304, %gather3A : vector<16xf32>
        %add3A_306 = arith.constant 32 : i32
        %add3A_307 = arith.addi %add3A_306, %scan3A_248 : i32
        %get3A_308 = arith.index_cast %add3A_307 : i32 to index
        %get3A_309 = arith.constant 16 : index
        %get3A_310 = tpu.vector_load %arg14[%get3A_308, %get3A_309] {strides = array<i32>} : memref<128x256xf32, #tpu.memory_space<vmem>>, vector<16xf32>,
        %mul3A_311 = arith.mulf %get3A_310, %gather3A_257 : vector<16xf32>
        %add3A_312 = arith.addf %mul3A_305, %mul3A_311 : vector<16xf32>
        %add3A_313 = arith.constant 64 : i32
        %add3A_314 = arith.addi %add3A_313, %scan3A_248 : i32
        %get3A_315 = arith.index_cast %add3A_314 : i32 to index
        %get3A_316 = arith.constant 16 : index
        %get3A_317 = tpu.vector_load %arg14[%get3A_315, %get3A_316] {strides = array<i32>} : memref<128x256xf32, #tpu.memory_space<vmem>>, vector<16xf32>,
        %mul3A_318 = arith.mulf %get3A_317, %gather3A_260 : vector<16xf32>
        %add3A_319 = arith.addf %add3A_312, %mul3A_318 : vector<16xf32>
        %add3A_320 = arith.constant 96 : i32
        %add3A_321 = arith.addi %add3A_320, %scan3A_248 : i32
        %get3A_322 = arith.index_cast %add3A_321 : i32 to index
        %get3A_323 = arith.constant 16 : index
        %get3A_324 = tpu.vector_load %arg14[%get3A_322, %get3A_323] {strides = array<i32>} : memref<128x256xf32, #tpu.memory_space<vmem>>, vector<16xf32>,
        %mul3A_325 = arith.mulf %get3A_324, %gather3A_263 : vector<16xf32>
        %add3A_326 = arith.addf %add3A_319, %mul3A_325 : vector<16xf32>
        %get3A_327 = arith.constant 16 : index
        %get3A_328 = tpu.vector_load %arg18[%get3A_327] {strides = array<i32>} : memref<256xf32, #tpu.memory_space<vmem>>, vector<16xf32>,
        %mul3A_329 = arith.mulf %gather3A_266, %get3A_328 : vector<16xf32>
        %add3A_330 = arith.addf %add3A_326, %mul3A_329 : vector<16xf32>
        %get3A_331 = arith.constant 16 : index
        %get3A_332 = tpu.vector_load %arg19[%get3A_331] {strides = array<i32>} : memref<256xf32, #tpu.memory_space<vmem>>, vector<16xf32>,
        %add3A_333 = arith.addf %add3A_330, %get3A_332 : vector<16xf32>
        %max3A_334 = arith.constant 0.000000e+00 : f32
        %max3A_335 = vector.broadcast %max3A_334 : f32 to vector<16xf32>
        %max3A_336 = arith.maximumf %add3A_333, %max3A_335 : vector<16xf32>
        %swap3A_337 = arith.index_cast %scan3A_248 : i32 to index
        %swap3A_338 = arith.constant 16 : index
        %swap3A_339 = tpu.vector_load %arg16[%swap3A_337, %swap3A_338] {strides = array<i32>} : memref<32x256xf32, #tpu.memory_space<vmem>>, vector<16xf32>,
        tpu.vector_store %arg16[%swap3A_337, %swap3A_338], %max3A_336 {strides = array<i32>} : memref<32x256xf32, #tpu.memory_space<vmem>>, vector<16xf32>,
        %get3A_340 = arith.index_cast %scan3A_248 : i32 to index
        %get3A_341 = arith.constant 32 : index
        %get3A_342 = tpu.vector_load %arg14[%get3A_340, %get3A_341] {strides = array<i32>} : memref<128x256xf32, #tpu.memory_space<vmem>>, vector<16xf32>,
        %mul3A_343 = arith.mulf %get3A_342, %gather3A : vector<16xf32>
        %add3A_344 = arith.constant 32 : i32
        %add3A_345 = arith.addi %add3A_344, %scan3A_248 : i32
        %get3A_346 = arith.index_cast %add3A_345 : i32 to index
        %get3A_347 = arith.constant 32 : index
        %get3A_348 = tpu.vector_load %arg14[%get3A_346, %get3A_347] {strides = array<i32>} : memref<128x256xf32, #tpu.memory_space<vmem>>, vector<16xf32>,
        %mul3A_349 = arith.mulf %get3A_348, %gather3A_257 : vector<16xf32>
        %add3A_350 = arith.addf %mul3A_343, %mul3A_349 : vector<16xf32>
        %add3A_351 = arith.constant 64 : i32
        %add3A_352 = arith.addi %add3A_351, %scan3A_248 : i32
        %get3A_353 = arith.index_cast %add3A_352 : i32 to index
        %get3A_354 = arith.constant 32 : index
        %get3A_355 = tpu.vector_load %arg14[%get3A_353, %get3A_354] {strides = array<i32>} : memref<128x256xf32, #tpu.memory_space<vmem>>, vector<16xf32>,
        %mul3A_356 = arith.mulf %get3A_355, %gather3A_260 : vector<16xf32>
        %add3A_357 = arith.addf %add3A_350, %mul3A_356 : vector<16xf32>
        %add3A_358 = arith.constant 96 : i32
        %add3A_359 = arith.addi %add3A_358, %scan3A_248 : i32
        %get3A_360 = arith.index_cast %add3A_359 : i32 to index
        %get3A_361 = arith.constant 32 : index
        %get3A_362 = tpu.vector_load %arg14[%get3A_360, %get3A_361] {strides = array<i32>} : memref<128x256xf32, #tpu.memory_space<vmem>>, vector<16xf32>,
        %mul3A_363 = arith.mulf %get3A_362, %gather3A_263 : vector<16xf32>
        %add3A_364 = arith.addf %add3A_357, %mul3A_363 : vector<16xf32>
        %get3A_365 = arith.constant 32 : index
        %get3A_366 = tpu.vector_load %arg18[%get3A_365] {strides = array<i32>} : memref<256xf32, #tpu.memory_space<vmem>>, vector<16xf32>,
        %mul3A_367 = arith.mulf %gather3A_266, %get3A_366 : vector<16xf32>
        %add3A_368 = arith.addf %add3A_364, %mul3A_367 : vector<16xf32>
        %get3A_369 = arith.constant 32 : index
        %get3A_370 = tpu.vector_load %arg19[%get3A_369] {strides = array<i32>} : memref<256xf32, #tpu.memory_space<vmem>>, vector<16xf32>,
        %add3A_371 = arith.addf %add3A_368, %get3A_370 : vector<16xf32>
        %max3A_372 = arith.constant 0.000000e+00 : f32
        %max3A_373 = vector.broadcast %max3A_372 : f32 to vector<16xf32>
        %max3A_374 = arith.maximumf %add3A_371, %max3A_373 : vector<16xf32>
        %swap3A_375 = arith.index_cast %scan3A_248 : i32 to index
        %swap3A_376 = arith.constant 32 : index
        %swap3A_377 = tpu.vector_load %arg16[%swap3A_375, %swap3A_376] {strides = array<i32>} : memref<32x256xf32, #tpu.memory_space<vmem>>, vector<16xf32>,
        tpu.vector_store %arg16[%swap3A_375, %swap3A_376], %max3A_374 {strides = array<i32>} : memref<32x256xf32, #tpu.memory_space<vmem>>, vector<16xf32>,
        %get3A_378 = arith.index_cast %scan3A_248 : i32 to index
        %get3A_379 = arith.constant 48 : index
        %get3A_380 = tpu.vector_load %arg14[%get3A_378, %get3A_379] {strides = array<i32>} : memref<128x256xf32, #tpu.memory_space<vmem>>, vector<16xf32>,
        %mul3A_381 = arith.mulf %get3A_380, %gather3A : vector<16xf32>
        %add3A_382 = arith.constant 32 : i32
        %add3A_383 = arith.addi %add3A_382, %scan3A_248 : i32
        %get3A_384 = arith.index_cast %add3A_383 : i32 to index
        %get3A_385 = arith.constant 48 : index
        %get3A_386 = tpu.vector_load %arg14[%get3A_384, %get3A_385] {strides = array<i32>} : memref<128x256xf32, #tpu.memory_space<vmem>>, vector<16xf32>,
        %mul3A_387 = arith.mulf %get3A_386, %gather3A_257 : vector<16xf32>
        %add3A_388 = arith.addf %mul3A_381, %mul3A_387 : vector<16xf32>
        %add3A_389 = arith.constant 64 : i32
        %add3A_390 = arith.addi %add3A_389, %scan3A_248 : i32
        %get3A_391 = arith.index_cast %add3A_390 : i32 to index
        %get3A_392 = arith.constant 48 : index
        %get3A_393 = tpu.vector_load %arg14[%get3A_391, %get3A_392] {strides = array<i32>} : memref<128x256xf32, #tpu.memory_space<vmem>>, vector<16xf32>,
        %mul3A_394 = arith.mulf %get3A_393, %gather3A_260 : vector<16xf32>
        %add3A_395 = arith.addf %add3A_388, %mul3A_394 : vector<16xf32>
        %add3A_396 = arith.constant 96 : i32
        %add3A_397 = arith.addi %add3A_396, %scan3A_248 : i32
        %get3A_398 = arith.index_cast %add3A_397 : i32 to index
        %get3A_399 = arith.constant 48 : index
        %get3A_400 = tpu.vector_load %arg14[%get3A_398, %get3A_399] {strides = array<i32>} : memref<128x256xf32, #tpu.memory_space<vmem>>, vector<16xf32>,
        %mul3A_401 = arith.mulf %get3A_400, %gather3A_263 : vector<16xf32>
        %add3A_402 = arith.addf %add3A_395, %mul3A_401 : vector<16xf32>
        %get3A_403 = arith.constant 48 : index
        %get3A_404 = tpu.vector_load %arg18[%get3A_403] {strides = array<i32>} : memref<256xf32, #tpu.memory_space<vmem>>, vector<16xf32>,
        %mul3A_405 = arith.mulf %gather3A_266, %get3A_404 : vector<16xf32>
        %add3A_406 = arith.addf %add3A_402, %mul3A_405 : vector<16xf32>
        %get3A_407 = arith.constant 48 : index
        %get3A_408 = tpu.vector_load %arg19[%get3A_407] {strides = array<i32>} : memref<256xf32, #tpu.memory_space<vmem>>, vector<16xf32>,
        %add3A_409 = arith.addf %add3A_406, %get3A_408 : vector<16xf32>
        %max3A_410 = arith.constant 0.000000e+00 : f32
        %max3A_411 = vector.broadcast %max3A_410 : f32 to vector<16xf32>
        %max3A_412 = arith.maximumf %add3A_409, %max3A_411 : vector<16xf32>
        %swap3A_413 = arith.index_cast %scan3A_248 : i32 to index
        %swap3A_414 = arith.constant 48 : index
        %swap3A_415 = tpu.vector_load %arg16[%swap3A_413, %swap3A_414] {strides = array<i32>} : memref<32x256xf32, #tpu.memory_space<vmem>>, vector<16xf32>,
        tpu.vector_store %arg16[%swap3A_413, %swap3A_414], %max3A_412 {strides = array<i32>} : memref<32x256xf32, #tpu.memory_space<vmem>>, vector<16xf32>,
        %get3A_416 = arith.index_cast %scan3A_248 : i32 to index
        %get3A_417 = arith.constant 64 : index
        %get3A_418 = tpu.vector_load %arg14[%get3A_416, %get3A_417] {strides = array<i32>} : memref<128x256xf32, #tpu.memory_space<vmem>>, vector<16xf32>,
        %mul3A_419 = arith.mulf %get3A_418, %gather3A : vector<16xf32>
        %add3A_420 = arith.constant 32 : i32
        %add3A_421 = arith.addi %add3A_420, %scan3A_248 : i32
        %get3A_422 = arith.index_cast %add3A_421 : i32 to index
        %get3A_423 = arith.constant 64 : index
        %get3A_424 = tpu.vector_load %arg14[%get3A_422, %get3A_423] {strides = array<i32>} : memref<128x256xf32, #tpu.memory_space<vmem>>, vector<16xf32>,
        %mul3A_425 = arith.mulf %get3A_424, %gather3A_257 : vector<16xf32>
        %add3A_426 = arith.addf %mul3A_419, %mul3A_425 : vector<16xf32>
        %add3A_427 = arith.constant 64 : i32
        %add3A_428 = arith.addi %add3A_427, %scan3A_248 : i32
        %get3A_429 = arith.index_cast %add3A_428 : i32 to index
        %get3A_430 = arith.constant 64 : index
        %get3A_431 = tpu.vector_load %arg14[%get3A_429, %get3A_430] {strides = array<i32>} : memref<128x256xf32, #tpu.memory_space<vmem>>, vector<16xf32>,
        %mul3A_432 = arith.mulf %get3A_431, %gather3A_260 : vector<16xf32>
        %add3A_433 = arith.addf %add3A_426, %mul3A_432 : vector<16xf32>
        %add3A_434 = arith.constant 96 : i32
        %add3A_435 = arith.addi %add3A_434, %scan3A_248 : i32
        %get3A_436 = arith.index_cast %add3A_435 : i32 to index
        %get3A_437 = arith.constant 64 : index
        %get3A_438 = tpu.vector_load %arg14[%get3A_436, %get3A_437] {strides = array<i32>} : memref<128x256xf32, #tpu.memory_space<vmem>>, vector<16xf32>,
        %mul3A_439 = arith.mulf %get3A_438, %gather3A_263 : vector<16xf32>
        %add3A_440 = arith.addf %add3A_433, %mul3A_439 : vector<16xf32>
        %get3A_441 = arith.constant 64 : index
        %get3A_442 = tpu.vector_load %arg18[%get3A_441] {strides = array<i32>} : memref<256xf32, #tpu.memory_space<vmem>>, vector<16xf32>,
        %mul3A_443 = arith.mulf %gather3A_266, %get3A_442 : vector<16xf32>
        %add3A_444 = arith.addf %add3A_440, %mul3A_443 : vector<16xf32>
        %get3A_445 = arith.constant 64 : index
        %get3A_446 = tpu.vector_load %arg19[%get3A_445] {strides = array<i32>} : memref<256xf32, #tpu.memory_space<vmem>>, vector<16xf32>,
        %add3A_447 = arith.addf %add3A_444, %get3A_446 : vector<16xf32>
        %max3A_448 = arith.constant 0.000000e+00 : f32
        %max3A_449 = vector.broadcast %max3A_448 : f32 to vector<16xf32>
        %max3A_450 = arith.maximumf %add3A_447, %max3A_449 : vector<16xf32>
        %swap3A_451 = arith.index_cast %scan3A_248 : i32 to index
        %swap3A_452 = arith.constant 64 : index
        %swap3A_453 = tpu.vector_load %arg16[%swap3A_451, %swap3A_452] {strides = array<i32>} : memref<32x256xf32, #tpu.memory_space<vmem>>, vector<16xf32>,
        tpu.vector_store %arg16[%swap3A_451, %swap3A_452], %max3A_450 {strides = array<i32>} : memref<32x256xf32, #tpu.memory_space<vmem>>, vector<16xf32>,
        %get3A_454 = arith.index_cast %scan3A_248 : i32 to index
        %get3A_455 = arith.constant 80 : index
        %get3A_456 = tpu.vector_load %arg14[%get3A_454, %get3A_455] {strides = array<i32>} : memref<128x256xf32, #tpu.memory_space<vmem>>, vector<16xf32>,
        %mul3A_457 = arith.mulf %get3A_456, %gather3A : vector<16xf32>
        %add3A_458 = arith.constant 32 : i32
        %add3A_459 = arith.addi %add3A_458, %scan3A_248 : i32
        %get3A_460 = arith.index_cast %add3A_459 : i32 to index
        %get3A_461 = arith.constant 80 : index
        %get3A_462 = tpu.vector_load %arg14[%get3A_460, %get3A_461] {strides = array<i32>} : memref<128x256xf32, #tpu.memory_space<vmem>>, vector<16xf32>,
        %mul3A_463 = arith.mulf %get3A_462, %gather3A_257 : vector<16xf32>
        %add3A_464 = arith.addf %mul3A_457, %mul3A_463 : vector<16xf32>
        %add3A_465 = arith.constant 64 : i32
        %add3A_466 = arith.addi %add3A_465, %scan3A_248 : i32
        %get3A_467 = arith.index_cast %add3A_466 : i32 to index
        %get3A_468 = arith.constant 80 : index
        %get3A_469 = tpu.vector_load %arg14[%get3A_467, %get3A_468] {strides = array<i32>} : memref<128x256xf32, #tpu.memory_space<vmem>>, vector<16xf32>,
        %mul3A_470 = arith.mulf %get3A_469, %gather3A_260 : vector<16xf32>
        %add3A_471 = arith.addf %add3A_464, %mul3A_470 : vector<16xf32>
        %add3A_472 = arith.constant 96 : i32
        %add3A_473 = arith.addi %add3A_472, %scan3A_248 : i32
        %get3A_474 = arith.index_cast %add3A_473 : i32 to index
        %get3A_475 = arith.constant 80 : index
        %get3A_476 = tpu.vector_load %arg14[%get3A_474, %get3A_475] {strides = array<i32>} : memref<128x256xf32, #tpu.memory_space<vmem>>, vector<16xf32>,
        %mul3A_477 = arith.mulf %get3A_476, %gather3A_263 : vector<16xf32>
        %add3A_478 = arith.addf %add3A_471, %mul3A_477 : vector<16xf32>
        %get3A_479 = arith.constant 80 : index
        %get3A_480 = tpu.vector_load %arg18[%get3A_479] {strides = array<i32>} : memref<256xf32, #tpu.memory_space<vmem>>, vector<16xf32>,
        %mul3A_481 = arith.mulf %gather3A_266, %get3A_480 : vector<16xf32>
        %add3A_482 = arith.addf %add3A_478, %mul3A_481 : vector<16xf32>
        %get3A_483 = arith.constant 80 : index
        %get3A_484 = tpu.vector_load %arg19[%get3A_483] {strides = array<i32>} : memref<256xf32, #tpu.memory_space<vmem>>, vector<16xf32>,
        %add3A_485 = arith.addf %add3A_482, %get3A_484 : vector<16xf32>
        %max3A_486 = arith.constant 0.000000e+00 : f32
        %max3A_487 = vector.broadcast %max3A_486 : f32 to vector<16xf32>
        %max3A_488 = arith.maximumf %add3A_485, %max3A_487 : vector<16xf32>
        %swap3A_489 = arith.index_cast %scan3A_248 : i32 to index
        %swap3A_490 = arith.constant 80 : index
        %swap3A_491 = tpu.vector_load %arg16[%swap3A_489, %swap3A_490] {strides = array<i32>} : memref<32x256xf32, #tpu.memory_space<vmem>>, vector<16xf32>,
        tpu.vector_store %arg16[%swap3A_489, %swap3A_490], %max3A_488 {strides = array<i32>} : memref<32x256xf32, #tpu.memory_space<vmem>>, vector<16xf32>,
        %get3A_492 = arith.index_cast %scan3A_248 : i32 to index
        %get3A_493 = arith.constant 96 : index
        %get3A_494 = tpu.vector_load %arg14[%get3A_492, %get3A_493] {strides = array<i32>} : memref<128x256xf32, #tpu.memory_space<vmem>>, vector<16xf32>,
        %mul3A_495 = arith.mulf %get3A_494, %gather3A : vector<16xf32>
        %add3A_496 = arith.constant 32 : i32
        %add3A_497 = arith.addi %add3A_496, %scan3A_248 : i32
        %get3A_498 = arith.index_cast %add3A_497 : i32 to index
        %get3A_499 = arith.constant 96 : index
        %get3A_500 = tpu.vector_load %arg14[%get3A_498, %get3A_499] {strides = array<i32>} : memref<128x256xf32, #tpu.memory_space<vmem>>, vector<16xf32>,
        %mul3A_501 = arith.mulf %get3A_500, %gather3A_257 : vector<16xf32>
        %add3A_502 = arith.addf %mul3A_495, %mul3A_501 : vector<16xf32>
        %add3A_503 = arith.constant 64 : i32
        %add3A_504 = arith.addi %add3A_503, %scan3A_248 : i32
        %get3A_505 = arith.index_cast %add3A_504 : i32 to index
        %get3A_506 = arith.constant 96 : index
        %get3A_507 = tpu.vector_load %arg14[%get3A_505, %get3A_506] {strides = array<i32>} : memref<128x256xf32, #tpu.memory_space<vmem>>, vector<16xf32>,
        %mul3A_508 = arith.mulf %get3A_507, %gather3A_260 : vector<16xf32>
        %add3A_509 = arith.addf %add3A_502, %mul3A_508 : vector<16xf32>
        %add3A_510 = arith.constant 96 : i32
        %add3A_511 = arith.addi %add3A_510, %scan3A_248 : i32
        %get3A_512 = arith.index_cast %add3A_511 : i32 to index
        %get3A_513 = arith.constant 96 : index
        %get3A_514 = tpu.vector_load %arg14[%get3A_512, %get3A_513] {strides = array<i32>} : memref<128x256xf32, #tpu.memory_space<vmem>>, vector<16xf32>,
        %mul3A_515 = arith.mulf %get3A_514, %gather3A_263 : vector<16xf32>
        %add3A_516 = arith.addf %add3A_509, %mul3A_515 : vector<16xf32>
        %get3A_517 = arith.constant 96 : index
        %get3A_518 = tpu.vector_load %arg18[%get3A_517] {strides = array<i32>} : memref<256xf32, #tpu.memory_space<vmem>>, vector<16xf32>,
        %mul3A_519 = arith.mulf %gather3A_266, %get3A_518 : vector<16xf32>
        %add3A_520 = arith.addf %add3A_516, %mul3A_519 : vector<16xf32>
        %get3A_521 = arith.constant 96 : index
        %get3A_522 = tpu.vector_load %arg19[%get3A_521] {strides = array<i32>} : memref<256xf32, #tpu.memory_space<vmem>>, vector<16xf32>,
        %add3A_523 = arith.addf %add3A_520, %get3A_522 : vector<16xf32>
        %max3A_524 = arith.constant 0.000000e+00 : f32
        %max3A_525 = vector.broadcast %max3A_524 : f32 to vector<16xf32>
        %max3A_526 = arith.maximumf %add3A_523, %max3A_525 : vector<16xf32>
        %swap3A_527 = arith.index_cast %scan3A_248 : i32 to index
        %swap3A_528 = arith.constant 96 : index
        %swap3A_529 = tpu.vector_load %arg16[%swap3A_527, %swap3A_528] {strides = array<i32>} : memref<32x256xf32, #tpu.memory_space<vmem>>, vector<16xf32>,
        tpu.vector_store %arg16[%swap3A_527, %swap3A_528], %max3A_526 {strides = array<i32>} : memref<32x256xf32, #tpu.memory_space<vmem>>, vector<16xf32>,
        %get3A_530 = arith.index_cast %scan3A_248 : i32 to index
        %get3A_531 = arith.constant 112 : index
        %get3A_532 = tpu.vector_load %arg14[%get3A_530, %get3A_531] {strides = array<i32>} : memref<128x256xf32, #tpu.memory_space<vmem>>, vector<16xf32>,
        %mul3A_533 = arith.mulf %get3A_532, %gather3A : vector<16xf32>
        %add3A_534 = arith.constant 32 : i32
        %add3A_535 = arith.addi %add3A_534, %scan3A_248 : i32
        %get3A_536 = arith.index_cast %add3A_535 : i32 to index
        %get3A_537 = arith.constant 112 : index
        %get3A_538 = tpu.vector_load %arg14[%get3A_536, %get3A_537] {strides = array<i32>} : memref<128x256xf32, #tpu.memory_space<vmem>>, vector<16xf32>,
        %mul3A_539 = arith.mulf %get3A_538, %gather3A_257 : vector<16xf32>
        %add3A_540 = arith.addf %mul3A_533, %mul3A_539 : vector<16xf32>
        %add3A_541 = arith.constant 64 : i32
        %add3A_542 = arith.addi %add3A_541, %scan3A_248 : i32
        %get3A_543 = arith.index_cast %add3A_542 : i32 to index
        %get3A_544 = arith.constant 112 : index
        %get3A_545 = tpu.vector_load %arg14[%get3A_543, %get3A_544] {strides = array<i32>} : memref<128x256xf32, #tpu.memory_space<vmem>>, vector<16xf32>,
        %mul3A_546 = arith.mulf %get3A_545, %gather3A_260 : vector<16xf32>
        %add3A_547 = arith.addf %add3A_540, %mul3A_546 : vector<16xf32>
        %add3A_548 = arith.constant 96 : i32
        %add3A_549 = arith.addi %add3A_548, %scan3A_248 : i32
        %get3A_550 = arith.index_cast %add3A_549 : i32 to index
        %get3A_551 = arith.constant 112 : index
        %get3A_552 = tpu.vector_load %arg14[%get3A_550, %get3A_551] {strides = array<i32>} : memref<128x256xf32, #tpu.memory_space<vmem>>, vector<16xf32>,
        %mul3A_553 = arith.mulf %get3A_552, %gather3A_263 : vector<16xf32>
        %add3A_554 = arith.addf %add3A_547, %mul3A_553 : vector<16xf32>
        %get3A_555 = arith.constant 112 : index
        %get3A_556 = tpu.vector_load %arg18[%get3A_555] {strides = array<i32>} : memref<256xf32, #tpu.memory_space<vmem>>, vector<16xf32>,
        %mul3A_557 = arith.mulf %gather3A_266, %get3A_556 : vector<16xf32>
        %add3A_558 = arith.addf %add3A_554, %mul3A_557 : vector<16xf32>
        %get3A_559 = arith.constant 112 : index
        %get3A_560 = tpu.vector_load %arg19[%get3A_559] {strides = array<i32>} : memref<256xf32, #tpu.memory_space<vmem>>, vector<16xf32>,
        %add3A_561 = arith.addf %add3A_558, %get3A_560 : vector<16xf32>
        %max3A_562 = arith.constant 0.000000e+00 : f32
        %max3A_563 = vector.broadcast %max3A_562 : f32 to vector<16xf32>
        %max3A_564 = arith.maximumf %add3A_561, %max3A_563 : vector<16xf32>
        %swap3A_565 = arith.index_cast %scan3A_248 : i32 to index
        %swap3A_566 = arith.constant 112 : index
        %swap3A_567 = tpu.vector_load %arg16[%swap3A_565, %swap3A_566] {strides = array<i32>} : memref<32x256xf32, #tpu.memory_space<vmem>>, vector<16xf32>,
        tpu.vector_store %arg16[%swap3A_565, %swap3A_566], %max3A_564 {strides = array<i32>} : memref<32x256xf32, #tpu.memory_space<vmem>>, vector<16xf32>,
        %get3A_568 = arith.index_cast %scan3A_248 : i32 to index
        %get3A_569 = arith.constant 128 : index
        %get3A_570 = tpu.vector_load %arg14[%get3A_568, %get3A_569] {strides = array<i32>} : memref<128x256xf32, #tpu.memory_space<vmem>>, vector<16xf32>,
        %mul3A_571 = arith.mulf %get3A_570, %gather3A : vector<16xf32>
        %add3A_572 = arith.constant 32 : i32
        %add3A_573 = arith.addi %add3A_572, %scan3A_248 : i32
        %get3A_574 = arith.index_cast %add3A_573 : i32 to index
        %get3A_575 = arith.constant 128 : index
        %get3A_576 = tpu.vector_load %arg14[%get3A_574, %get3A_575] {strides = array<i32>} : memref<128x256xf32, #tpu.memory_space<vmem>>, vector<16xf32>,
        %mul3A_577 = arith.mulf %get3A_576, %gather3A_257 : vector<16xf32>
        %add3A_578 = arith.addf %mul3A_571, %mul3A_577 : vector<16xf32>
        %add3A_579 = arith.constant 64 : i32
        %add3A_580 = arith.addi %add3A_579, %scan3A_248 : i32
        %get3A_581 = arith.index_cast %add3A_580 : i32 to index
        %get3A_582 = arith.constant 128 : index
        %get3A_583 = tpu.vector_load %arg14[%get3A_581, %get3A_582] {strides = array<i32>} : memref<128x256xf32, #tpu.memory_space<vmem>>, vector<16xf32>,
        %mul3A_584 = arith.mulf %get3A_583, %gather3A_260 : vector<16xf32>
        %add3A_585 = arith.addf %add3A_578, %mul3A_584 : vector<16xf32>
        %add3A_586 = arith.constant 96 : i32
        %add3A_587 = arith.addi %add3A_586, %scan3A_248 : i32
        %get3A_588 = arith.index_cast %add3A_587 : i32 to index
        %get3A_589 = arith.constant 128 : index
        %get3A_590 = tpu.vector_load %arg14[%get3A_588, %get3A_589] {strides = array<i32>} : memref<128x256xf32, #tpu.memory_space<vmem>>, vector<16xf32>,
        %mul3A_591 = arith.mulf %get3A_590, %gather3A_263 : vector<16xf32>
        %add3A_592 = arith.addf %add3A_585, %mul3A_591 : vector<16xf32>
        %get3A_593 = arith.constant 128 : index
        %get3A_594 = tpu.vector_load %arg18[%get3A_593] {strides = array<i32>} : memref<256xf32, #tpu.memory_space<vmem>>, vector<16xf32>,
        %mul3A_595 = arith.mulf %gather3A_266, %get3A_594 : vector<16xf32>
        %add3A_596 = arith.addf %add3A_592, %mul3A_595 : vector<16xf32>
        %get3A_597 = arith.constant 128 : index
        %get3A_598 = tpu.vector_load %arg19[%get3A_597] {strides = array<i32>} : memref<256xf32, #tpu.memory_space<vmem>>, vector<16xf32>,
        %add3A_599 = arith.addf %add3A_596, %get3A_598 : vector<16xf32>
        %max3A_600 = arith.constant 0.000000e+00 : f32
        %max3A_601 = vector.broadcast %max3A_600 : f32 to vector<16xf32>
        %max3A_602 = arith.maximumf %add3A_599, %max3A_601 : vector<16xf32>
        %swap3A_603 = arith.index_cast %scan3A_248 : i32 to index
        %swap3A_604 = arith.constant 128 : index
        %swap3A_605 = tpu.vector_load %arg16[%swap3A_603, %swap3A_604] {strides = array<i32>} : memref<32x256xf32, #tpu.memory_space<vmem>>, vector<16xf32>,
        tpu.vector_store %arg16[%swap3A_603, %swap3A_604], %max3A_602 {strides = array<i32>} : memref<32x256xf32, #tpu.memory_space<vmem>>, vector<16xf32>,
        %get3A_606 = arith.index_cast %scan3A_248 : i32 to index
        %get3A_607 = arith.constant 144 : index
        %get3A_608 = tpu.vector_load %arg14[%get3A_606, %get3A_607] {strides = array<i32>} : memref<128x256xf32, #tpu.memory_space<vmem>>, vector<16xf32>,
        %mul3A_609 = arith.mulf %get3A_608, %gather3A : vector<16xf32>
        %add3A_610 = arith.constant 32 : i32
        %add3A_611 = arith.addi %add3A_610, %scan3A_248 : i32
        %get3A_612 = arith.index_cast %add3A_611 : i32 to index
        %get3A_613 = arith.constant 144 : index
        %get3A_614 = tpu.vector_load %arg14[%get3A_612, %get3A_613] {strides = array<i32>} : memref<128x256xf32, #tpu.memory_space<vmem>>, vector<16xf32>,
        %mul3A_615 = arith.mulf %get3A_614, %gather3A_257 : vector<16xf32>
        %add3A_616 = arith.addf %mul3A_609, %mul3A_615 : vector<16xf32>
        %add3A_617 = arith.constant 64 : i32
        %add3A_618 = arith.addi %add3A_617, %scan3A_248 : i32
        %get3A_619 = arith.index_cast %add3A_618 : i32 to index
        %get3A_620 = arith.constant 144 : index
        %get3A_621 = tpu.vector_load %arg14[%get3A_619, %get3A_620] {strides = array<i32>} : memref<128x256xf32, #tpu.memory_space<vmem>>, vector<16xf32>,
        %mul3A_622 = arith.mulf %get3A_621, %gather3A_260 : vector<16xf32>
        %add3A_623 = arith.addf %add3A_616, %mul3A_622 : vector<16xf32>
        %add3A_624 = arith.constant 96 : i32
        %add3A_625 = arith.addi %add3A_624, %scan3A_248 : i32
        %get3A_626 = arith.index_cast %add3A_625 : i32 to index
        %get3A_627 = arith.constant 144 : index
        %get3A_628 = tpu.vector_load %arg14[%get3A_626, %get3A_627] {strides = array<i32>} : memref<128x256xf32, #tpu.memory_space<vmem>>, vector<16xf32>,
        %mul3A_629 = arith.mulf %get3A_628, %gather3A_263 : vector<16xf32>
        %add3A_630 = arith.addf %add3A_623, %mul3A_629 : vector<16xf32>
        %get3A_631 = arith.constant 144 : index
        %get3A_632 = tpu.vector_load %arg18[%get3A_631] {strides = array<i32>} : memref<256xf32, #tpu.memory_space<vmem>>, vector<16xf32>,
        %mul3A_633 = arith.mulf %gather3A_266, %get3A_632 : vector<16xf32>
        %add3A_634 = arith.addf %add3A_630, %mul3A_633 : vector<16xf32>
        %get3A_635 = arith.constant 144 : index
        %get3A_636 = tpu.vector_load %arg19[%get3A_635] {strides = array<i32>} : memref<256xf32, #tpu.memory_space<vmem>>, vector<16xf32>,
        %add3A_637 = arith.addf %add3A_634, %get3A_636 : vector<16xf32>
        %max3A_638 = arith.constant 0.000000e+00 : f32
        %max3A_639 = vector.broadcast %max3A_638 : f32 to vector<16xf32>
        %max3A_640 = arith.maximumf %add3A_637, %max3A_639 : vector<16xf32>
        %swap3A_641 = arith.index_cast %scan3A_248 : i32 to index
        %swap3A_642 = arith.constant 144 : index
        %swap3A_643 = tpu.vector_load %arg16[%swap3A_641, %swap3A_642] {strides = array<i32>} : memref<32x256xf32, #tpu.memory_space<vmem>>, vector<16xf32>,
        tpu.vector_store %arg16[%swap3A_641, %swap3A_642], %max3A_640 {strides = array<i32>} : memref<32x256xf32, #tpu.memory_space<vmem>>, vector<16xf32>,
        %get3A_644 = arith.index_cast %scan3A_248 : i32 to index
        %get3A_645 = arith.constant 160 : index
        %get3A_646 = tpu.vector_load %arg14[%get3A_644, %get3A_645] {strides = array<i32>} : memref<128x256xf32, #tpu.memory_space<vmem>>, vector<16xf32>,
        %mul3A_647 = arith.mulf %get3A_646, %gather3A : vector<16xf32>
        %add3A_648 = arith.constant 32 : i32
        %add3A_649 = arith.addi %add3A_648, %scan3A_248 : i32
        %get3A_650 = arith.index_cast %add3A_649 : i32 to index
        %get3A_651 = arith.constant 160 : index
        %get3A_652 = tpu.vector_load %arg14[%get3A_650, %get3A_651] {strides = array<i32>} : memref<128x256xf32, #tpu.memory_space<vmem>>, vector<16xf32>,
        %mul3A_653 = arith.mulf %get3A_652, %gather3A_257 : vector<16xf32>
        %add3A_654 = arith.addf %mul3A_647, %mul3A_653 : vector<16xf32>
        %add3A_655 = arith.constant 64 : i32
        %add3A_656 = arith.addi %add3A_655, %scan3A_248 : i32
        %get3A_657 = arith.index_cast %add3A_656 : i32 to index
        %get3A_658 = arith.constant 160 : index
        %get3A_659 = tpu.vector_load %arg14[%get3A_657, %get3A_658] {strides = array<i32>} : memref<128x256xf32, #tpu.memory_space<vmem>>, vector<16xf32>,
        %mul3A_660 = arith.mulf %get3A_659, %gather3A_260 : vector<16xf32>
        %add3A_661 = arith.addf %add3A_654, %mul3A_660 : vector<16xf32>
        %add3A_662 = arith.constant 96 : i32
        %add3A_663 = arith.addi %add3A_662, %scan3A_248 : i32
        %get3A_664 = arith.index_cast %add3A_663 : i32 to index
        %get3A_665 = arith.constant 160 : index
        %get3A_666 = tpu.vector_load %arg14[%get3A_664, %get3A_665] {strides = array<i32>} : memref<128x256xf32, #tpu.memory_space<vmem>>, vector<16xf32>,
        %mul3A_667 = arith.mulf %get3A_666, %gather3A_263 : vector<16xf32>
        %add3A_668 = arith.addf %add3A_661, %mul3A_667 : vector<16xf32>
        %get3A_669 = arith.constant 160 : index
        %get3A_670 = tpu.vector_load %arg18[%get3A_669] {strides = array<i32>} : memref<256xf32, #tpu.memory_space<vmem>>, vector<16xf32>,
        %mul3A_671 = arith.mulf %gather3A_266, %get3A_670 : vector<16xf32>
        %add3A_672 = arith.addf %add3A_668, %mul3A_671 : vector<16xf32>
        %get3A_673 = arith.constant 160 : index
        %get3A_674 = tpu.vector_load %arg19[%get3A_673] {strides = array<i32>} : memref<256xf32, #tpu.memory_space<vmem>>, vector<16xf32>,
        %add3A_675 = arith.addf %add3A_672, %get3A_674 : vector<16xf32>
        %max3A_676 = arith.constant 0.000000e+00 : f32
        %max3A_677 = vector.broadcast %max3A_676 : f32 to vector<16xf32>
        %max3A_678 = arith.maximumf %add3A_675, %max3A_677 : vector<16xf32>
        %swap3A_679 = arith.index_cast %scan3A_248 : i32 to index
        %swap3A_680 = arith.constant 160 : index
        %swap3A_681 = tpu.vector_load %arg16[%swap3A_679, %swap3A_680] {strides = array<i32>} : memref<32x256xf32, #tpu.memory_space<vmem>>, vector<16xf32>,
        tpu.vector_store %arg16[%swap3A_679, %swap3A_680], %max3A_678 {strides = array<i32>} : memref<32x256xf32, #tpu.memory_space<vmem>>, vector<16xf32>,
        %get3A_682 = arith.index_cast %scan3A_248 : i32 to index
        %get3A_683 = arith.constant 176 : index
        %get3A_684 = tpu.vector_load %arg14[%get3A_682, %get3A_683] {strides = array<i32>} : memref<128x256xf32, #tpu.memory_space<vmem>>, vector<16xf32>,
        %mul3A_685 = arith.mulf %get3A_684, %gather3A : vector<16xf32>
        %add3A_686 = arith.constant 32 : i32
        %add3A_687 = arith.addi %add3A_686, %scan3A_248 : i32
        %get3A_688 = arith.index_cast %add3A_687 : i32 to index
        %get3A_689 = arith.constant 176 : index
        %get3A_690 = tpu.vector_load %arg14[%get3A_688, %get3A_689] {strides = array<i32>} : memref<128x256xf32, #tpu.memory_space<vmem>>, vector<16xf32>,
        %mul3A_691 = arith.mulf %get3A_690, %gather3A_257 : vector<16xf32>
        %add3A_692 = arith.addf %mul3A_685, %mul3A_691 : vector<16xf32>
        %add3A_693 = arith.constant 64 : i32
        %add3A_694 = arith.addi %add3A_693, %scan3A_248 : i32
        %get3A_695 = arith.index_cast %add3A_694 : i32 to index
        %get3A_696 = arith.constant 176 : index
        %get3A_697 = tpu.vector_load %arg14[%get3A_695, %get3A_696] {strides = array<i32>} : memref<128x256xf32, #tpu.memory_space<vmem>>, vector<16xf32>,
        %mul3A_698 = arith.mulf %get3A_697, %gather3A_260 : vector<16xf32>
        %add3A_699 = arith.addf %add3A_692, %mul3A_698 : vector<16xf32>
        %add3A_700 = arith.constant 96 : i32
        %add3A_701 = arith.addi %add3A_700, %scan3A_248 : i32
        %get3A_702 = arith.index_cast %add3A_701 : i32 to index
        %get3A_703 = arith.constant 176 : index
        %get3A_704 = tpu.vector_load %arg14[%get3A_702, %get3A_703] {strides = array<i32>} : memref<128x256xf32, #tpu.memory_space<vmem>>, vector<16xf32>,
        %mul3A_705 = arith.mulf %get3A_704, %gather3A_263 : vector<16xf32>
        %add3A_706 = arith.addf %add3A_699, %mul3A_705 : vector<16xf32>
        %get3A_707 = arith.constant 176 : index
        %get3A_708 = tpu.vector_load %arg18[%get3A_707] {strides = array<i32>} : memref<256xf32, #tpu.memory_space<vmem>>, vector<16xf32>,
        %mul3A_709 = arith.mulf %gather3A_266, %get3A_708 : vector<16xf32>
        %add3A_710 = arith.addf %add3A_706, %mul3A_709 : vector<16xf32>
        %get3A_711 = arith.constant 176 : index
        %get3A_712 = tpu.vector_load %arg19[%get3A_711] {strides = array<i32>} : memref<256xf32, #tpu.memory_space<vmem>>, vector<16xf32>,
        %add3A_713 = arith.addf %add3A_710, %get3A_712 : vector<16xf32>
        %max3A_714 = arith.constant 0.000000e+00 : f32
        %max3A_715 = vector.broadcast %max3A_714 : f32 to vector<16xf32>
        %max3A_716 = arith.maximumf %add3A_713, %max3A_715 : vector<16xf32>
        %swap3A_717 = arith.index_cast %scan3A_248 : i32 to index
        %swap3A_718 = arith.constant 176 : index
        %swap3A_719 = tpu.vector_load %arg16[%swap3A_717, %swap3A_718] {strides = array<i32>} : memref<32x256xf32, #tpu.memory_space<vmem>>, vector<16xf32>,
        tpu.vector_store %arg16[%swap3A_717, %swap3A_718], %max3A_716 {strides = array<i32>} : memref<32x256xf32, #tpu.memory_space<vmem>>, vector<16xf32>,
        %get3A_720 = arith.index_cast %scan3A_248 : i32 to index
        %get3A_721 = arith.constant 192 : index
        %get3A_722 = tpu.vector_load %arg14[%get3A_720, %get3A_721] {strides = array<i32>} : memref<128x256xf32, #tpu.memory_space<vmem>>, vector<16xf32>,
        %mul3A_723 = arith.mulf %get3A_722, %gather3A : vector<16xf32>
        %add3A_724 = arith.constant 32 : i32
        %add3A_725 = arith.addi %add3A_724, %scan3A_248 : i32
        %get3A_726 = arith.index_cast %add3A_725 : i32 to index
        %get3A_727 = arith.constant 192 : index
        %get3A_728 = tpu.vector_load %arg14[%get3A_726, %get3A_727] {strides = array<i32>} : memref<128x256xf32, #tpu.memory_space<vmem>>, vector<16xf32>,
        %mul3A_729 = arith.mulf %get3A_728, %gather3A_257 : vector<16xf32>
        %add3A_730 = arith.addf %mul3A_723, %mul3A_729 : vector<16xf32>
        %add3A_731 = arith.constant 64 : i32
        %add3A_732 = arith.addi %add3A_731, %scan3A_248 : i32
        %get3A_733 = arith.index_cast %add3A_732 : i32 to index
        %get3A_734 = arith.constant 192 : index
        %get3A_735 = tpu.vector_load %arg14[%get3A_733, %get3A_734] {strides = array<i32>} : memref<128x256xf32, #tpu.memory_space<vmem>>, vector<16xf32>,
        %mul3A_736 = arith.mulf %get3A_735, %gather3A_260 : vector<16xf32>
        %add3A_737 = arith.addf %add3A_730, %mul3A_736 : vector<16xf32>
        %add3A_738 = arith.constant 96 : i32
        %add3A_739 = arith.addi %add3A_738, %scan3A_248 : i32
        %get3A_740 = arith.index_cast %add3A_739 : i32 to index
        %get3A_741 = arith.constant 192 : index
        %get3A_742 = tpu.vector_load %arg14[%get3A_740, %get3A_741] {strides = array<i32>} : memref<128x256xf32, #tpu.memory_space<vmem>>, vector<16xf32>,
        %mul3A_743 = arith.mulf %get3A_742, %gather3A_263 : vector<16xf32>
        %add3A_744 = arith.addf %add3A_737, %mul3A_743 : vector<16xf32>
        %get3A_745 = arith.constant 192 : index
        %get3A_746 = tpu.vector_load %arg18[%get3A_745] {strides = array<i32>} : memref<256xf32, #tpu.memory_space<vmem>>, vector<16xf32>,
        %mul3A_747 = arith.mulf %gather3A_266, %get3A_746 : vector<16xf32>
        %add3A_748 = arith.addf %add3A_744, %mul3A_747 : vector<16xf32>
        %get3A_749 = arith.constant 192 : index
        %get3A_750 = tpu.vector_load %arg19[%get3A_749] {strides = array<i32>} : memref<256xf32, #tpu.memory_space<vmem>>, vector<16xf32>,
        %add3A_751 = arith.addf %add3A_748, %get3A_750 : vector<16xf32>
        %max3A_752 = arith.constant 0.000000e+00 : f32
        %max3A_753 = vector.broadcast %max3A_752 : f32 to vector<16xf32>
        %max3A_754 = arith.maximumf %add3A_751, %max3A_753 : vector<16xf32>
        %swap3A_755 = arith.index_cast %scan3A_248 : i32 to index
        %swap3A_756 = arith.constant 192 : index
        %swap3A_757 = tpu.vector_load %arg16[%swap3A_755, %swap3A_756] {strides = array<i32>} : memref<32x256xf32, #tpu.memory_space<vmem>>, vector<16xf32>,
        tpu.vector_store %arg16[%swap3A_755, %swap3A_756], %max3A_754 {strides = array<i32>} : memref<32x256xf32, #tpu.memory_space<vmem>>, vector<16xf32>,
        %get3A_758 = arith.index_cast %scan3A_248 : i32 to index
        %get3A_759 = arith.constant 208 : index
        %get3A_760 = tpu.vector_load %arg14[%get3A_758, %get3A_759] {strides = array<i32>} : memref<128x256xf32, #tpu.memory_space<vmem>>, vector<16xf32>,
        %mul3A_761 = arith.mulf %get3A_760, %gather3A : vector<16xf32>
        %add3A_762 = arith.constant 32 : i32
        %add3A_763 = arith.addi %add3A_762, %scan3A_248 : i32
        %get3A_764 = arith.index_cast %add3A_763 : i32 to index
        %get3A_765 = arith.constant 208 : index
        %get3A_766 = tpu.vector_load %arg14[%get3A_764, %get3A_765] {strides = array<i32>} : memref<128x256xf32, #tpu.memory_space<vmem>>, vector<16xf32>,
        %mul3A_767 = arith.mulf %get3A_766, %gather3A_257 : vector<16xf32>
        %add3A_768 = arith.addf %mul3A_761, %mul3A_767 : vector<16xf32>
        %add3A_769 = arith.constant 64 : i32
        %add3A_770 = arith.addi %add3A_769, %scan3A_248 : i32
        %get3A_771 = arith.index_cast %add3A_770 : i32 to index
        %get3A_772 = arith.constant 208 : index
        %get3A_773 = tpu.vector_load %arg14[%get3A_771, %get3A_772] {strides = array<i32>} : memref<128x256xf32, #tpu.memory_space<vmem>>, vector<16xf32>,
        %mul3A_774 = arith.mulf %get3A_773, %gather3A_260 : vector<16xf32>
        %add3A_775 = arith.addf %add3A_768, %mul3A_774 : vector<16xf32>
        %add3A_776 = arith.constant 96 : i32
        %add3A_777 = arith.addi %add3A_776, %scan3A_248 : i32
        %get3A_778 = arith.index_cast %add3A_777 : i32 to index
        %get3A_779 = arith.constant 208 : index
        %get3A_780 = tpu.vector_load %arg14[%get3A_778, %get3A_779] {strides = array<i32>} : memref<128x256xf32, #tpu.memory_space<vmem>>, vector<16xf32>,
        %mul3A_781 = arith.mulf %get3A_780, %gather3A_263 : vector<16xf32>
        %add3A_782 = arith.addf %add3A_775, %mul3A_781 : vector<16xf32>
        %get3A_783 = arith.constant 208 : index
        %get3A_784 = tpu.vector_load %arg18[%get3A_783] {strides = array<i32>} : memref<256xf32, #tpu.memory_space<vmem>>, vector<16xf32>,
        %mul3A_785 = arith.mulf %gather3A_266, %get3A_784 : vector<16xf32>
        %add3A_786 = arith.addf %add3A_782, %mul3A_785 : vector<16xf32>
        %get3A_787 = arith.constant 208 : index
        %get3A_788 = tpu.vector_load %arg19[%get3A_787] {strides = array<i32>} : memref<256xf32, #tpu.memory_space<vmem>>, vector<16xf32>,
        %add3A_789 = arith.addf %add3A_786, %get3A_788 : vector<16xf32>
        %max3A_790 = arith.constant 0.000000e+00 : f32
        %max3A_791 = vector.broadcast %max3A_790 : f32 to vector<16xf32>
        %max3A_792 = arith.maximumf %add3A_789, %max3A_791 : vector<16xf32>
        %swap3A_793 = arith.index_cast %scan3A_248 : i32 to index
        %swap3A_794 = arith.constant 208 : index
        %swap3A_795 = tpu.vector_load %arg16[%swap3A_793, %swap3A_794] {strides = array<i32>} : memref<32x256xf32, #tpu.memory_space<vmem>>, vector<16xf32>,
        tpu.vector_store %arg16[%swap3A_793, %swap3A_794], %max3A_792 {strides = array<i32>} : memref<32x256xf32, #tpu.memory_space<vmem>>, vector<16xf32>,
        %get3A_796 = arith.index_cast %scan3A_248 : i32 to index
        %get3A_797 = arith.constant 224 : index
        %get3A_798 = tpu.vector_load %arg14[%get3A_796, %get3A_797] {strides = array<i32>} : memref<128x256xf32, #tpu.memory_space<vmem>>, vector<16xf32>,
        %mul3A_799 = arith.mulf %get3A_798, %gather3A : vector<16xf32>
        %add3A_800 = arith.constant 32 : i32
        %add3A_801 = arith.addi %add3A_800, %scan3A_248 : i32
        %get3A_802 = arith.index_cast %add3A_801 : i32 to index
        %get3A_803 = arith.constant 224 : index
        %get3A_804 = tpu.vector_load %arg14[%get3A_802, %get3A_803] {strides = array<i32>} : memref<128x256xf32, #tpu.memory_space<vmem>>, vector<16xf32>,
        %mul3A_805 = arith.mulf %get3A_804, %gather3A_257 : vector<16xf32>
        %add3A_806 = arith.addf %mul3A_799, %mul3A_805 : vector<16xf32>
        %add3A_807 = arith.constant 64 : i32
        %add3A_808 = arith.addi %add3A_807, %scan3A_248 : i32
        %get3A_809 = arith.index_cast %add3A_808 : i32 to index
        %get3A_810 = arith.constant 224 : index
        %get3A_811 = tpu.vector_load %arg14[%get3A_809, %get3A_810] {strides = array<i32>} : memref<128x256xf32, #tpu.memory_space<vmem>>, vector<16xf32>,
        %mul3A_812 = arith.mulf %get3A_811, %gather3A_260 : vector<16xf32>
        %add3A_813 = arith.addf %add3A_806, %mul3A_812 : vector<16xf32>
        %add3A_814 = arith.constant 96 : i32
        %add3A_815 = arith.addi %add3A_814, %scan3A_248 : i32
        %get3A_816 = arith.index_cast %add3A_815 : i32 to index
        %get3A_817 = arith.constant 224 : index
        %get3A_818 = tpu.vector_load %arg14[%get3A_816, %get3A_817] {strides = array<i32>} : memref<128x256xf32, #tpu.memory_space<vmem>>, vector<16xf32>,
        %mul3A_819 = arith.mulf %get3A_818, %gather3A_263 : vector<16xf32>
        %add3A_820 = arith.addf %add3A_813, %mul3A_819 : vector<16xf32>
        %get3A_821 = arith.constant 224 : index
        %get3A_822 = tpu.vector_load %arg18[%get3A_821] {strides = array<i32>} : memref<256xf32, #tpu.memory_space<vmem>>, vector<16xf32>,
        %mul3A_823 = arith.mulf %gather3A_266, %get3A_822 : vector<16xf32>
        %add3A_824 = arith.addf %add3A_820, %mul3A_823 : vector<16xf32>
        %get3A_825 = arith.constant 224 : index
        %get3A_826 = tpu.vector_load %arg19[%get3A_825] {strides = array<i32>} : memref<256xf32, #tpu.memory_space<vmem>>, vector<16xf32>,
        %add3A_827 = arith.addf %add3A_824, %get3A_826 : vector<16xf32>
        %max3A_828 = arith.constant 0.000000e+00 : f32
        %max3A_829 = vector.broadcast %max3A_828 : f32 to vector<16xf32>
        %max3A_830 = arith.maximumf %add3A_827, %max3A_829 : vector<16xf32>
        %swap3A_831 = arith.index_cast %scan3A_248 : i32 to index
        %swap3A_832 = arith.constant 224 : index
        %swap3A_833 = tpu.vector_load %arg16[%swap3A_831, %swap3A_832] {strides = array<i32>} : memref<32x256xf32, #tpu.memory_space<vmem>>, vector<16xf32>,
        tpu.vector_store %arg16[%swap3A_831, %swap3A_832], %max3A_830 {strides = array<i32>} : memref<32x256xf32, #tpu.memory_space<vmem>>, vector<16xf32>,
        %get3A_834 = arith.index_cast %scan3A_248 : i32 to index
        %get3A_835 = arith.constant 240 : index
        %get3A_836 = tpu.vector_load %arg14[%get3A_834, %get3A_835] {strides = array<i32>} : memref<128x256xf32, #tpu.memory_space<vmem>>, vector<16xf32>,
        %mul3A_837 = arith.mulf %get3A_836, %gather3A : vector<16xf32>
        %add3A_838 = arith.constant 32 : i32
        %add3A_839 = arith.addi %add3A_838, %scan3A_248 : i32
        %get3A_840 = arith.index_cast %add3A_839 : i32 to index
        %get3A_841 = arith.constant 240 : index
        %get3A_842 = tpu.vector_load %arg14[%get3A_840, %get3A_841] {strides = array<i32>} : memref<128x256xf32, #tpu.memory_space<vmem>>, vector<16xf32>,
        %mul3A_843 = arith.mulf %get3A_842, %gather3A_257 : vector<16xf32>
        %add3A_844 = arith.addf %mul3A_837, %mul3A_843 : vector<16xf32>
        %add3A_845 = arith.constant 64 : i32
        %add3A_846 = arith.addi %add3A_845, %scan3A_248 : i32
        %get3A_847 = arith.index_cast %add3A_846 : i32 to index
        %get3A_848 = arith.constant 240 : index
        %get3A_849 = tpu.vector_load %arg14[%get3A_847, %get3A_848] {strides = array<i32>} : memref<128x256xf32, #tpu.memory_space<vmem>>, vector<16xf32>,
        %mul3A_850 = arith.mulf %get3A_849, %gather3A_260 : vector<16xf32>
        %add3A_851 = arith.addf %add3A_844, %mul3A_850 : vector<16xf32>
        %add3A_852 = arith.constant 96 : i32
        %add3A_853 = arith.addi %add3A_852, %scan3A_248 : i32
        %get3A_854 = arith.index_cast %add3A_853 : i32 to index
        %get3A_855 = arith.constant 240 : index
        %get3A_856 = tpu.vector_load %arg14[%get3A_854, %get3A_855] {strides = array<i32>} : memref<128x256xf32, #tpu.memory_space<vmem>>, vector<16xf32>,
        %mul3A_857 = arith.mulf %get3A_856, %gather3A_263 : vector<16xf32>
        %add3A_858 = arith.addf %add3A_851, %mul3A_857 : vector<16xf32>
        %get3A_859 = arith.constant 240 : index
        %get3A_860 = tpu.vector_load %arg18[%get3A_859] {strides = array<i32>} : memref<256xf32, #tpu.memory_space<vmem>>, vector<16xf32>,
        %mul3A_861 = arith.mulf %gather3A_266, %get3A_860 : vector<16xf32>
        %add3A_862 = arith.addf %add3A_858, %mul3A_861 : vector<16xf32>
        %get3A_863 = arith.constant 240 : index
        %get3A_864 = tpu.vector_load %arg19[%get3A_863] {strides = array<i32>} : memref<256xf32, #tpu.memory_space<vmem>>, vector<16xf32>,
        %add3A_865 = arith.addf %add3A_862, %get3A_864 : vector<16xf32>
        %max3A_866 = arith.constant 0.000000e+00 : f32
        %max3A_867 = vector.broadcast %max3A_866 : f32 to vector<16xf32>
        %max3A_868 = arith.maximumf %add3A_865, %max3A_867 : vector<16xf32>
        %swap3A_869 = arith.index_cast %scan3A_248 : i32 to index
        %swap3A_870 = arith.constant 240 : index
        %swap3A_871 = tpu.vector_load %arg16[%swap3A_869, %swap3A_870] {strides = array<i32>} : memref<32x256xf32, #tpu.memory_space<vmem>>, vector<16xf32>,
        tpu.vector_store %arg16[%swap3A_869, %swap3A_870], %max3A_868 {strides = array<i32>} : memref<32x256xf32, #tpu.memory_space<vmem>>, vector<16xf32>,
      }
      %scan3A_238 = arith.constant 32 : i32
      %add3A_239 = arith.constant 1 : i32
      %add3A_240 = arith.addi %mul3A_84, %add3A_239 : i32
      %mul3A_241 = arith.constant 32 : i32
      %mul3A_242 = arith.muli %add3A_240, %mul3A_241 : i32
      %add3A_243 = arith.addi %mul3A_18, %mul3A_242 : i32
      %dma_start3A_244 = arith.constant 0 : i32
      %dma_start3A_245 = tpu.memref_slice %arg8[%add3A_243, %dma_start3A_244] : memref<65536x256xf32, #tpu.memory_space<hbm>> -> memref<32x256xf32, #tpu.memory_space<hbm>>
      %dma_start3A_246 = arith.constant 0 : i32
      %dma_start3A_247 = tpu.memref_slice %arg8[%add3A_243, %dma_start3A_246] : memref<65536x256xf32, #tpu.memory_space<hbm>> -> memref<32x256xf32, #tpu.memory_space<hbm>>
      tpu.enqueue_dma source(%arg16 : memref<32x256xf32, #tpu.memory_space<vmem>>) target(%dma_start3A_247 : memref<32x256xf32, #tpu.memory_space<hbm>>) target_semaphore(%arg23 : memref<!tpu.dma_semaphore, #tpu.memory_space<semaphore_mem>>)
    }
    %scan3A_70 = arith.constant 32 : i32
    %add3A_71 = arith.constant 1984 : i32
    %add3A_72 = arith.addi %mul3A_18, %add3A_71 : i32
    %dma_wait3A = arith.constant 0 : i32
    %dma_wait3A_73 = tpu.memref_slice %arg8[%add3A_72, %dma_wait3A] : memref<65536x256xf32, #tpu.memory_space<hbm>> -> memref<32x256xf32, #tpu.memory_space<hbm>>
    %dma_wait3A_74 = arith.constant 0 : i32
    %dma_wait3A_75 = tpu.memref_slice %arg8[%add3A_72, %dma_wait3A_74] : memref<65536x256xf32, #tpu.memory_space<hbm>> -> memref<32x256xf32, #tpu.memory_space<hbm>>
    tpu.wait_dma2 semaphore(%arg22 : memref<!tpu.dma_semaphore, #tpu.memory_space<semaphore_mem>>) src(%arg15 : memref<32x256xf32, #tpu.memory_space<vmem>>) dst(%dma_wait3A_75 : memref<32x256xf32, #tpu.memory_space<hbm>>)
    %add3A_76 = arith.constant 2016 : i32
    %add3A_77 = arith.addi %mul3A_18, %add3A_76 : i32
    %dma_wait3A_78 = arith.constant 0 : i32
    %dma_wait3A_79 = tpu.memref_slice %arg8[%add3A_77, %dma_wait3A_78] : memref<65536x256xf32, #tpu.memory_space<hbm>> -> memref<32x256xf32, #tpu.memory_space<hbm>>
    %dma_wait3A_80 = arith.constant 0 : i32
    %dma_wait3A_81 = tpu.memref_slice %arg8[%add3A_77, %dma_wait3A_80] : memref<65536x256xf32, #tpu.memory_space<hbm>> -> memref<32x256xf32, #tpu.memory_space<hbm>>
    tpu.wait_dma2 semaphore(%arg23 : memref<!tpu.dma_semaphore, #tpu.memory_space<semaphore_mem>>) src(%arg16 : memref<32x256xf32, #tpu.memory_space<vmem>>) dst(%dma_wait3A_81 : memref<32x256xf32, #tpu.memory_space<hbm>>)
    return
  }
}

module attributes {stable_mosaic.version = 14 : i64} {
  func.func @_z_kernel(%arg0: i32, %arg1: i32, %arg2: memref<1x384x16x128xf32, #tpu.memory_space<vmem>>, %arg3: memref<256x384xf32, #tpu.memory_space<vmem>>, %arg4: memref<2048x256xf32, #tpu.memory_space<vmem>>) attributes {dimension_semantics = [#tpu.dimension_semantics<arbitrary>, #tpu.dimension_semantics<arbitrary>], iteration_bounds = array<i64: 8, 8>, scalar_prefetch = 0 : i64, scratch_operands = 0 : i64, tpu.core_type = #tpu.core_type<tc>, window_params = [{transform_indices = @transform_0, window_bounds = array<i64: 1, 384, 16, 128>}, {pipeline_mode = #tpu.pipeline_mode<synchronous>, transform_indices = @transform_1, window_bounds = array<i64: 256, 384>}, {transform_indices = @transform_2, window_bounds = array<i64: 2048, 256>}]} {
    %get3A = arith.constant 0 : index
    %get3A_0 = arith.constant 0 : index
    %get3A_1 = arith.constant 0 : index
    %get3A_2 = arith.constant 0 : index
    %get3A_3 = vector.load %arg2[%get3A, %get3A_0, %get3A_1, %get3A_2] : memref<1x384x16x128xf32, #tpu.memory_space<vmem>>, vector<1x384x1x128xf32>
    %get3A_4 = vector.shape_cast %get3A_3 : vector<1x384x1x128xf32> to vector<384x128xf32>
    %get3A_5 = arith.constant 0 : index
    %get3A_6 = arith.constant 0 : index
    %get3A_7 = vector.load %arg3[%get3A_5, %get3A_6] : memref<256x384xf32, #tpu.memory_space<vmem>>, vector<256x384xf32>
    %dot_general3A = arith.constant dense<0.000000e+00> : vector<128x256xf32>
    %dot_general3A_8 = tpu.matmul %get3A_4, %get3A_7, %dot_general3A {dimension_numbers = #tpu.dot_dimension_numbers<[0], [1], [1], [0], [0, 1, 1, 0], [], []>, transpose_lhs_hint = false} : vector<384x128xf32>, vector<256x384xf32>, vector<128x256xf32> -> vector<128x256xf32>
    %swap3A = arith.constant 0 : index
    %swap3A_9 = arith.constant 0 : index
    %swap3A_10 = vector.load %arg4[%swap3A, %swap3A_9] : memref<2048x256xf32, #tpu.memory_space<vmem>>, vector<128x256xf32>
    tpu.vector_store %arg4[%swap3A, %swap3A_9], %dot_general3A_8 {strides = array<i32>} : memref<2048x256xf32, #tpu.memory_space<vmem>>, vector<128x256xf32>,
    %get3A_11 = arith.constant 0 : index
    %get3A_12 = arith.constant 0 : index
    %get3A_13 = arith.constant 1 : index
    %get3A_14 = arith.constant 0 : index
    %get3A_15 = vector.load %arg2[%get3A_11, %get3A_12, %get3A_13, %get3A_14] : memref<1x384x16x128xf32, #tpu.memory_space<vmem>>, vector<1x384x1x128xf32>
    %get3A_16 = vector.shape_cast %get3A_15 : vector<1x384x1x128xf32> to vector<384x128xf32>
    %get3A_17 = arith.constant 0 : index
    %get3A_18 = arith.constant 0 : index
    %get3A_19 = vector.load %arg3[%get3A_17, %get3A_18] : memref<256x384xf32, #tpu.memory_space<vmem>>, vector<256x384xf32>
    %dot_general3A_20 = arith.constant dense<0.000000e+00> : vector<128x256xf32>
    %dot_general3A_21 = tpu.matmul %get3A_16, %get3A_19, %dot_general3A_20 {dimension_numbers = #tpu.dot_dimension_numbers<[0], [1], [1], [0], [0, 1, 1, 0], [], []>, transpose_lhs_hint = false} : vector<384x128xf32>, vector<256x384xf32>, vector<128x256xf32> -> vector<128x256xf32>
    %swap3A_22 = arith.constant 128 : index
    %swap3A_23 = arith.constant 0 : index
    %swap3A_24 = vector.load %arg4[%swap3A_22, %swap3A_23] : memref<2048x256xf32, #tpu.memory_space<vmem>>, vector<128x256xf32>
    tpu.vector_store %arg4[%swap3A_22, %swap3A_23], %dot_general3A_21 {strides = array<i32>} : memref<2048x256xf32, #tpu.memory_space<vmem>>, vector<128x256xf32>,
    %get3A_25 = arith.constant 0 : index
    %get3A_26 = arith.constant 0 : index
    %get3A_27 = arith.constant 2 : index
    %get3A_28 = arith.constant 0 : index
    %get3A_29 = vector.load %arg2[%get3A_25, %get3A_26, %get3A_27, %get3A_28] : memref<1x384x16x128xf32, #tpu.memory_space<vmem>>, vector<1x384x1x128xf32>
    %get3A_30 = vector.shape_cast %get3A_29 : vector<1x384x1x128xf32> to vector<384x128xf32>
    %get3A_31 = arith.constant 0 : index
    %get3A_32 = arith.constant 0 : index
    %get3A_33 = vector.load %arg3[%get3A_31, %get3A_32] : memref<256x384xf32, #tpu.memory_space<vmem>>, vector<256x384xf32>
    %dot_general3A_34 = arith.constant dense<0.000000e+00> : vector<128x256xf32>
    %dot_general3A_35 = tpu.matmul %get3A_30, %get3A_33, %dot_general3A_34 {dimension_numbers = #tpu.dot_dimension_numbers<[0], [1], [1], [0], [0, 1, 1, 0], [], []>, transpose_lhs_hint = false} : vector<384x128xf32>, vector<256x384xf32>, vector<128x256xf32> -> vector<128x256xf32>
    %swap3A_36 = arith.constant 256 : index
    %swap3A_37 = arith.constant 0 : index
    %swap3A_38 = vector.load %arg4[%swap3A_36, %swap3A_37] : memref<2048x256xf32, #tpu.memory_space<vmem>>, vector<128x256xf32>
    tpu.vector_store %arg4[%swap3A_36, %swap3A_37], %dot_general3A_35 {strides = array<i32>} : memref<2048x256xf32, #tpu.memory_space<vmem>>, vector<128x256xf32>,
    %get3A_39 = arith.constant 0 : index
    %get3A_40 = arith.constant 0 : index
    %get3A_41 = arith.constant 3 : index
    %get3A_42 = arith.constant 0 : index
    %get3A_43 = vector.load %arg2[%get3A_39, %get3A_40, %get3A_41, %get3A_42] : memref<1x384x16x128xf32, #tpu.memory_space<vmem>>, vector<1x384x1x128xf32>
    %get3A_44 = vector.shape_cast %get3A_43 : vector<1x384x1x128xf32> to vector<384x128xf32>
    %get3A_45 = arith.constant 0 : index
    %get3A_46 = arith.constant 0 : index
    %get3A_47 = vector.load %arg3[%get3A_45, %get3A_46] : memref<256x384xf32, #tpu.memory_space<vmem>>, vector<256x384xf32>
    %dot_general3A_48 = arith.constant dense<0.000000e+00> : vector<128x256xf32>
    %dot_general3A_49 = tpu.matmul %get3A_44, %get3A_47, %dot_general3A_48 {dimension_numbers = #tpu.dot_dimension_numbers<[0], [1], [1], [0], [0, 1, 1, 0], [], []>, transpose_lhs_hint = false} : vector<384x128xf32>, vector<256x384xf32>, vector<128x256xf32> -> vector<128x256xf32>
    %swap3A_50 = arith.constant 384 : index
    %swap3A_51 = arith.constant 0 : index
    %swap3A_52 = vector.load %arg4[%swap3A_50, %swap3A_51] : memref<2048x256xf32, #tpu.memory_space<vmem>>, vector<128x256xf32>
    tpu.vector_store %arg4[%swap3A_50, %swap3A_51], %dot_general3A_49 {strides = array<i32>} : memref<2048x256xf32, #tpu.memory_space<vmem>>, vector<128x256xf32>,
    %get3A_53 = arith.constant 0 : index
    %get3A_54 = arith.constant 0 : index
    %get3A_55 = arith.constant 4 : index
    %get3A_56 = arith.constant 0 : index
    %get3A_57 = vector.load %arg2[%get3A_53, %get3A_54, %get3A_55, %get3A_56] : memref<1x384x16x128xf32, #tpu.memory_space<vmem>>, vector<1x384x1x128xf32>
    %get3A_58 = vector.shape_cast %get3A_57 : vector<1x384x1x128xf32> to vector<384x128xf32>
    %get3A_59 = arith.constant 0 : index
    %get3A_60 = arith.constant 0 : index
    %get3A_61 = vector.load %arg3[%get3A_59, %get3A_60] : memref<256x384xf32, #tpu.memory_space<vmem>>, vector<256x384xf32>
    %dot_general3A_62 = arith.constant dense<0.000000e+00> : vector<128x256xf32>
    %dot_general3A_63 = tpu.matmul %get3A_58, %get3A_61, %dot_general3A_62 {dimension_numbers = #tpu.dot_dimension_numbers<[0], [1], [1], [0], [0, 1, 1, 0], [], []>, transpose_lhs_hint = false} : vector<384x128xf32>, vector<256x384xf32>, vector<128x256xf32> -> vector<128x256xf32>
    %swap3A_64 = arith.constant 512 : index
    %swap3A_65 = arith.constant 0 : index
    %swap3A_66 = vector.load %arg4[%swap3A_64, %swap3A_65] : memref<2048x256xf32, #tpu.memory_space<vmem>>, vector<128x256xf32>
    tpu.vector_store %arg4[%swap3A_64, %swap3A_65], %dot_general3A_63 {strides = array<i32>} : memref<2048x256xf32, #tpu.memory_space<vmem>>, vector<128x256xf32>,
    %get3A_67 = arith.constant 0 : index
    %get3A_68 = arith.constant 0 : index
    %get3A_69 = arith.constant 5 : index
    %get3A_70 = arith.constant 0 : index
    %get3A_71 = vector.load %arg2[%get3A_67, %get3A_68, %get3A_69, %get3A_70] : memref<1x384x16x128xf32, #tpu.memory_space<vmem>>, vector<1x384x1x128xf32>
    %get3A_72 = vector.shape_cast %get3A_71 : vector<1x384x1x128xf32> to vector<384x128xf32>
    %get3A_73 = arith.constant 0 : index
    %get3A_74 = arith.constant 0 : index
    %get3A_75 = vector.load %arg3[%get3A_73, %get3A_74] : memref<256x384xf32, #tpu.memory_space<vmem>>, vector<256x384xf32>
    %dot_general3A_76 = arith.constant dense<0.000000e+00> : vector<128x256xf32>
    %dot_general3A_77 = tpu.matmul %get3A_72, %get3A_75, %dot_general3A_76 {dimension_numbers = #tpu.dot_dimension_numbers<[0], [1], [1], [0], [0, 1, 1, 0], [], []>, transpose_lhs_hint = false} : vector<384x128xf32>, vector<256x384xf32>, vector<128x256xf32> -> vector<128x256xf32>
    %swap3A_78 = arith.constant 640 : index
    %swap3A_79 = arith.constant 0 : index
    %swap3A_80 = vector.load %arg4[%swap3A_78, %swap3A_79] : memref<2048x256xf32, #tpu.memory_space<vmem>>, vector<128x256xf32>
    tpu.vector_store %arg4[%swap3A_78, %swap3A_79], %dot_general3A_77 {strides = array<i32>} : memref<2048x256xf32, #tpu.memory_space<vmem>>, vector<128x256xf32>,
    %get3A_81 = arith.constant 0 : index
    %get3A_82 = arith.constant 0 : index
    %get3A_83 = arith.constant 6 : index
    %get3A_84 = arith.constant 0 : index
    %get3A_85 = vector.load %arg2[%get3A_81, %get3A_82, %get3A_83, %get3A_84] : memref<1x384x16x128xf32, #tpu.memory_space<vmem>>, vector<1x384x1x128xf32>
    %get3A_86 = vector.shape_cast %get3A_85 : vector<1x384x1x128xf32> to vector<384x128xf32>
    %get3A_87 = arith.constant 0 : index
    %get3A_88 = arith.constant 0 : index
    %get3A_89 = vector.load %arg3[%get3A_87, %get3A_88] : memref<256x384xf32, #tpu.memory_space<vmem>>, vector<256x384xf32>
    %dot_general3A_90 = arith.constant dense<0.000000e+00> : vector<128x256xf32>
    %dot_general3A_91 = tpu.matmul %get3A_86, %get3A_89, %dot_general3A_90 {dimension_numbers = #tpu.dot_dimension_numbers<[0], [1], [1], [0], [0, 1, 1, 0], [], []>, transpose_lhs_hint = false} : vector<384x128xf32>, vector<256x384xf32>, vector<128x256xf32> -> vector<128x256xf32>
    %swap3A_92 = arith.constant 768 : index
    %swap3A_93 = arith.constant 0 : index
    %swap3A_94 = vector.load %arg4[%swap3A_92, %swap3A_93] : memref<2048x256xf32, #tpu.memory_space<vmem>>, vector<128x256xf32>
    tpu.vector_store %arg4[%swap3A_92, %swap3A_93], %dot_general3A_91 {strides = array<i32>} : memref<2048x256xf32, #tpu.memory_space<vmem>>, vector<128x256xf32>,
    %get3A_95 = arith.constant 0 : index
    %get3A_96 = arith.constant 0 : index
    %get3A_97 = arith.constant 7 : index
    %get3A_98 = arith.constant 0 : index
    %get3A_99 = vector.load %arg2[%get3A_95, %get3A_96, %get3A_97, %get3A_98] : memref<1x384x16x128xf32, #tpu.memory_space<vmem>>, vector<1x384x1x128xf32>
    %get3A_100 = vector.shape_cast %get3A_99 : vector<1x384x1x128xf32> to vector<384x128xf32>
    %get3A_101 = arith.constant 0 : index
    %get3A_102 = arith.constant 0 : index
    %get3A_103 = vector.load %arg3[%get3A_101, %get3A_102] : memref<256x384xf32, #tpu.memory_space<vmem>>, vector<256x384xf32>
    %dot_general3A_104 = arith.constant dense<0.000000e+00> : vector<128x256xf32>
    %dot_general3A_105 = tpu.matmul %get3A_100, %get3A_103, %dot_general3A_104 {dimension_numbers = #tpu.dot_dimension_numbers<[0], [1], [1], [0], [0, 1, 1, 0], [], []>, transpose_lhs_hint = false} : vector<384x128xf32>, vector<256x384xf32>, vector<128x256xf32> -> vector<128x256xf32>
    %swap3A_106 = arith.constant 896 : index
    %swap3A_107 = arith.constant 0 : index
    %swap3A_108 = vector.load %arg4[%swap3A_106, %swap3A_107] : memref<2048x256xf32, #tpu.memory_space<vmem>>, vector<128x256xf32>
    tpu.vector_store %arg4[%swap3A_106, %swap3A_107], %dot_general3A_105 {strides = array<i32>} : memref<2048x256xf32, #tpu.memory_space<vmem>>, vector<128x256xf32>,
    %get3A_109 = arith.constant 0 : index
    %get3A_110 = arith.constant 0 : index
    %get3A_111 = arith.constant 8 : index
    %get3A_112 = arith.constant 0 : index
    %get3A_113 = vector.load %arg2[%get3A_109, %get3A_110, %get3A_111, %get3A_112] : memref<1x384x16x128xf32, #tpu.memory_space<vmem>>, vector<1x384x1x128xf32>
    %get3A_114 = vector.shape_cast %get3A_113 : vector<1x384x1x128xf32> to vector<384x128xf32>
    %get3A_115 = arith.constant 0 : index
    %get3A_116 = arith.constant 0 : index
    %get3A_117 = vector.load %arg3[%get3A_115, %get3A_116] : memref<256x384xf32, #tpu.memory_space<vmem>>, vector<256x384xf32>
    %dot_general3A_118 = arith.constant dense<0.000000e+00> : vector<128x256xf32>
    %dot_general3A_119 = tpu.matmul %get3A_114, %get3A_117, %dot_general3A_118 {dimension_numbers = #tpu.dot_dimension_numbers<[0], [1], [1], [0], [0, 1, 1, 0], [], []>, transpose_lhs_hint = false} : vector<384x128xf32>, vector<256x384xf32>, vector<128x256xf32> -> vector<128x256xf32>
    %swap3A_120 = arith.constant 1024 : index
    %swap3A_121 = arith.constant 0 : index
    %swap3A_122 = vector.load %arg4[%swap3A_120, %swap3A_121] : memref<2048x256xf32, #tpu.memory_space<vmem>>, vector<128x256xf32>
    tpu.vector_store %arg4[%swap3A_120, %swap3A_121], %dot_general3A_119 {strides = array<i32>} : memref<2048x256xf32, #tpu.memory_space<vmem>>, vector<128x256xf32>,
    %get3A_123 = arith.constant 0 : index
    %get3A_124 = arith.constant 0 : index
    %get3A_125 = arith.constant 9 : index
    %get3A_126 = arith.constant 0 : index
    %get3A_127 = vector.load %arg2[%get3A_123, %get3A_124, %get3A_125, %get3A_126] : memref<1x384x16x128xf32, #tpu.memory_space<vmem>>, vector<1x384x1x128xf32>
    %get3A_128 = vector.shape_cast %get3A_127 : vector<1x384x1x128xf32> to vector<384x128xf32>
    %get3A_129 = arith.constant 0 : index
    %get3A_130 = arith.constant 0 : index
    %get3A_131 = vector.load %arg3[%get3A_129, %get3A_130] : memref<256x384xf32, #tpu.memory_space<vmem>>, vector<256x384xf32>
    %dot_general3A_132 = arith.constant dense<0.000000e+00> : vector<128x256xf32>
    %dot_general3A_133 = tpu.matmul %get3A_128, %get3A_131, %dot_general3A_132 {dimension_numbers = #tpu.dot_dimension_numbers<[0], [1], [1], [0], [0, 1, 1, 0], [], []>, transpose_lhs_hint = false} : vector<384x128xf32>, vector<256x384xf32>, vector<128x256xf32> -> vector<128x256xf32>
    %swap3A_134 = arith.constant 1152 : index
    %swap3A_135 = arith.constant 0 : index
    %swap3A_136 = vector.load %arg4[%swap3A_134, %swap3A_135] : memref<2048x256xf32, #tpu.memory_space<vmem>>, vector<128x256xf32>
    tpu.vector_store %arg4[%swap3A_134, %swap3A_135], %dot_general3A_133 {strides = array<i32>} : memref<2048x256xf32, #tpu.memory_space<vmem>>, vector<128x256xf32>,
    %get3A_137 = arith.constant 0 : index
    %get3A_138 = arith.constant 0 : index
    %get3A_139 = arith.constant 10 : index
    %get3A_140 = arith.constant 0 : index
    %get3A_141 = vector.load %arg2[%get3A_137, %get3A_138, %get3A_139, %get3A_140] : memref<1x384x16x128xf32, #tpu.memory_space<vmem>>, vector<1x384x1x128xf32>
    %get3A_142 = vector.shape_cast %get3A_141 : vector<1x384x1x128xf32> to vector<384x128xf32>
    %get3A_143 = arith.constant 0 : index
    %get3A_144 = arith.constant 0 : index
    %get3A_145 = vector.load %arg3[%get3A_143, %get3A_144] : memref<256x384xf32, #tpu.memory_space<vmem>>, vector<256x384xf32>
    %dot_general3A_146 = arith.constant dense<0.000000e+00> : vector<128x256xf32>
    %dot_general3A_147 = tpu.matmul %get3A_142, %get3A_145, %dot_general3A_146 {dimension_numbers = #tpu.dot_dimension_numbers<[0], [1], [1], [0], [0, 1, 1, 0], [], []>, transpose_lhs_hint = false} : vector<384x128xf32>, vector<256x384xf32>, vector<128x256xf32> -> vector<128x256xf32>
    %swap3A_148 = arith.constant 1280 : index
    %swap3A_149 = arith.constant 0 : index
    %swap3A_150 = vector.load %arg4[%swap3A_148, %swap3A_149] : memref<2048x256xf32, #tpu.memory_space<vmem>>, vector<128x256xf32>
    tpu.vector_store %arg4[%swap3A_148, %swap3A_149], %dot_general3A_147 {strides = array<i32>} : memref<2048x256xf32, #tpu.memory_space<vmem>>, vector<128x256xf32>,
    %get3A_151 = arith.constant 0 : index
    %get3A_152 = arith.constant 0 : index
    %get3A_153 = arith.constant 11 : index
    %get3A_154 = arith.constant 0 : index
    %get3A_155 = vector.load %arg2[%get3A_151, %get3A_152, %get3A_153, %get3A_154] : memref<1x384x16x128xf32, #tpu.memory_space<vmem>>, vector<1x384x1x128xf32>
    %get3A_156 = vector.shape_cast %get3A_155 : vector<1x384x1x128xf32> to vector<384x128xf32>
    %get3A_157 = arith.constant 0 : index
    %get3A_158 = arith.constant 0 : index
    %get3A_159 = vector.load %arg3[%get3A_157, %get3A_158] : memref<256x384xf32, #tpu.memory_space<vmem>>, vector<256x384xf32>
    %dot_general3A_160 = arith.constant dense<0.000000e+00> : vector<128x256xf32>
    %dot_general3A_161 = tpu.matmul %get3A_156, %get3A_159, %dot_general3A_160 {dimension_numbers = #tpu.dot_dimension_numbers<[0], [1], [1], [0], [0, 1, 1, 0], [], []>, transpose_lhs_hint = false} : vector<384x128xf32>, vector<256x384xf32>, vector<128x256xf32> -> vector<128x256xf32>
    %swap3A_162 = arith.constant 1408 : index
    %swap3A_163 = arith.constant 0 : index
    %swap3A_164 = vector.load %arg4[%swap3A_162, %swap3A_163] : memref<2048x256xf32, #tpu.memory_space<vmem>>, vector<128x256xf32>
    tpu.vector_store %arg4[%swap3A_162, %swap3A_163], %dot_general3A_161 {strides = array<i32>} : memref<2048x256xf32, #tpu.memory_space<vmem>>, vector<128x256xf32>,
    %get3A_165 = arith.constant 0 : index
    %get3A_166 = arith.constant 0 : index
    %get3A_167 = arith.constant 12 : index
    %get3A_168 = arith.constant 0 : index
    %get3A_169 = vector.load %arg2[%get3A_165, %get3A_166, %get3A_167, %get3A_168] : memref<1x384x16x128xf32, #tpu.memory_space<vmem>>, vector<1x384x1x128xf32>
    %get3A_170 = vector.shape_cast %get3A_169 : vector<1x384x1x128xf32> to vector<384x128xf32>
    %get3A_171 = arith.constant 0 : index
    %get3A_172 = arith.constant 0 : index
    %get3A_173 = vector.load %arg3[%get3A_171, %get3A_172] : memref<256x384xf32, #tpu.memory_space<vmem>>, vector<256x384xf32>
    %dot_general3A_174 = arith.constant dense<0.000000e+00> : vector<128x256xf32>
    %dot_general3A_175 = tpu.matmul %get3A_170, %get3A_173, %dot_general3A_174 {dimension_numbers = #tpu.dot_dimension_numbers<[0], [1], [1], [0], [0, 1, 1, 0], [], []>, transpose_lhs_hint = false} : vector<384x128xf32>, vector<256x384xf32>, vector<128x256xf32> -> vector<128x256xf32>
    %swap3A_176 = arith.constant 1536 : index
    %swap3A_177 = arith.constant 0 : index
    %swap3A_178 = vector.load %arg4[%swap3A_176, %swap3A_177] : memref<2048x256xf32, #tpu.memory_space<vmem>>, vector<128x256xf32>
    tpu.vector_store %arg4[%swap3A_176, %swap3A_177], %dot_general3A_175 {strides = array<i32>} : memref<2048x256xf32, #tpu.memory_space<vmem>>, vector<128x256xf32>,
    %get3A_179 = arith.constant 0 : index
    %get3A_180 = arith.constant 0 : index
    %get3A_181 = arith.constant 13 : index
    %get3A_182 = arith.constant 0 : index
    %get3A_183 = vector.load %arg2[%get3A_179, %get3A_180, %get3A_181, %get3A_182] : memref<1x384x16x128xf32, #tpu.memory_space<vmem>>, vector<1x384x1x128xf32>
    %get3A_184 = vector.shape_cast %get3A_183 : vector<1x384x1x128xf32> to vector<384x128xf32>
    %get3A_185 = arith.constant 0 : index
    %get3A_186 = arith.constant 0 : index
    %get3A_187 = vector.load %arg3[%get3A_185, %get3A_186] : memref<256x384xf32, #tpu.memory_space<vmem>>, vector<256x384xf32>
    %dot_general3A_188 = arith.constant dense<0.000000e+00> : vector<128x256xf32>
    %dot_general3A_189 = tpu.matmul %get3A_184, %get3A_187, %dot_general3A_188 {dimension_numbers = #tpu.dot_dimension_numbers<[0], [1], [1], [0], [0, 1, 1, 0], [], []>, transpose_lhs_hint = false} : vector<384x128xf32>, vector<256x384xf32>, vector<128x256xf32> -> vector<128x256xf32>
    %swap3A_190 = arith.constant 1664 : index
    %swap3A_191 = arith.constant 0 : index
    %swap3A_192 = vector.load %arg4[%swap3A_190, %swap3A_191] : memref<2048x256xf32, #tpu.memory_space<vmem>>, vector<128x256xf32>
    tpu.vector_store %arg4[%swap3A_190, %swap3A_191], %dot_general3A_189 {strides = array<i32>} : memref<2048x256xf32, #tpu.memory_space<vmem>>, vector<128x256xf32>,
    %get3A_193 = arith.constant 0 : index
    %get3A_194 = arith.constant 0 : index
    %get3A_195 = arith.constant 14 : index
    %get3A_196 = arith.constant 0 : index
    %get3A_197 = vector.load %arg2[%get3A_193, %get3A_194, %get3A_195, %get3A_196] : memref<1x384x16x128xf32, #tpu.memory_space<vmem>>, vector<1x384x1x128xf32>
    %get3A_198 = vector.shape_cast %get3A_197 : vector<1x384x1x128xf32> to vector<384x128xf32>
    %get3A_199 = arith.constant 0 : index
    %get3A_200 = arith.constant 0 : index
    %get3A_201 = vector.load %arg3[%get3A_199, %get3A_200] : memref<256x384xf32, #tpu.memory_space<vmem>>, vector<256x384xf32>
    %dot_general3A_202 = arith.constant dense<0.000000e+00> : vector<128x256xf32>
    %dot_general3A_203 = tpu.matmul %get3A_198, %get3A_201, %dot_general3A_202 {dimension_numbers = #tpu.dot_dimension_numbers<[0], [1], [1], [0], [0, 1, 1, 0], [], []>, transpose_lhs_hint = false} : vector<384x128xf32>, vector<256x384xf32>, vector<128x256xf32> -> vector<128x256xf32>
    %swap3A_204 = arith.constant 1792 : index
    %swap3A_205 = arith.constant 0 : index
    %swap3A_206 = vector.load %arg4[%swap3A_204, %swap3A_205] : memref<2048x256xf32, #tpu.memory_space<vmem>>, vector<128x256xf32>
    tpu.vector_store %arg4[%swap3A_204, %swap3A_205], %dot_general3A_203 {strides = array<i32>} : memref<2048x256xf32, #tpu.memory_space<vmem>>, vector<128x256xf32>,
    %get3A_207 = arith.constant 0 : index
    %get3A_208 = arith.constant 0 : index
    %get3A_209 = arith.constant 15 : index
    %get3A_210 = arith.constant 0 : index
    %get3A_211 = vector.load %arg2[%get3A_207, %get3A_208, %get3A_209, %get3A_210] : memref<1x384x16x128xf32, #tpu.memory_space<vmem>>, vector<1x384x1x128xf32>
    %get3A_212 = vector.shape_cast %get3A_211 : vector<1x384x1x128xf32> to vector<384x128xf32>
    %get3A_213 = arith.constant 0 : index
    %get3A_214 = arith.constant 0 : index
    %get3A_215 = vector.load %arg3[%get3A_213, %get3A_214] : memref<256x384xf32, #tpu.memory_space<vmem>>, vector<256x384xf32>
    %dot_general3A_216 = arith.constant dense<0.000000e+00> : vector<128x256xf32>
    %dot_general3A_217 = tpu.matmul %get3A_212, %get3A_215, %dot_general3A_216 {dimension_numbers = #tpu.dot_dimension_numbers<[0], [1], [1], [0], [0, 1, 1, 0], [], []>, transpose_lhs_hint = false} : vector<384x128xf32>, vector<256x384xf32>, vector<128x256xf32> -> vector<128x256xf32>
    %swap3A_218 = arith.constant 1920 : index
    %swap3A_219 = arith.constant 0 : index
    %swap3A_220 = vector.load %arg4[%swap3A_218, %swap3A_219] : memref<2048x256xf32, #tpu.memory_space<vmem>>, vector<128x256xf32>
    tpu.vector_store %arg4[%swap3A_218, %swap3A_219], %dot_general3A_217 {strides = array<i32>} : memref<2048x256xf32, #tpu.memory_space<vmem>>, vector<128x256xf32>,
    return
  }
  func.func @transform_0(%arg0: i32, %arg1: i32) -> (i32, i32, i32, i32) {
    %c0_i32 = arith.constant 0 : i32
    %c0_i32_0 = arith.constant 0 : i32
    %c0_i32_1 = arith.constant 0 : i32
    return %arg0, %c0_i32, %arg1, %c0_i32_0 : i32, i32, i32, i32
  }
  func.func @transform_1(%arg0: i32, %arg1: i32) -> (i32, i32) {
    %c0_i32 = arith.constant 0 : i32
    %c0_i32_0 = arith.constant 0 : i32
    %c0_i32_1 = arith.constant 0 : i32
    return %c0_i32, %c0_i32_0 : i32, i32
  }
  func.func @transform_2(%arg0: i32, %arg1: i32) -> (i32, i32) {
    %mul3A = arith.constant 8 : i32
    %mul3A_0 = arith.muli %arg0, %mul3A : i32
    %add3A = arith.addi %mul3A_0, %arg1 : i32
    %c0_i32 = arith.constant 0 : i32
    %c0_i32_1 = arith.constant 0 : i32
    return %add3A, %c0_i32 : i32, i32
  }
}

module attributes {stable_mosaic.version = 14 : i64} {
  func.func @_mlp_kernel(%arg0: i32, %arg1: memref<2048x256xf32, #tpu.memory_space<vmem>>, %arg2: memref<256x256xf32, #tpu.memory_space<vmem>>, %arg3: memref<1x256xf32, #tpu.memory_space<vmem>>, %arg4: memref<256x256xf32, #tpu.memory_space<vmem>>, %arg5: memref<1x256xf32, #tpu.memory_space<vmem>>, %arg6: memref<1x256xf32, #tpu.memory_space<vmem>>, %arg7: memref<1x1xf32, #tpu.memory_space<vmem>>, %arg8: memref<2048x1xf32, #tpu.memory_space<vmem>>) attributes {dimension_semantics = [#tpu.dimension_semantics<arbitrary>], iteration_bounds = array<i64: 32>, scalar_prefetch = 0 : i64, scratch_operands = 0 : i64, tpu.core_type = #tpu.core_type<tc>, window_params = [{transform_indices = @transform_0, window_bounds = array<i64: 2048, 256>}, {pipeline_mode = #tpu.pipeline_mode<synchronous>, transform_indices = @transform_1, window_bounds = array<i64: 256, 256>}, {pipeline_mode = #tpu.pipeline_mode<synchronous>, transform_indices = @transform_2, window_bounds = array<i64: 1, 256>}, {pipeline_mode = #tpu.pipeline_mode<synchronous>, transform_indices = @transform_3, window_bounds = array<i64: 256, 256>}, {pipeline_mode = #tpu.pipeline_mode<synchronous>, transform_indices = @transform_4, window_bounds = array<i64: 1, 256>}, {pipeline_mode = #tpu.pipeline_mode<synchronous>, transform_indices = @transform_5, window_bounds = array<i64: 1, 256>}, {pipeline_mode = #tpu.pipeline_mode<synchronous>, transform_indices = @transform_6, window_bounds = array<i64: 1, 1>}, {transform_indices = @transform_7, window_bounds = array<i64: 2048, 1>}]} {
    %get3A = arith.constant 0 : index
    %get3A_0 = arith.constant 0 : index
    %get3A_1 = vector.load %arg1[%get3A, %get3A_0] : memref<2048x256xf32, #tpu.memory_space<vmem>>, vector<2048x256xf32>
    %get3A_2 = arith.constant 0 : index
    %get3A_3 = arith.constant 0 : index
    %get3A_4 = vector.load %arg2[%get3A_2, %get3A_3] : memref<256x256xf32, #tpu.memory_space<vmem>>, vector<256x256xf32>
    %dot_general3A = arith.constant dense<0.000000e+00> : vector<2048x256xf32>
    %dot_general3A_5 = tpu.matmul %get3A_1, %get3A_4, %dot_general3A {dimension_numbers = #tpu.dot_dimension_numbers<[1], [1], [0], [0], [0, 0, 1, 0], [], []>, transpose_lhs_hint = false} : vector<2048x256xf32>, vector<256x256xf32>, vector<2048x256xf32> -> vector<2048x256xf32>
    %get3A_6 = arith.constant 0 : index
    %get3A_7 = arith.constant 0 : index
    %get3A_8 = vector.load %arg3[%get3A_6, %get3A_7] : memref<1x256xf32, #tpu.memory_space<vmem>>, vector<1x256xf32>
    %add3A = vector.broadcast %get3A_8 : vector<1x256xf32> to vector<2048x256xf32>
    %add3A_9 = arith.addf %dot_general3A_5, %add3A : vector<2048x256xf32>
    %max3A = arith.constant 0.000000e+00 : f32
    %max3A_10 = vector.broadcast %max3A : f32 to vector<2048x256xf32>
    %max3A_11 = arith.maximumf %add3A_9, %max3A_10 : vector<2048x256xf32>
    %get3A_12 = arith.constant 0 : index
    %get3A_13 = arith.constant 0 : index
    %get3A_14 = vector.load %arg4[%get3A_12, %get3A_13] : memref<256x256xf32, #tpu.memory_space<vmem>>, vector<256x256xf32>
    %dot_general3A_15 = arith.constant dense<0.000000e+00> : vector<2048x256xf32>
    %dot_general3A_16 = tpu.matmul %max3A_11, %get3A_14, %dot_general3A_15 {dimension_numbers = #tpu.dot_dimension_numbers<[1], [1], [0], [0], [0, 0, 1, 0], [], []>, transpose_lhs_hint = false} : vector<2048x256xf32>, vector<256x256xf32>, vector<2048x256xf32> -> vector<2048x256xf32>
    %get3A_17 = arith.constant 0 : index
    %get3A_18 = arith.constant 0 : index
    %get3A_19 = vector.load %arg5[%get3A_17, %get3A_18] : memref<1x256xf32, #tpu.memory_space<vmem>>, vector<1x256xf32>
    %add3A_20 = vector.broadcast %get3A_19 : vector<1x256xf32> to vector<2048x256xf32>
    %add3A_21 = arith.addf %dot_general3A_16, %add3A_20 : vector<2048x256xf32>
    %max3A_22 = arith.constant 0.000000e+00 : f32
    %max3A_23 = vector.broadcast %max3A_22 : f32 to vector<2048x256xf32>
    %max3A_24 = arith.maximumf %add3A_21, %max3A_23 : vector<2048x256xf32>
    %get3A_25 = arith.constant 0 : index
    %get3A_26 = arith.constant 0 : index
    %get3A_27 = vector.load %arg6[%get3A_25, %get3A_26] : memref<1x256xf32, #tpu.memory_space<vmem>>, vector<1x256xf32>
    %mul3A = vector.broadcast %get3A_27 : vector<1x256xf32> to vector<2048x256xf32>
    %mul3A_28 = arith.mulf %max3A_24, %mul3A : vector<2048x256xf32>
    %reduce_sum3A = arith.constant dense<0.000000e+00> : vector<2048xf32>
    %reduce_sum3A_29 = vector.multi_reduction <add>, %mul3A_28, %reduce_sum3A [1] : vector<2048x256xf32> to vector<2048xf32>
    %broadcast_in_dim3A = vector.shape_cast %reduce_sum3A_29 : vector<2048xf32> to vector<2048x1xf32>
    %get3A_30 = arith.constant 0 : index
    %get3A_31 = arith.constant 0 : index
    %get3A_32 = vector.load %arg7[%get3A_30, %get3A_31] : memref<1x1xf32, #tpu.memory_space<vmem>>, vector<1x1xf32>
    %get3A_33 = vector.extract %get3A_32[0, 0] : f32 from vector<1x1xf32>
    %add3A_34 = vector.broadcast %get3A_33 : f32 to vector<2048x1xf32>
    %add3A_35 = arith.addf %broadcast_in_dim3A, %add3A_34 : vector<2048x1xf32>
    %swap3A = arith.constant 0 : index
    %swap3A_36 = arith.constant 0 : index
    %swap3A_37 = vector.load %arg8[%swap3A, %swap3A_36] : memref<2048x1xf32, #tpu.memory_space<vmem>>, vector<2048x1xf32>
    tpu.vector_store %arg8[%swap3A, %swap3A_36], %add3A_35 {strides = array<i32>} : memref<2048x1xf32, #tpu.memory_space<vmem>>, vector<2048x1xf32>,
    return
  }
  func.func @transform_0(%arg0: i32) -> (i32, i32) {
    %c0_i32 = arith.constant 0 : i32
    %c0_i32_0 = arith.constant 0 : i32
    return %arg0, %c0_i32 : i32, i32
  }
  func.func @transform_1(%arg0: i32) -> (i32, i32) {
    %c0_i32 = arith.constant 0 : i32
    %c0_i32_0 = arith.constant 0 : i32
    %c0_i32_1 = arith.constant 0 : i32
    return %c0_i32, %c0_i32_0 : i32, i32
  }
  func.func @transform_2(%arg0: i32) -> (i32, i32) {
    %c0_i32 = arith.constant 0 : i32
    %c0_i32_0 = arith.constant 0 : i32
    %c0_i32_1 = arith.constant 0 : i32
    return %c0_i32, %c0_i32_0 : i32, i32
  }
  func.func @transform_3(%arg0: i32) -> (i32, i32) {
    %c0_i32 = arith.constant 0 : i32
    %c0_i32_0 = arith.constant 0 : i32
    %c0_i32_1 = arith.constant 0 : i32
    return %c0_i32, %c0_i32_0 : i32, i32
  }
  func.func @transform_4(%arg0: i32) -> (i32, i32) {
    %c0_i32 = arith.constant 0 : i32
    %c0_i32_0 = arith.constant 0 : i32
    %c0_i32_1 = arith.constant 0 : i32
    return %c0_i32, %c0_i32_0 : i32, i32
  }
  func.func @transform_5(%arg0: i32) -> (i32, i32) {
    %c0_i32 = arith.constant 0 : i32
    %c0_i32_0 = arith.constant 0 : i32
    %c0_i32_1 = arith.constant 0 : i32
    return %c0_i32, %c0_i32_0 : i32, i32
  }
  func.func @transform_6(%arg0: i32) -> (i32, i32) {
    %c0_i32 = arith.constant 0 : i32
    %c0_i32_0 = arith.constant 0 : i32
    %c0_i32_1 = arith.constant 0 : i32
    return %c0_i32, %c0_i32_0 : i32, i32
  }
  func.func @transform_7(%arg0: i32) -> (i32, i32) {
    %c0_i32 = arith.constant 0 : i32
    %c0_i32_0 = arith.constant 0 : i32
    return %arg0, %c0_i32 : i32, i32
  }
}

</mosaic_0001>

<sc_bundles>
// kernel: kernel.5.cloned.1.call-start
scs
__scs_entry_jumppad:
0x0: {  	(pc) =	sbr.rel $0x88, $3  }
0x1: {  	(tag) =	ssettag $0x0;
	lr =	simm.s32 $0x1  }
0x2: {  	[smem:$0x3F96] =	sst lr;
	_ =	strace $0xD0000000  }
0x3: {  	_ = 	snop  }
0x4: {  	_ = 	snop  }
0x5: {  	_ = 	snop  }
0x6: {  	_ = 	snop  }
0x7: {  	_ = 	snop  }
__scs_overlays_trampoline_lowered:
0x8: {  	[smem:$0x3FA5] =	sst s0  }
0x9: {  	[smem:$0x3FA6] =	sst s1  }
0xa: {  	[smem:$0x3FA7] =	sst s2  }
0xb: {  	[smem:$0x3FA8] =	sst s3  }
0xc: {  	[smem:$0x3FA9] =	sst s4  }
0xd: {  	[smem:$0x3FAA] =	sst s5  }
0xe: {  	[smem:$0x3FAB] =	sst s6  }
0xf: {  	[smem:$0x3FAC] =	sst s7  }
0x10: {  	[smem:$0x3FAD] =	sst s8  }
0x11: {  	[smem:$0x3FAE] =	sst s9;
	s0 =	simm.s32 @!p0 $0x0  }
0x12: {  	s1 =	sld [smem:$0x3F94];
	s0 =	simm.s32 @p0 $0x1  }
0x13: {  	[smem:$0x3FAF] =	sst s0;
	s0 =	simm.s32 @!p1 $0x0  }
0x14: {  	s2 =	sld [smem:$0x3F93];
	s0 =	simm.s32 @p1 $0x1  }
0x15: {  	[smem:$0x3FB0] =	sst s0;
	s0 =	simm.s32 @!p2 $0x0  }
0x16: {  	s3 =	sld [smem:$0x3FDB];
	s0 =	simm.s32 @p2 $0x1  }
0x17: {  	s4 =	simm.s32 $0x1BF5;
	[smem:$0x3FB2] =	sst s0  }
0x18: {  	s0 =	sld [smem:$0x3F95];
	_ =	swait.ge [sflag:s4], $0x0  }
0x19: {  	s7 =	sld [smem:$0x3F96]  }
0x1a: {  	s8 =	sadd.s32 $0xFFFFE003, lr  }
0x1b: {  	s9 =	sadd.s32 $0xFFFFFEF7, lr;
	s5 =	simm.s32 $0xFFFFFFFF;
	p2 =	slt.u32 s8, $0xFFFFF086  }
0x1c: {  	p1 =	slt.u32 s9, $0xF7A;
	s5 =	simm.s32 @!p2 $0x0  }
0x1d: {  	s5 =	simm.s32 @p1 $0x1;
	p0 =	seq.s32 s7, s2  }
0x1e: {  	s7 =	smul.u32 @!p0 $0xF7A, s2;
	p2 =	seq.s32 @!p0 s5, $0x0  }
0x1f: {  	s9 =	smul.u32 $0xF7A, s1;
	s8 =	simm.s32 @!p0 $0x1BF5;
	p2 =	por !p2, p0  }
0x20: {  	[sflag:s8] =	ssyncset.s32 @!p0 $0xFFFFF086;
	s6 =	sadd.s32 @!p0 s3, s7;
	s7 =	simm.s32 @!p0 $0x108  }
0x21: {  	s3 =	sadd.s32 s3, s9;
	s6 =	sadd.s32 @!p0 $0x88, s6;
	s7 =	simm.s32 @p2 $0x1082  }
0x22: {  	[simem:s7], [sflag:s8] =	dma.local @!p0 [hbm:s6], $0xF7A  }
0x23: {  	s9 =	sor.u32 $0xD0000000, s2;
	s6 =	simm.s32 $0x108;
	_ =	swait.ge @!p0 [sflag:s8], $0x0  }
0x24: {  	s3 =	sadd.s32 $0x88, s3;
	s6 =	simm.s32 @!p1 $0x1082;
	[sflag:s4] =	ssyncset.s32 $0xFFFFF086  }
0x25: {  	[simem:s6], [sflag:s4] =	dma.local [hbm:s3], $0xF7A  }
0x26: {  	[smem:$0x3F96] =	sst s1;
	(tag) =	ssettag s2;
	_ =	strace s9  }
0x27: {  	s1 =	sld [smem:$0x3FA6]  }
0x28: {  	s2 =	sld [smem:$0x3FA7]  }
0x29: {  	s4 =	sld [smem:$0x3FA9]  }
0x2a: {  	p0 =	seq.s32 s5, $0x0;
	s5 =	sld [smem:$0x3FAA]  }
0x2b: {  	s6 =	sld [smem:$0x3FAB]  }
0x2c: {  	s7 =	sld [smem:$0x3FAC]  }
0x2d: {  	s3 =	simm.s32 $0x108;
	s8 =	sld [smem:$0x3FAD]  }
0x2e: {  	s3 =	simm.s32 @!p0 $0x1082;
	s9 =	sld [smem:$0x3FAE]  }
0x2f: {  	lr =	sadd.s32 s0, s3;
	s0 =	sld [smem:$0x3FA5]  }
0x30: {  	s3 =	sld [smem:$0x3FA8]  }
0x31: {  	[smem:$0x3FB1] =	sst s10  }
0x32: {  	s10 =	sld [smem:$0x3FAF];
	_ =	sdelay $0x3  }
0x33: {  	p0 =	seq.s32 s10, $0x1;
	s10 =	sld [smem:$0x3FB1];
	_ =	sdelay $0x3  }
0x34: {  	[smem:$0x3FB1] =	sst s10  }
0x35: {  	s10 =	sld [smem:$0x3FB0];
	_ =	sdelay $0x3  }
0x36: {  	p1 =	seq.s32 s10, $0x1;
	s10 =	sld [smem:$0x3FB1];
	_ =	sdelay $0x3  }
0x37: {  	[smem:$0x3FB1] =	sst s10  }
0x38: {  	s10 =	sld [smem:$0x3FB2]  }
0x39: {  	_ = 	snop;
	(pc) =	sbr.ind lr, $3  }
0x3a: {  	_ = 	snop  }
0x3b: {  	_ = 	snop  }
0x3c: {  	p2 =	seq.s32 s10, $0x1;
	s10 =	sld [smem:$0x3FB1]  }
0x3d: {  	_ =	shalt  }
0x3e: {  	_ =	shalt  }
0x3f: {  	_ =	shalt  }
0x40: {  	_ =	shalt  }
0x41: {  	_ =	shalt  }
0x42: {  	_ =	shalt  }
0x43: {  	_ =	shalt  }
0x44: {  	_ =	shalt  }
0x45: {  	_ =	shalt  }
0x46: {  	_ =	shalt  }
0x47: {  	_ =	shalt  }
0x48: {  	_ =	shalt  }
0x49: {  	_ =	shalt  }
0x4a: {  	_ =	shalt  }
0x4b: {  	_ =	shalt  }
0x4c: {  	_ =	shalt  }
0x4d: {  	_ =	shalt  }
0x4e: {  	_ =	shalt  }
0x4f: {  	_ =	shalt  }
0x50: {  	_ =	shalt  }
0x51: {  	_ =	shalt  }
0x52: {  	_ =	shalt  }
0x53: {  	_ =	shalt  }
0x54: {  	_ =	shalt  }
0x55: {  	_ =	shalt  }
0x56: {  	_ =	shalt  }
0x57: {  	_ =	shalt  }
0x58: {  	_ =	shalt  }
0x59: {  	_ =	shalt  }
0x5a: {  	_ =	shalt  }
0x5b: {  	_ =	shalt  }
0x5c: {  	_ =	shalt  }
0x5d: {  	_ =	shalt  }
0x5e: {  	_ =	shalt  }
0x5f: {  	_ =	shalt  }
0x60: {  	_ =	shalt  }
0x61: {  	_ =	shalt  }
0x62: {  	_ =	shalt  }
0x63: {  	_ =	shalt  }
0x64: {  	_ =	shalt  }
0x65: {  	_ =	shalt  }
0x66: {  	_ =	shalt  }
0x67: {  	_ =	shalt  }
0x68: {  	_ =	shalt  }
0x69: {  	_ =	shalt  }
0x6a: {  	_ =	shalt  }
0x6b: {  	_ =	shalt  }
0x6c: {  	_ =	shalt  }
0x6d: {  	_ =	shalt  }
0x6e: {  	_ =	shalt  }
0x6f: {  	_ =	shalt  }
0x70: {  	_ =	shalt  }
0x71: {  	_ =	shalt  }
0x72: {  	_ =	shalt  }
0x73: {  	_ =	shalt  }
0x74: {  	_ =	shalt  }
0x75: {  	_ =	shalt  }
0x76: {  	_ =	shalt  }
0x77: {  	_ =	shalt  }
0x78: {  	_ =	shalt  }
0x79: {  	_ =	shalt  }
0x7a: {  	_ =	shalt  }
0x7b: {  	_ =	shalt  }
0x7c: {  	_ =	shalt  }
0x7d: {  	_ =	shalt  }
0x7e: {  	_ =	shalt  }
0x7f: {  	_ =	shalt  }
0x80: {  	_ =	shalt  }
0x81: {  	_ =	shalt  }
0x82: {  	_ =	shalt  }
0x83: {  	_ =	shalt  }
0x84: {  	_ =	shalt  }
0x85: {  	_ =	shalt  }
0x86: {  	_ =	shalt  }
0x87: {  	_ =	shalt  }
.Lfunc_end0:
.L_simem_size_0:
called_computation_lowered:
.L_overlay_start_0:
0x88: {  	s2 =	sld [smem:$0x3FD9]  }
0x89: {  	s3 =	sld [smem:$0x3FFE];
	_ =	sdelay $0x1  }
0x8a: {  	s1 =	srdreg.scid  }
0x8b: {  	s0 =	sand.u32 $0x1, s1  }
0x8c: {  	s17 =	sshll.u32 s0, $0xA;
	s2 =	sadd.s32 s3, s2  }
0x8d: {  	s2 =	sadd.s32 s2, s17  }
0x8e: {  	[smem:$0x3FBD] =	sst s2  }
0x8f: {  	_ = 	snop  }
0x90: {  	s2 =	sld [smem:$0x3FC5]  }
0x91: {  	s18 =	sld [smem:$0x3FD0];
	(tm) =	ssettm $0x1  }
0x92: {  	s4 =	sld [smem:$0x3FFB];
	_ =	sdelay $0x3  }
0x93: {  	_ =	strace s4  }
0x94: {  	s4 =	sld [smem:$0x3FFC];
	_ =	sdelay $0x3  }
0x95: {  	_ =	strace s4  }
0x96: {  	s4 =	sld [smem:$0x3FFD];
	_ =	sdelay $0x3  }
0x97: {  	_ =	strace s4  }
0x98: {  	_ =	strace $0x8FFFFFFF  }
0x99: {  	s19 =	sld [smem:$0x3FDB];
	_ =	sdelay $0x1  }
0x9a: {  	s5 =	simm.s32 $_scs_section_size  }
0x9b: {  	s6 =	simm.s32 $_size__tile_overlayer_lowered;
	s7 =	simm.s32 $_tile_overlayer_lowered  }
0x9c: {  	s22 =	simm.s32 $0x1BFF;
	s21 =	sshll.u32 s7, $0x1;
	s4 =	sadd.s32 s5, s19  }
0x9d: {  	s8 =	simm.s32 $0x0;
	s20 =	sshll.u32 s6, $0x1;
	s6 =	sadd.s32 s21, s4  }
0x9e: {  	[timem:s8], [sflag:s22] =	dma.local [hbm:s6], s20  }
0x9f: {  	_ =	swait.ge [sflag:s22], s20  }
0xa0: {  	s5 =	ssub.s32 $0x0, s20;
	[sflag:s22] =	ssyncset.done $0x0  }
0xa1: {  	[sflag:s22] =	ssyncadd.s32 s5;
	_ =	sdelay $0x1  }
0xa2: {  	s23 =	simm.s32 $0x1B8B  }
0xa3: {  	_ =	swait.ge [sflag:s23], $0x1  }
0xa4: {  	[sflag:s23] =	ssyncset.done $0x0  }
0xa5: {  	s25 =	simm.s32 $0x1B8E;
	s24 =	sld [smem:$0x3FFE];
	[sflag:s23] =	ssyncadd.s32 $0xFFFFFFFF  }
0xa6: {  	s26 =	simm.s32 $execute0_lowered;
	[smem:$0x3FD2] =	sst s25  }
0xa7: {  	s6 =	sshll.u32 s26, $0x1;
	_ =	strace $0x80000046;
	[dreg:$0x1] =	wrdreg $0xFFFFFFFF  }
0xa8: {  	s28 =	simm.s32 $_size_execute0_lowered;
	s4 =	sadd.s32 s4, s6;
	[dreg:$0x0] =	wrdreg $0x0  }
0xa9: {  	s6 =	sshll.u32 s28, $0x1;
	[dreg:$0x2] =	wrdreg s4  }
0xaa: {  	[dreg:$0x3] =	wrdreg s6  }
0xab: {  	[dreg:$0x4] =	wrdreg $0xC0  }
0xac: {  	_ =	task [dreg:s8], $0x5FFFF  }
0xad: {  	[dreg:$0x1] =	wrdreg $0xFFFFFFFF  }
0xae: {  	[dreg:$0x0] =	wrdreg $0x60  }
0xaf: {  	[dreg:$0x2] =	wrdreg s24  }
0xb0: {  	[dreg:$0x3] =	wrdreg s18  }
0xb1: {  	[dreg:$0x4] =	wrdreg s2  }
0xb2: {  	[dreg:$0x5] =	wrdreg $0x9  }
0xb3: {  	_ =	task.clear_ibuf [dreg:s8], $0x6FFFF;
	_ =	strace $0x90000046  }
0xb4: {  	s29 =	simm.s32 $0x9;
	_ =	strace $0x80000048  }
0xb5: {  	_ =	swait.ge [sflag:s29], $0x1  }
0xb6: {  	[sflag:s29] =	ssyncadd.s32 $0xFFFFFFFF  }
0xb7: {  	_ =	strace $0x90000048  }
0xb8: {  	_ =	sfence  }
0xb9: {  	s30 =	sld [smem:$0x0];
	_ =	sdelay $0x2  }
0xba: {  	s31 =	sshll.u32 s1, $0xD;
	s1 =	sshrl.u32 s1, $0x2  }
0xbb: {  	s3 =	sand.u32 $0x4000, s31;
	s1 =	sadd.s32 s1, s30  }
0xbc: {  	s0 =	sor.u32 s3, s0;
	s1 =	sshll.u32 s1, $0x11  }
0xbd: {  	s0 =	sor.u32 s1, s0  }
0xbe: {  	s0 =	sadd.s32 $0x8F2B, s0  }
0xbf: {  	[sflag:s0] =	ssyncadd.remote.s32 $0x1  }
0xc0: {  	_ =	sfence.sel $0xFFFF  }
0xc1: {  	[dreg:$0x0] =	wrdreg $0xFFFFFFFF;
	(pc) =	sbr.abs _section_cstart, $3  }
0xc2: {  	[dreg:$0x1] =	wrdreg $0xFFFFFFFF  }
0xc3: {  	_ =	task.clear_ibuf [dreg:s8], $0x2FFFF;
	_ =	strace $0x9FFFFFFF  }
0xc4: {  	(tm) =	ssettm $0x7FFFFFFF  }
0xc5: {  	_ =	shalt  }
tec
execute0_lowered:
.L_overlay_start_1:
0x0: {  	(tag) =	ssettag $0x1  }
0x1: {  	s0 =	rddreg [dreg:$0x0]  }
0x2: {  	s1 =	rddreg [dreg:$0x1]  }
0x3: {  	s3 =	simm.s32 $0x0;
	s2 =	srdreg.scid;
	s6 =	stileid.u32  }
0x4: {  	s14 =	simm.s32 $0x1B000;
	s15 =	simm.s32 $0x13800;
	s18 =	simm.s32 $0x14000  }
0x5: {  	s19 =	simm.s32 $0x14800;
	s20 =	simm.s32 $0x15000;
	s21 =	simm.s32 $0x15800  }
0x6: {  	s22 =	simm.s32 $0x16000;
	s23 =	simm.s32 $0x16800;
	s28 =	simm.s32 $0x2  }
0x7: {  	s29 =	simm.s32 $0x19000;
	[smem:$0x7FF] =	sst s3;
	s2 =	sand.u32 $0x1, s2  }
0x8: {  	s4 =	sshll.u32 s6, $0x1;
	s9 =	sshrl.u32 s6, $0x1;
	s24 =	sadd.s32 $0xC00, s0  }
0x9: {  	_ =	strace $0x80000047;
	s5 =	sor.u32 s2, s4;
	s4 =	sadd.s32 $0x3E00, s0  }
0xa: {  	s6 =	sshll.u32 s9, $0x4;
	s2 =	ssub.s32 $0x2, s2;
	[dreg:$0x4] =	wrdreg s24  }
0xb: {  	s26 =	sshll.u32 s9, $0xE;
	s9 =	simm.s32 $0x12000;
	s24 =	simm.s32 $0x1  }
0xc: {  	s8 =	sshll.u32 s5, $0x8;
	s11 =	sadd.s32 s6, s0;
	s7 =	sshrl.u32 s2, $0x1  }
0xd: {  	s6 =	sadd.s32 $0x403E00, s0;
	v0 =	vmov s26;
	s26 =	simm.s32 $0x17000;
	s10 =	sadd.s32 s8, s0  }
0xe: {  	s25 =	ssub.s32 s2, s7;
	s7 =	sshll.u32 s5, $0xB;
	s30 =	sadd.s32 $0x2E00, s11  }
0xf: {  	s1 =	sadd.s32 s1, s8;
	s8 =	simm.s32 $0x11800;
	[dreg:$0x5] =	wrdreg s30  }
0x10: {  	v4 =	vlaneseq.u32;
	s11 =	simm.s32 $0x13000;
	s31 =	sadd.s32 $0xE00, s10;
	[dreg:$0x7] =	wrdreg s1  }
0x11: {  	v1 =	vimm.s32 $0x0;
	vm0 =	vmmov $0xffff;
	v3 =	vshrl.u32 v4, $0x3;
	s2 =	simm.s32 $0x0;
	s0 =	smax.u32 s25, $0x1;
	[dreg:$0x6] =	wrdreg s31  }
0x12: {  	v2 =	vand.u32 $0x7, v4;
	v4 =	vor.u32 $0x8, v4;
	v3 =	vmul.u32 $0x8, v3;
	s10 =	simm.s32 $0x12800;
	s25 =	simm.s32 $0x3000;
	[dreg:$0x8] =	wrdreg s0  }
.LBB2_1:
0x13: {  	[dreg:$0x9] =	wrdreg s2  }
0x14: {  	s0 =	rddreg [dreg:$0x5]  }
0x15: {  	s1 =	simm.s32 $0x80;
	s30 =	simm.s32 $0x400;
	s31 =	simm.s32 $0x5  }
0x16: {  	[tilespmem:s14], [sflag:$0x5] =	stream.strided.gather [hbm4b:s0+s1], $0x1000, s30, s1, $0x38;
	[tilespmem:$0x1C200] =	vst v63  }
0x17: {  	_ =	swait.ge [sflag:s31], $0x1000  }
0x18: {  	[sflag:s31] =	ssyncset.done $0x0  }
0x19: {  	s5 =	simm.s32 $0x1C000;
	s1 =	rddreg [dreg:$0x4];
	[sflag:s31] =	ssyncadd.s32 $0xFFFFF000  }
0x1a: {  	[tilespmem:s5], [sflag:$0x5] =	stream.linear.gather [hbm4b:s1+s3], $0x100, $0x38;
	[tilespmem:$0x1C200] =	vst v63  }
0x1b: {  	_ =	swait.ge [sflag:s31], $0x100  }
0x1c: {  	[sflag:s31] =	ssyncset.done $0x0  }
0x1d: {  	[sflag:s31] =	ssyncadd.s32 $0xFFFFFF00  }
0x1e: {  	s13 =	simm.s32 $0x1C100;
	s12 =	rddreg [dreg:$0x2]  }
0x1f: {  	[tilespmem:s13], [sflag:$0x5] =	stream.linear.gather [hbm4b:s12+s3], $0x100, $0x38;
	[tilespmem:$0x1C200] =	vst v63  }
0x20: {  	_ =	swait.ge [sflag:s31], $0x100  }
0x21: {  	[sflag:s31] =	ssyncset.done $0x0  }
0x22: {  	s16 =	rddreg [dreg:$0x6];
	[sflag:s31] =	ssyncadd.s32 $0xFFFFFF00  }
0x23: {  	[tilespmem:s3], [sflag:$0x5] =	stream.linear.gather [hbm4b:s16+s3], $0x800, $0x38;
	[tilespmem:$0x1C200] =	vst v63  }
0x24: {  	_ =	swait.ge [sflag:s31], $0x800  }
0x25: {  	[sflag:s31] =	ssyncset.done $0x0  }
0x26: {  	s0 =	simm.s32 $0x800;
	s17 =	rddreg [dreg:$0x7];
	[sflag:s31] =	ssyncadd.s32 $0xFFFFF800  }
0x27: {  	[tilespmem:s0], [sflag:$0x5] =	stream.linear.gather [hbm4b:s17+s3], $0x800, $0x38;
	[tilespmem:$0x1C200] =	vst v63  }
0x28: {  	_ =	swait.ge [sflag:s31], $0x800  }
0x29: {  	[sflag:s31] =	ssyncset.done $0x0  }
0x2a: {  	[sflag:s31] =	ssyncadd.s32 $0xFFFFF800  }
0x2b: {  	v5 =	vld [tilespmem:s0+$0x0]  }
0x2c: {  	v6 =	vld [tilespmem:s3+$0x0];
	_ =	sdelay $0x3  }
0x2d: {  	v7 =	vmul.f32 $1.280000000e+02, v5  }
0x2e: {  	v5 =	vmul.f32 $6.400000000e+01, v5;
	v8 =	vmul.f32 $1.280000000e+02, v6  }
0x2f: {  	v7 =	vadd.f32 $-5.000000000e-01, v7  }
0x30: {  	v6 =	vmul.f32 $6.400000000e+01, v6;
	v10 =	vadd.f32 $-5.000000000e-01, v5;
	v5 =	vadd.f32 $-5.000000000e-01, v8;
	_ =	sdelay $0x1  }
0x31: {  	v6 =	vadd.f32 $-5.000000000e-01, v6;
	v8 =	vtrunc.f32 v7;
	v11 =	vtrunc.f32 v5  }
0x32: {  	v9 =	vcvt.f32.s32 v8;
	vm1 =	vlt.f32 v7, v8;
	v8 =	vtrunc.f32 v10  }
0x33: {  	v13 =	vcvt.f32.s32 v11;
	v12 =	vsel vm1, $0xFFFFFFFF, v1;
	vm1 =	vlt.f32 v5, v11  }
0x34: {  	vm2 =	vlt.f32 v10, v8;
	v11 =	vtrunc.f32 v6;
	v8 =	vcvt.f32.s32 v8  }
0x35: {  	v14 =	vsel vm1, $0xFFFFFFFF, v1;
	v9 =	vadd.s32 v9, v12;
	v12 =	vcvt.f32.s32 v11  }
0x36: {  	v61 =	vsel vm2, $0xFFFFFFFF, v1;
	vm2 =	vlt.f32 v6, v11;
	v13 =	vadd.s32 v13, v14  }
0x37: {  	vm1 =	vgt.s32 v9, $0xFFFFFFFF;
	v14 =	vadd.s32 $0x1, v9;
	vm4 =	vgt.s32 v9, $0x0  }
0x38: {  	vm14 =	vlt.s32 v9, $0x7F;
	v11 =	vadd.s32 v8, v61;
	v8 =	vsel vm2, $0xFFFFFFFF, v1  }
0x39: {  	v15 =	vcvt.s32.f32 v13;
	vm3 =	vgt.s32 v13, $0xFFFFFFFF;
	vm5 =	vlt.s32 v13, $0x7F  }
0x3a: {  	v16 =	vadd.s32 $0x1, v13;
	v17 =	vnsel vm4, $0x0, v9;
	vm7 =	vlt.s32 v14, $0x7F  }
0x3b: {  	vm15 =	vgt.s32 v13, $0x0;
	vm2 =	vgt.s32 v11, $0x0;
	vm6 =	vlt.s32 v16, $0x7F  }
0x3c: {  	v14 =	vnsel vm7, $0x7F, v14;
	v13 =	vnsel vm15, $0x0, v13;
	v5 =	vsub.f32 v5, v15  }
0x3d: {  	v15 =	vcvt.s32.f32 v9;
	v9 =	vshll.u32 v17, $0x7;
	v16 =	vnsel vm6, $0x7F, v16  }
0x3e: {  	v17 =	vadd.s32 $0x1, v11;
	v9 =	vadd.s32 v0, v9;
	v60 =	vsub.f32 $1.000000000e+00, v5  }
0x3f: {  	v18 =	vnsel vm5, $0x0, v5;
	v5 =	vshll.u32 v14, $0x7;
	v7 =	vsub.f32 v7, v15  }
0x40: {  	v15 =	vadd.s32 v13, v9;
	v9 =	vadd.s32 v16, v9;
	v5 =	vadd.s32 v0, v5  }
0x41: {  	s30 =	simm.s32 $0x0;
	v14 =	vnsel vm3, $0x0, v60;
	v16 =	vadd.s32 v16, v5;
	v19 =	vsub.f32 $1.000000000e+00, v7  }
0x42: {  	s1 =	sand.u32 $0x3FFFFE00, s30;
	s31 =	sand.u32 $0x70, s3;
	v7 =	vnsel vm14, $0x0, v7;
	v13 =	vadd.s32 v13, v5;
	v5 =	vadd.s32 v12, v8  }
0x43: {  	s1 =	sor.u32 s31, s1;
	v8 =	vnsel vm2, $0x0, v11;
	vm2 =	vgt.s32 v5, $0x0;
	v12 =	vadd.s32 $0x1, v5  }
0x44: {  	[tilespmem:s1+$0x1080] =	vst v9;
	v8 =	vshll.u32 v8, $0x6;
	v9 =	vmul.f32 v7, v18;
	v7 =	vmul.f32 v7, v14  }
0x45: {  	s12 =	simm.s32 $0x0;
	[tilespmem:s1+$0x1100] =	vst v13;
	v13 =	vnsel vm1, $0x0, v19;
	v62 =	vnsel vm2, $0x0, v5;
	vm2 =	vlt.s32 v12, $0x3F  }
0x46: {  	s12 =	sand.u32 $0x3FFFFC00, s12;
	[tilespmem:s1+$0x1000] =	vst v15;
	vm1 =	vlt.s32 v17, $0x3F;
	v12 =	vnsel vm2, $0x3F, v12;
	v15 =	vmul.f32 v13, v14  }
0x47: {  	s16 =	sor.u32 s31, s12;
	[tilespmem:s1+$0x1180] =	vst v16;
	v63 =	vadd.s32 v62, v8;
	v14 =	vadd.s32 v12, v8;
	v8 =	vnsel vm1, $0x3F, v17  }
0x48: {  	v13 =	vmul.f32 v13, v18;
	[tilespmem:s16+$0x3180] =	vst v9;
	v17 =	vshll.u32 v8, $0x6  }
0x49: {  	v9 =	vcvt.s32.f32 v5;
	[tilespmem:s16+$0x3000] =	vst v15;
	v15 =	vcvt.s32.f32 v11;
	v8 =	vadd.s32 v62, v17  }
0x4a: {  	[tilespmem:s16+$0x3100] =	vst v7  }
0x4b: {  	vm3 =	vlt.s32 v11, $0x3F;
	[tilespmem:s16+$0x3080] =	vst v13;
	v9 =	vsub.f32 v6, v9;
	v10 =	vsub.f32 v10, v15  }
0x4c: {  	vm2 =	vgt.s32 v5, $0xFFFFFFFF;
	vm1 =	vgt.s32 v11, $0xFFFFFFFF;
	v6 =	vadd.s32 v12, v17;
	v7 =	vld.idx.msk [tilespmem:v63+s14+$0x0], $0xffff  }
0x4d: {  	s2 =	simm.s32 $0x0;
	s12 =	simm.s32 $0x0;
	s1 =	simm.s32 $0x1;
	v13 =	vsub.f32 $1.000000000e+00, v9;
	v12 =	vsub.f32 $1.000000000e+00, v10;
	v10 =	vnsel vm3, $0x0, v10;
	v11 =	vld.idx.msk [tilespmem:v14+s14+$0x0], $0xffff  }
.LBB2_2:
0x4e: {  	v8 =	vld.idx.msk [tilespmem:v8+s14+$0x0], $0xffff;
	s2 =	sadd.s32 $0x10, s2;
	s0 =	sadd.s32 $0x10, s0;
	s12 =	sadd.s32 $0x10, s12  }
0x4f: {  	p0 =	sne.s32 s1, $0x7F;
	s13 =	smov.u32 s1;
	s1 =	sadd.s32 $0x1, s1;
	v13 =	vnsel vm2, $0x0, v13;
	vm2 =	vlt.s32 v5, $0x3F;
	v5 =	vnsel vm1, $0x0, v12  }
0x50: {  	v9 =	vnsel vm2, $0x0, v9;
	v12 =	vmul.f32 v5, v13  }
0x51: {  	v6 =	vld.idx.msk [tilespmem:v6+s14+$0x0], $0xffff;
	v5 =	vmul.f32 v5, v9;
	v9 =	vmul.f32 v10, v9  }
0x52: {  	v7 =	vmul.f32 v12, v7  }
0x53: {  	v10 =	vmul.f32 v10, v13;
	v5 =	vmul.f32 v5, v11;
	_ =	sdelay $0x1  }
0x54: {  	v5 =	vadd.f32 v5, v7;
	v7 =	vmul.f32 v10, v8;
	_ =	sdelay $0x1  }
0x55: {  	v6 =	vmul.f32 v6, v9;
	v5 =	vadd.f32 v5, v7;
	_ =	sdelay $0x1  }
0x56: {  	v5 =	vadd.f32 v5, v6;
	_ =	sdelay $0x1  }
0x57: {  	[tilespmem:s16+$0x3200] =	vst v5  }
0x58: {  	v5 =	vld [tilespmem:s0+$0x0];
	_ =	sdelay $0x1  }
0x59: {  	v6 =	vld [tilespmem:s2+$0x0];
	_ =	sdelay $0x2  }
0x5a: {  	v7 =	vmul.f32 $1.280000000e+02, v5;
	v5 =	vmul.f32 $6.400000000e+01, v5;
	_ =	sdelay $0x1  }
0x5b: {  	v8 =	vmul.f32 $1.280000000e+02, v6;
	v7 =	vadd.f32 $-5.000000000e-01, v7;
	v6 =	vmul.f32 $6.400000000e+01, v6  }
0x5c: {  	v10 =	vadd.f32 $-5.000000000e-01, v5  }
0x5d: {  	v5 =	vadd.f32 $-5.000000000e-01, v8;
	v8 =	vtrunc.f32 v7;
	v9 =	vadd.f32 $-5.000000000e-01, v6  }
0x5e: {  	v6 =	vcvt.f32.s32 v8;
	vm1 =	vlt.f32 v7, v8;
	v8 =	vtrunc.f32 v10  }
0x5f: {  	v11 =	vtrunc.f32 v5;
	v12 =	vsel vm1, $0xFFFFFFFF, v1;
	vm1 =	vlt.f32 v10, v8  }
0x60: {  	v13 =	vcvt.f32.s32 v11;
	vm2 =	vlt.f32 v5, v11;
	v11 =	vtrunc.f32 v9  }
0x61: {  	v6 =	vadd.s32 v6, v12;
	v14 =	vsel vm2, $0xFFFFFFFF, v1;
	v12 =	vcvt.f32.s32 v11  }
0x62: {  	vm2 =	vgt.s32 v6, $0xFFFFFFFF;
	v13 =	vadd.s32 v13, v14;
	v14 =	vadd.s32 $0x1, v6  }
0x63: {  	vm4 =	vgt.s32 v6, $0x0;
	v15 =	vcvt.s32.f32 v13;
	vm3 =	vgt.s32 v13, $0xFFFFFFFF  }
0x64: {  	v17 =	vnsel vm4, $0x0, v6;
	vm5 =	vlt.s32 v13, $0x7F;
	v16 =	vadd.s32 $0x1, v13  }
0x65: {  	vm4 =	vlt.s32 v6, $0x7F;
	v5 =	vsub.f32 v5, v15;
	v15 =	vcvt.s32.f32 v6  }
0x66: {  	vm7 =	vlt.s32 v14, $0x7F;
	vm6 =	vlt.s32 v16, $0x7F;
	v6 =	vshll.u32 v17, $0x7  }
0x67: {  	v8 =	vcvt.f32.s32 v8;
	v14 =	vnsel vm7, $0x7F, v14;
	v17 =	vsub.f32 $1.000000000e+00, v5  }
0x68: {  	v18 =	vnsel vm5, $0x0, v5;
	vm5 =	vgt.s32 v13, $0x0;
	v5 =	vshll.u32 v14, $0x7  }
0x69: {  	v16 =	vnsel vm6, $0x7F, v16;
	v5 =	vadd.s32 v0, v5;
	v14 =	vnsel vm3, $0x0, v17  }
0x6a: {  	v6 =	vadd.s32 v0, v6;
	v7 =	vsub.f32 v7, v15;
	v13 =	vnsel vm5, $0x0, v13  }
0x6b: {  	v15 =	vadd.s32 v13, v6;
	v6 =	vadd.s32 v16, v6;
	v16 =	vadd.s32 v16, v5  }
0x6c: {  	v17 =	vsub.f32 $1.000000000e+00, v7;
	vm3 =	vlt.f32 v9, v11;
	v11 =	vsel vm1, $0xFFFFFFFF, v1  }
0x6d: {  	v7 =	vnsel vm4, $0x0, v7;
	v13 =	vadd.s32 v13, v5;
	v11 =	vadd.s32 v8, v11  }
0x6e: {  	s16 =	sshll.u32 s13, $0x6;
	v5 =	vsel vm3, $0xFFFFFFFF, v1;
	vm1 =	vgt.s32 v11, $0xFFFFFFFF;
	vm3 =	vgt.s32 v11, $0x0  }
0x6f: {  	s17 =	sand.u32 $0x70, s12;
	s16 =	sand.u32 $0x3FFFFE00, s16;
	v5 =	vadd.s32 v12, v5;
	v8 =	vnsel vm3, $0x0, v11  }
0x70: {  	s16 =	sor.u32 s17, s16;
	v19 =	vadd.s32 $0x1, v11;
	vm3 =	vgt.s32 v5, $0x0;
	v12 =	vadd.s32 $0x1, v5  }
0x71: {  	v17 =	vnsel vm2, $0x0, v17;
	vm2 =	vlt.s32 v19, $0x3F;
	[tilespmem:s16+$0x1100] =	vst v13;
	v13 =	vnsel vm3, $0x0, v5  }
0x72: {  	s13 =	sshll.u32 s13, $0x7;
	v8 =	vshll.u32 v8, $0x6;
	vm3 =	vlt.s32 v12, $0x3F;
	[tilespmem:s16+$0x1180] =	vst v16;
	v16 =	vnsel vm2, $0x3F, v19  }
0x73: {  	s13 =	sand.u32 $0x3FFFFC00, s13;
	v12 =	vnsel vm3, $0x3F, v12;
	[tilespmem:s16+$0x1080] =	vst v6;
	v6 =	vmul.f32 v7, v18;
	v16 =	vshll.u32 v16, $0x6  }
0x74: {  	[tilespmem:s16+$0x1000] =	vst v15;
	v15 =	vmul.f32 v17, v14;
	s16 =	sor.u32 s17, s13;
	v17 =	vmul.f32 v17, v18;
	v18 =	vadd.s32 v13, v8  }
0x75: {  	v7 =	vmul.f32 v7, v14;
	v14 =	vadd.s32 v12, v8;
	v8 =	vadd.s32 v13, v16;
	[tilespmem:s16+$0x3180] =	vst v6  }
.Ltmp0:
0x76: {  	v13 =	vcvt.s32.f32 v5;
	v6 =	vadd.s32 v12, v16;
	[tilespmem:s16+$0x3000] =	vst v15;
	v15 =	vcvt.s32.f32 v11;
	(pc) =	sbr.rel @p0 .LBB2_2-.Ltmp0, $4  }
0x77: {  	vm2 =	vgt.s32 v5, $0xFFFFFFFF;
	[tilespmem:s16+$0x3100] =	vst v7  }
0x78: {  	v9 =	vsub.f32 v9, v13;
	[tilespmem:s16+$0x3080] =	vst v17;
	v10 =	vsub.f32 v10, v15  }
0x79: {  	vm3 =	vlt.s32 v11, $0x3F;
	v7 =	vld.idx.msk [tilespmem:v18+s14+$0x0], $0xffff  }
0x7a: {  	v13 =	vsub.f32 $1.000000000e+00, v9;
	v12 =	vsub.f32 $1.000000000e+00, v10;
	v10 =	vnsel vm3, $0x0, v10;
	v11 =	vld.idx.msk [tilespmem:v14+s14+$0x0], $0xffff  }
0x7b: {  	_ =	sdelay $0x2  }
0x7c: {  	v13 =	vnsel vm2, $0x0, v13;
	vm2 =	vlt.s32 v5, $0x3F  }
0x7d: {  	v8 =	vld.idx.msk [tilespmem:v8+s14+$0x0], $0xffff;
	v5 =	vnsel vm1, $0x0, v12;
	v9 =	vnsel vm2, $0x0, v9  }
0x7e: {  	v12 =	vmul.f32 v5, v13;
	v5 =	vmul.f32 v5, v9  }
0x7f: {  	v6 =	vld.idx.msk [tilespmem:v6+s14+$0x0], $0xffff;
	v63 =	vmul.f32 v10, v13  }
0x80: {  	v7 =	vmul.f32 v12, v7;
	v5 =	vmul.f32 v5, v11;
	_ =	sdelay $0x1  }
0x81: {  	v9 =	vmul.f32 v10, v9;
	v5 =	vadd.f32 v5, v7;
	v7 =	vmul.f32 v63, v8;
	_ =	sdelay $0x1  }
0x82: {  	v6 =	vmul.f32 v6, v9;
	v5 =	vadd.f32 v5, v7;
	_ =	sdelay $0x1  }
0x83: {  	v5 =	vadd.f32 v5, v6;
	_ =	sdelay $0x1  }
0x84: {  	[tilespmem:s16+$0x3200] =	vst v5  }
0x85: {  	v5 =	vld [tilespmem:$0x1000];
	_ =	sdelay $0x4  }
0x86: {  	v6 =	vshll.u32 v5, $0x1  }
0x87: {  	v5 =	vand.u32 $0x7, v5;
	v6 =	vand.u32 $0xFFFFFFF0, v6  }
0x88: {  	v5 =	vor.u32 v5, v6  }
0x89: {  	v6 =	vperm.xlane v5, v2;
	_ =	sdelay $0x1  }
0x8a: {  	v5 =	vperm.xlane v5, v4;
	v6 =	vadd.s32 v3, v6;
	_ =	sdelay $0x1  }
0x8b: {  	v5 =	vadd.s32 v3, v5;
	_ =	sdelay $0x1  }
0x8c: {  	s12 =	simm.s32 $0x0;
	s0 =	simm.s32 $0x7000  }
0x8d: {  	[tilespmem:s0], [sflag:$0x1] =	stream.indirect_vreg.gather [hbm4b:s4+s12], $0x80, v6, vm0, $0xb8;
	[tilespmem:$0x1C200] =	vst v63  }
0x8e: {  	s30 =	simm.s32 $0x7800  }
0x8f: {  	[tilespmem:s30], [sflag:$0x1] =	stream.indirect_vreg.gather [hbm4b:s4+s12], $0x80, v5, vm0, $0xb8;
	[tilespmem:$0x1C200] =	vst v63  }
0x90: {  	v5 =	vld [tilespmem:$0x1010];
	_ =	sdelay $0x4  }
0x91: {  	v6 =	vshll.u32 v5, $0x1  }
0x92: {  	v5 =	vand.u32 $0x7, v5;
	v6 =	vand.u32 $0xFFFFFFF0, v6  }
0x93: {  	v5 =	vor.u32 v5, v6  }
0x94: {  	v6 =	vperm.xlane v5, v2;
	_ =	sdelay $0x1  }
0x95: {  	v5 =	vperm.xlane v5, v4;
	v6 =	vadd.s32 v3, v6;
	_ =	sdelay $0x1  }
0x96: {  	v5 =	vadd.s32 v3, v5;
	_ =	sdelay $0x1  }
0x97: {  	s1 =	simm.s32 $0x8000  }
0x98: {  	[tilespmem:s1], [sflag:$0x1] =	stream.indirect_vreg.gather [hbm4b:s4+s12], $0x80, v6, vm0, $0xb8;
	[tilespmem:$0x1C200] =	vst v63  }
0x99: {  	s2 =	simm.s32 $0x8800  }
0x9a: {  	[tilespmem:s2], [sflag:$0x1] =	stream.indirect_vreg.gather [hbm4b:s4+s12], $0x80, v5, vm0, $0xb8;
	[tilespmem:$0x1C200] =	vst v63  }
0x9b: {  	v5 =	vld [tilespmem:$0x1080];
	_ =	sdelay $0x4  }
0x9c: {  	v6 =	vshll.u32 v5, $0x1  }
0x9d: {  	v5 =	vand.u32 $0x7, v5;
	v6 =	vand.u32 $0xFFFFFFF0, v6  }
0x9e: {  	v5 =	vor.u32 v5, v6  }
0x9f: {  	v6 =	vperm.xlane v5, v2;
	_ =	sdelay $0x1  }
0xa0: {  	v5 =	vperm.xlane v5, v4;
	v6 =	vadd.s32 v3, v6;
	_ =	sdelay $0x1  }
0xa1: {  	v5 =	vadd.s32 v3, v5;
	_ =	sdelay $0x1  }
0xa2: {  	s5 =	simm.s32 $0x9000  }
0xa3: {  	[tilespmem:s5], [sflag:$0x1] =	stream.indirect_vreg.gather [hbm4b:s4+s12], $0x80, v6, vm0, $0xb8;
	[tilespmem:$0x1C200] =	vst v63  }
0xa4: {  	s13 =	simm.s32 $0x9800  }
0xa5: {  	[tilespmem:s13], [sflag:$0x1] =	stream.indirect_vreg.gather [hbm4b:s4+s12], $0x80, v5, vm0, $0xb8;
	[tilespmem:$0x1C200] =	vst v63  }
0xa6: {  	v5 =	vld [tilespmem:$0x1090];
	_ =	sdelay $0x4  }
0xa7: {  	v6 =	vshll.u32 v5, $0x1  }
0xa8: {  	v5 =	vand.u32 $0x7, v5;
	v6 =	vand.u32 $0xFFFFFFF0, v6  }
0xa9: {  	v5 =	vor.u32 v5, v6  }
0xaa: {  	v6 =	vperm.xlane v5, v2;
	_ =	sdelay $0x1  }
0xab: {  	v5 =	vperm.xlane v5, v4;
	v6 =	vadd.s32 v3, v6;
	_ =	sdelay $0x1  }
0xac: {  	v5 =	vadd.s32 v3, v5;
	_ =	sdelay $0x1  }
0xad: {  	s16 =	simm.s32 $0xA000  }
0xae: {  	[tilespmem:s16], [sflag:$0x1] =	stream.indirect_vreg.gather [hbm4b:s4+s12], $0x80, v6, vm0, $0xb8;
	[tilespmem:$0x1C200] =	vst v63  }
0xaf: {  	s17 =	simm.s32 $0xA800  }
0xb0: {  	[tilespmem:s17], [sflag:$0x1] =	stream.indirect_vreg.gather [hbm4b:s4+s12], $0x80, v5, vm0, $0xb8;
	[tilespmem:$0x1C200] =	vst v63  }
0xb1: {  	v5 =	vld [tilespmem:$0x1100];
	_ =	sdelay $0x4  }
0xb2: {  	v6 =	vshll.u32 v5, $0x1  }
0xb3: {  	v5 =	vand.u32 $0x7, v5;
	v6 =	vand.u32 $0xFFFFFFF0, v6  }
0xb4: {  	v5 =	vor.u32 v5, v6  }
0xb5: {  	v6 =	vperm.xlane v5, v2;
	_ =	sdelay $0x1  }
0xb6: {  	v5 =	vperm.xlane v5, v4;
	v6 =	vadd.s32 v3, v6;
	_ =	sdelay $0x1  }
0xb7: {  	v5 =	vadd.s32 v3, v5;
	_ =	sdelay $0x1  }
0xb8: {  	s30 =	simm.s32 $0xB000  }
0xb9: {  	[tilespmem:s30], [sflag:$0x1] =	stream.indirect_vreg.gather [hbm4b:s4+s12], $0x80, v6, vm0, $0xb8;
	[tilespmem:$0x1C200] =	vst v63  }
0xba: {  	s1 =	simm.s32 $0xB800  }
0xbb: {  	[tilespmem:s1], [sflag:$0x1] =	stream.indirect_vreg.gather [hbm4b:s4+s12], $0x80, v5, vm0, $0xb8;
	[tilespmem:$0x1C200] =	vst v63  }
0xbc: {  	v5 =	vld [tilespmem:$0x1110];
	_ =	sdelay $0x4  }
0xbd: {  	v6 =	vshll.u32 v5, $0x1  }
0xbe: {  	v5 =	vand.u32 $0x7, v5;
	v6 =	vand.u32 $0xFFFFFFF0, v6  }
0xbf: {  	v5 =	vor.u32 v5, v6  }
0xc0: {  	v6 =	vperm.xlane v5, v2;
	_ =	sdelay $0x1  }
0xc1: {  	v5 =	vperm.xlane v5, v4;
	v6 =	vadd.s32 v3, v6;
	_ =	sdelay $0x1  }
0xc2: {  	v5 =	vadd.s32 v3, v5;
	_ =	sdelay $0x1  }
0xc3: {  	s2 =	simm.s32 $0xC000  }
0xc4: {  	[tilespmem:s2], [sflag:$0x1] =	stream.indirect_vreg.gather [hbm4b:s4+s12], $0x80, v6, vm0, $0xb8;
	[tilespmem:$0x1C200] =	vst v63  }
0xc5: {  	s5 =	simm.s32 $0xC800  }
0xc6: {  	[tilespmem:s5], [sflag:$0x1] =	stream.indirect_vreg.gather [hbm4b:s4+s12], $0x80, v5, vm0, $0xb8;
	[tilespmem:$0x1C200] =	vst v63  }
0xc7: {  	v5 =	vld [tilespmem:$0x1180];
	_ =	sdelay $0x4  }
0xc8: {  	v6 =	vshll.u32 v5, $0x1  }
0xc9: {  	v5 =	vand.u32 $0x7, v5;
	v6 =	vand.u32 $0xFFFFFFF0, v6  }
0xca: {  	v5 =	vor.u32 v5, v6  }
0xcb: {  	v6 =	vperm.xlane v5, v2;
	_ =	sdelay $0x1  }
0xcc: {  	v5 =	vperm.xlane v5, v4;
	v6 =	vadd.s32 v3, v6;
	_ =	sdelay $0x1  }
0xcd: {  	v5 =	vadd.s32 v3, v5;
	_ =	sdelay $0x1  }
0xce: {  	s13 =	simm.s32 $0xD000  }
0xcf: {  	[tilespmem:s13], [sflag:$0x1] =	stream.indirect_vreg.gather [hbm4b:s4+s12], $0x80, v6, vm0, $0xb8;
	[tilespmem:$0x1C200] =	vst v63  }
0xd0: {  	s16 =	simm.s32 $0xD800  }
0xd1: {  	[tilespmem:s16], [sflag:$0x1] =	stream.indirect_vreg.gather [hbm4b:s4+s12], $0x80, v5, vm0, $0xb8;
	[tilespmem:$0x1C200] =	vst v63  }
0xd2: {  	v5 =	vld [tilespmem:$0x1190];
	_ =	sdelay $0x4  }
0xd3: {  	v6 =	vshll.u32 v5, $0x1  }
0xd4: {  	v5 =	vand.u32 $0x7, v5;
	v6 =	vand.u32 $0xFFFFFFF0, v6  }
0xd5: {  	v5 =	vor.u32 v5, v6  }
0xd6: {  	v6 =	vperm.xlane v5, v2;
	_ =	sdelay $0x1  }
0xd7: {  	v5 =	vperm.xlane v5, v4;
	v6 =	vadd.s32 v3, v6;
	_ =	sdelay $0x1  }
0xd8: {  	v5 =	vadd.s32 v3, v5;
	_ =	sdelay $0x1  }
0xd9: {  	s17 =	simm.s32 $0xE000  }
0xda: {  	[tilespmem:s17], [sflag:$0x1] =	stream.indirect_vreg.gather [hbm4b:s4+s12], $0x80, v6, vm0, $0xb8;
	[tilespmem:$0x1C200] =	vst v63  }
0xdb: {  	s31 =	simm.s32 $0x20;
	s0 =	simm.s32 $0x0;
	s30 =	simm.s32 $0xE800  }
0xdc: {  	[tilespmem:s30], [sflag:$0x1] =	stream.indirect_vreg.gather [hbm4b:s4+s12], $0x80, v5, vm0, $0xb8;
	[tilespmem:$0x1C200] =	vst v63  }
.LBB2_4:
0xdd: {  	s2 =	sshll.u32 s0, $0x6  }
0xde: {  	s13 =	sshll.u32 s0, $0x8;
	s1 =	sor.u32 $0x20, s2  }
0xdf: {  	s17 =	sand.u32 $0x1E00, s13;
	s16 =	sand.u32 $0x60, s1  }
0xe0: {  	s17 =	sor.u32 s16, s17  }
0xe1: {  	v5 =	vld [tilespmem:s17+$0x1000];
	_ =	sdelay $0x4  }
0xe2: {  	v6 =	vshll.u32 v5, $0x1  }
0xe3: {  	v5 =	vand.u32 $0x7, v5;
	v6 =	vand.u32 $0xFFFFFFF0, v6  }
0xe4: {  	v5 =	vor.u32 v5, v6  }
0xe5: {  	v6 =	vperm.xlane v5, v2;
	_ =	sdelay $0x1  }
0xe6: {  	v5 =	vperm.xlane v5, v4;
	v6 =	vadd.s32 v3, v6;
	_ =	sdelay $0x1  }
0xe7: {  	v5 =	vadd.s32 v3, v5;
	_ =	sdelay $0x1  }
0xe8: {  	s5 =	simm.s32 $0xF000  }
0xe9: {  	[tilespmem:s5], [sflag:$0x2] =	stream.indirect_vreg.gather [hbm4b:s4+s3], $0x80, v6, vm0, $0xb8;
	[tilespmem:$0x1C200] =	vst v63  }
0xea: {  	s5 =	simm.s32 $0xF800  }
0xeb: {  	[tilespmem:s5], [sflag:$0x2] =	stream.indirect_vreg.gather [hbm4b:s4+s3], $0x80, v5, vm0, $0xb8;
	[tilespmem:$0x1C200] =	vst v63  }
0xec: {  	v5 =	vld [tilespmem:s17+$0x1010];
	_ =	sdelay $0x4  }
0xed: {  	v6 =	vshll.u32 v5, $0x1  }
0xee: {  	v5 =	vand.u32 $0x7, v5;
	v6 =	vand.u32 $0xFFFFFFF0, v6  }
0xef: {  	v5 =	vor.u32 v5, v6  }
0xf0: {  	v6 =	vperm.xlane v5, v2;
	_ =	sdelay $0x1  }
0xf1: {  	v5 =	vperm.xlane v5, v4;
	v6 =	vadd.s32 v3, v6;
	_ =	sdelay $0x1  }
0xf2: {  	v5 =	vadd.s32 v3, v5;
	_ =	sdelay $0x1  }
0xf3: {  	s5 =	simm.s32 $0x10000  }
0xf4: {  	[tilespmem:s5], [sflag:$0x2] =	stream.indirect_vreg.gather [hbm4b:s4+s3], $0x80, v6, vm0, $0xb8;
	[tilespmem:$0x1C200] =	vst v63  }
0xf5: {  	s5 =	simm.s32 $0x10800  }
0xf6: {  	[tilespmem:s5], [sflag:$0x2] =	stream.indirect_vreg.gather [hbm4b:s4+s3], $0x80, v5, vm0, $0xb8;
	[tilespmem:$0x1C200] =	vst v63  }
0xf7: {  	v5 =	vld [tilespmem:s17+$0x1080];
	_ =	sdelay $0x4  }
0xf8: {  	v6 =	vshll.u32 v5, $0x1  }
0xf9: {  	v5 =	vand.u32 $0x7, v5;
	v6 =	vand.u32 $0xFFFFFFF0, v6  }
0xfa: {  	v5 =	vor.u32 v5, v6  }
0xfb: {  	v6 =	vperm.xlane v5, v2;
	_ =	sdelay $0x1  }
0xfc: {  	v5 =	vperm.xlane v5, v4;
	v6 =	vadd.s32 v3, v6;
	_ =	sdelay $0x1  }
0xfd: {  	v5 =	vadd.s32 v3, v5;
	_ =	sdelay $0x1  }
0xfe: {  	s5 =	simm.s32 $0x11000  }
0xff: {  	[tilespmem:s5], [sflag:$0x2] =	stream.indirect_vreg.gather [hbm4b:s4+s3], $0x80, v6, vm0, $0xb8;
	[tilespmem:$0x1C200] =	vst v63  }
0x100: {  	_ = 	snop  }
0x101: {  	[tilespmem:s8], [sflag:$0x2] =	stream.indirect_vreg.gather [hbm4b:s4+s3], $0x80, v5, vm0, $0xb8;
	[tilespmem:$0x1C200] =	vst v63  }
0x102: {  	v5 =	vld [tilespmem:s17+$0x1090];
	_ =	sdelay $0x4  }
0x103: {  	v6 =	vshll.u32 v5, $0x1  }
0x104: {  	v5 =	vand.u32 $0x7, v5;
	v6 =	vand.u32 $0xFFFFFFF0, v6  }
0x105: {  	v5 =	vor.u32 v5, v6  }
0x106: {  	v6 =	vperm.xlane v5, v2;
	_ =	sdelay $0x1  }
0x107: {  	v5 =	vperm.xlane v5, v4;
	v6 =	vadd.s32 v3, v6;
	_ =	sdelay $0x1  }
0x108: {  	v5 =	vadd.s32 v3, v5;
	_ =	sdelay $0x1  }
0x109: {  	s13 =	sor.u32 s13, s16  }
0x10a: {  	[tilespmem:s9], [sflag:$0x2] =	stream.indirect_vreg.gather [hbm4b:s4+s3], $0x80, v6, vm0, $0xb8;
	[tilespmem:$0x1C200] =	vst v63  }
0x10b: {  	s16 =	sor.u32 $0x100, s13  }
0x10c: {  	[tilespmem:s10], [sflag:$0x2] =	stream.indirect_vreg.gather [hbm4b:s4+s3], $0x80, v5, vm0, $0xb8;
	[tilespmem:$0x1C200] =	vst v63  }
0x10d: {  	v5 =	vld [tilespmem:s16+$0x1000];
	_ =	sdelay $0x4  }
0x10e: {  	v6 =	vshll.u32 v5, $0x1  }
0x10f: {  	v5 =	vand.u32 $0x7, v5;
	v6 =	vand.u32 $0xFFFFFFF0, v6  }
0x110: {  	v5 =	vor.u32 v5, v6  }
0x111: {  	v6 =	vperm.xlane v5, v2;
	_ =	sdelay $0x1  }
0x112: {  	v5 =	vperm.xlane v5, v4;
	v6 =	vadd.s32 v3, v6;
	_ =	sdelay $0x1  }
0x113: {  	v5 =	vadd.s32 v3, v5;
	_ =	sdelay $0x2  }
0x114: {  	[tilespmem:s11], [sflag:$0x2] =	stream.indirect_vreg.gather [hbm4b:s4+s3], $0x80, v6, vm0, $0xb8;
	[tilespmem:$0x1C200] =	vst v63  }
0x115: {  	_ = 	snop  }
0x116: {  	[tilespmem:s15], [sflag:$0x2] =	stream.indirect_vreg.gather [hbm4b:s4+s3], $0x80, v5, vm0, $0xb8;
	[tilespmem:$0x1C200] =	vst v63  }
0x117: {  	v5 =	vld [tilespmem:s16+$0x1010];
	_ =	sdelay $0x4  }
0x118: {  	v6 =	vshll.u32 v5, $0x1  }
0x119: {  	v5 =	vand.u32 $0x7, v5;
	v6 =	vand.u32 $0xFFFFFFF0, v6  }
0x11a: {  	v5 =	vor.u32 v5, v6  }
0x11b: {  	v6 =	vperm.xlane v5, v2;
	_ =	sdelay $0x1  }
0x11c: {  	v5 =	vperm.xlane v5, v4;
	v6 =	vadd.s32 v3, v6;
	_ =	sdelay $0x1  }
0x11d: {  	v5 =	vadd.s32 v3, v5;
	_ =	sdelay $0x2  }
0x11e: {  	[tilespmem:s18], [sflag:$0x2] =	stream.indirect_vreg.gather [hbm4b:s4+s3], $0x80, v6, vm0, $0xb8;
	[tilespmem:$0x1C200] =	vst v63  }
0x11f: {  	s13 =	sor.u32 $0x180, s13  }
0x120: {  	[tilespmem:s19], [sflag:$0x2] =	stream.indirect_vreg.gather [hbm4b:s4+s3], $0x80, v5, vm0, $0xb8;
	[tilespmem:$0x1C200] =	vst v63  }
0x121: {  	v5 =	vld [tilespmem:s13+$0x1000];
	_ =	sdelay $0x4  }
0x122: {  	v6 =	vshll.u32 v5, $0x1  }
0x123: {  	v5 =	vand.u32 $0x7, v5;
	v6 =	vand.u32 $0xFFFFFFF0, v6  }
0x124: {  	v5 =	vor.u32 v5, v6  }
0x125: {  	v6 =	vperm.xlane v5, v2;
	_ =	sdelay $0x1  }
0x126: {  	v5 =	vperm.xlane v5, v4;
	v6 =	vadd.s32 v3, v6;
	_ =	sdelay $0x1  }
0x127: {  	v5 =	vadd.s32 v3, v5;
	_ =	sdelay $0x2  }
0x128: {  	[tilespmem:s20], [sflag:$0x2] =	stream.indirect_vreg.gather [hbm4b:s4+s3], $0x80, v6, vm0, $0xb8;
	[tilespmem:$0x1C200] =	vst v63  }
0x129: {  	_ = 	snop  }
0x12a: {  	[tilespmem:s21], [sflag:$0x2] =	stream.indirect_vreg.gather [hbm4b:s4+s3], $0x80, v5, vm0, $0xb8;
	[tilespmem:$0x1C200] =	vst v63  }
0x12b: {  	v5 =	vld [tilespmem:s13+$0x1010];
	_ =	sdelay $0x4  }
0x12c: {  	v6 =	vshll.u32 v5, $0x1  }
0x12d: {  	v5 =	vand.u32 $0x7, v5;
	v6 =	vand.u32 $0xFFFFFFF0, v6  }
0x12e: {  	v5 =	vor.u32 v5, v6  }
0x12f: {  	v6 =	vperm.xlane v5, v2;
	_ =	sdelay $0x1  }
0x130: {  	v5 =	vperm.xlane v5, v4;
	v6 =	vadd.s32 v3, v6;
	_ =	sdelay $0x1  }
0x131: {  	v5 =	vadd.s32 v3, v5;
	_ =	sdelay $0x2  }
0x132: {  	[tilespmem:s22], [sflag:$0x2] =	stream.indirect_vreg.gather [hbm4b:s4+s3], $0x80, v6, vm0, $0xb8;
	[tilespmem:$0x1C200] =	vst v63  }
0x133: {  	_ = 	snop  }
0x134: {  	[tilespmem:s23], [sflag:$0x2] =	stream.indirect_vreg.gather [hbm4b:s4+s3], $0x80, v5, vm0, $0xb8;
	[tilespmem:$0x1C200] =	vst v63  }
0x135: {  	_ =	swait.ge [sflag:s24], $0x2000  }
0x136: {  	[sflag:s24] =	ssyncset.done $0x0  }
0x137: {  	[sflag:s24] =	ssyncadd.s32 $0xFFFFE000  }
0x138: {  	_ =	swait.ge [sflag:s24], $0x2000  }
0x139: {  	[sflag:s24] =	ssyncset.done $0x0  }
0x13a: {  	[sflag:s24] =	ssyncadd.s32 $0xFFFFE000  }
0x13b: {  	_ =	swait.ge [sflag:s24], $0x2000  }
0x13c: {  	[sflag:s24] =	ssyncset.done $0x0  }
0x13d: {  	[sflag:s24] =	ssyncadd.s32 $0xFFFFE000  }
0x13e: {  	_ =	swait.ge [sflag:s24], $0x2000  }
0x13f: {  	p0 =	seq.s32 s0, $0x0;
	[sflag:s24] =	ssyncset.done $0x0  }
0x140: {  	s13 =	simm.s32 @!p0 $0x3;
	[sflag:s24] =	ssyncadd.s32 $0xFFFFE000  }
0x141: {  	_ =	swait.ge @!p0 [sflag:s13], $0x2000  }
0x142: {  	s30 =	smov.u32 s12;
	[sflag:s13] =	ssyncset.done @!p0 $0x0  }
0x143: {  	s16 =	simm.s32 $0x0;
	[sflag:s13] =	ssyncadd.s32 @!p0 $0xFFFFE000;
	s13 =	simm.s32 $0x0  }
.LBB2_5:
0x144: {  	v5 =	vmov s30  }
0x145: {  	v6 =	vshll.u32 v5, $0x3  }
0x146: {  	v5 =	vand.u32 $0x5F, v5;
	v6 =	vand.u32 $0x3C00, v6  }
0x147: {  	v7 =	vor.u32 v5, v6  }
0x148: {  	s17 =	sand.u32 $0x1800, s16;
	s5 =	sand.u32 $0x380, s13;
	v6 =	vor.u32 $0x80, v7  }
0x149: {  	s17 =	sor.u32 s5, s17  }
0x14a: {  	v10 =	vld [tilespmem:s17+$0x7000];
	v8 =	vor.u32 $0x100, v7  }
0x14b: {  	v11 =	vld [tilespmem:s17+$0x9000]  }
0x14c: {  	v9 =	vor.u32 $0x180, v7;
	v5 =	vld.idx.msk [tilespmem:v7+s25+$0x0], $0xffff  }
0x14d: {  	v6 =	vld.idx.msk [tilespmem:v6+s25+$0x0], $0xffff  }
0x14e: {  	v12 =	vld [tilespmem:s17+$0xB000];
	v7 =	vor.u32 $0x200, v7  }
0x14f: {  	v8 =	vld.idx.msk [tilespmem:v8+s25+$0x0], $0xffff  }
0x150: {  	v13 =	vld [tilespmem:s17+$0xD000]  }
0x151: {  	v9 =	vld.idx.msk [tilespmem:v9+s25+$0x0], $0xffff  }
0x152: {  	v14 =	vld [tilespmem:$0x1C000];
	v10 =	vmul.f32 v10, v5;
	v11 =	vmul.f32 v11, v6  }
0x153: {  	v7 =	vld.idx.msk [tilespmem:v7+s25+$0x0], $0xffff  }
0x154: {  	v60 =	vmul.f32 v12, v8;
	v10 =	vadd.f32 v11, v10;
	_ =	sdelay $0x1  }
0x155: {  	v61 =	vmul.f32 v13, v9;
	v10 =	vadd.f32 v60, v10  }
0x156: {  	v62 =	vld [tilespmem:$0x1C100]  }
0x157: {  	v63 =	vmul.f32 v14, v7;
	v10 =	vadd.f32 v61, v10  }
0x158: {  	v16 =	vld [tilespmem:s17+$0x7010]  }
0x159: {  	v17 =	vld [tilespmem:s17+$0x9010];
	v10 =	vadd.f32 v63, v10;
	_ =	sdelay $0x1  }
0x15a: {  	v18 =	vld [tilespmem:s17+$0xB010];
	v10 =	vadd.f32 v10, v62;
	_ =	sdelay $0x1  }
0x15b: {  	v19 =	vld [tilespmem:s17+$0xD010];
	v10 =	vmax.f32 v10, $0.0e+00  }
0x15c: {  	v20 =	vmul.f32 v16, v5;
	v11 =	vmul.f32 v17, v6;
	[tilespmem:s17+$0x17000] =	vst v10  }
0x15d: {  	v21 =	vld [tilespmem:$0x1C010]  }
0x15e: {  	v22 =	vmul.f32 v18, v8;
	v10 =	vadd.f32 v11, v20;
	_ =	sdelay $0x1  }
0x15f: {  	v23 =	vmul.f32 v19, v9;
	v10 =	vadd.f32 v22, v10  }
0x160: {  	v24 =	vld [tilespmem:$0x1C110]  }
0x161: {  	v10 =	vadd.f32 v23, v10;
	v25 =	vmul.f32 v21, v7  }
0x162: {  	v26 =	vld [tilespmem:s17+$0x7020]  }
0x163: {  	v27 =	vld [tilespmem:s17+$0x9020];
	v10 =	vadd.f32 v25, v10;
	_ =	sdelay $0x1  }
0x164: {  	v28 =	vld [tilespmem:s17+$0xB020];
	v10 =	vadd.f32 v10, v24;
	_ =	sdelay $0x1  }
0x165: {  	v29 =	vld [tilespmem:s17+$0xD020];
	v10 =	vmax.f32 v10, $0.0e+00  }
0x166: {  	v30 =	vmul.f32 v26, v5;
	v11 =	vmul.f32 v27, v6;
	[tilespmem:s17+$0x17010] =	vst v10  }
0x167: {  	v31 =	vld [tilespmem:$0x1C020]  }
0x168: {  	v32 =	vmul.f32 v28, v8;
	v10 =	vadd.f32 v11, v30;
	_ =	sdelay $0x1  }
0x169: {  	v33 =	vmul.f32 v29, v9;
	v10 =	vadd.f32 v32, v10  }
0x16a: {  	v34 =	vld [tilespmem:$0x1C120]  }
0x16b: {  	v10 =	vadd.f32 v33, v10;
	v35 =	vmul.f32 v31, v7  }
0x16c: {  	v36 =	vld [tilespmem:s17+$0x7030]  }
0x16d: {  	v37 =	vld [tilespmem:s17+$0x9030];
	v10 =	vadd.f32 v35, v10;
	_ =	sdelay $0x1  }
0x16e: {  	v38 =	vld [tilespmem:s17+$0xB030];
	v10 =	vadd.f32 v10, v34;
	_ =	sdelay $0x1  }
0x16f: {  	v39 =	vld [tilespmem:s17+$0xD030];
	v10 =	vmax.f32 v10, $0.0e+00  }
0x170: {  	v40 =	vmul.f32 v36, v5;
	v11 =	vmul.f32 v37, v6;
	[tilespmem:s17+$0x17020] =	vst v10  }
0x171: {  	v41 =	vld [tilespmem:$0x1C030]  }
0x172: {  	v42 =	vmul.f32 v38, v8;
	v10 =	vadd.f32 v11, v40;
	_ =	sdelay $0x1  }
0x173: {  	v43 =	vmul.f32 v39, v9;
	v10 =	vadd.f32 v42, v10  }
0x174: {  	v44 =	vld [tilespmem:$0x1C130]  }
0x175: {  	v10 =	vadd.f32 v43, v10;
	v45 =	vmul.f32 v41, v7  }
0x176: {  	v46 =	vld [tilespmem:s17+$0x7040]  }
0x177: {  	v47 =	vld [tilespmem:s17+$0x9040];
	v10 =	vadd.f32 v45, v10;
	_ =	sdelay $0x1  }
0x178: {  	v48 =	vld [tilespmem:s17+$0xB040];
	v10 =	vadd.f32 v10, v44;
	_ =	sdelay $0x1  }
0x179: {  	v49 =	vld [tilespmem:s17+$0xD040];
	v10 =	vmax.f32 v10, $0.0e+00  }
0x17a: {  	v50 =	vmul.f32 v46, v5;
	v11 =	vmul.f32 v47, v6;
	[tilespmem:s17+$0x17030] =	vst v10  }
0x17b: {  	v51 =	vld [tilespmem:$0x1C040]  }
0x17c: {  	v52 =	vmul.f32 v48, v8;
	v10 =	vadd.f32 v11, v50;
	_ =	sdelay $0x1  }
0x17d: {  	v53 =	vmul.f32 v49, v9;
	v10 =	vadd.f32 v52, v10  }
0x17e: {  	v54 =	vld [tilespmem:$0x1C140]  }
0x17f: {  	v10 =	vadd.f32 v53, v10;
	v55 =	vmul.f32 v51, v7  }
0x180: {  	v56 =	vld [tilespmem:s17+$0x7050]  }
0x181: {  	v57 =	vld [tilespmem:s17+$0x9050];
	v10 =	vadd.f32 v55, v10;
	_ =	sdelay $0x1  }
0x182: {  	v58 =	vld [tilespmem:s17+$0xB050];
	v10 =	vadd.f32 v10, v54;
	_ =	sdelay $0x1  }
0x183: {  	v59 =	vld [tilespmem:s17+$0xD050];
	v10 =	vmax.f32 v10, $0.0e+00  }
0x184: {  	v60 =	vmul.f32 v56, v5;
	v11 =	vmul.f32 v57, v6;
	[tilespmem:s17+$0x17040] =	vst v10  }
0x185: {  	v61 =	vld [tilespmem:$0x1C050]  }
0x186: {  	v62 =	vmul.f32 v58, v8;
	v10 =	vadd.f32 v11, v60;
	_ =	sdelay $0x1  }
0x187: {  	v63 =	vmul.f32 v59, v9;
	v10 =	vadd.f32 v62, v10  }
0x188: {  	v16 =	vld [tilespmem:$0x1C150]  }
0x189: {  	v10 =	vadd.f32 v63, v10;
	v17 =	vmul.f32 v61, v7  }
0x18a: {  	v18 =	vld [tilespmem:s17+$0x7060]  }
0x18b: {  	v19 =	vld [tilespmem:s17+$0x9060];
	v10 =	vadd.f32 v17, v10;
	_ =	sdelay $0x1  }
0x18c: {  	v20 =	vld [tilespmem:s17+$0xB060];
	v10 =	vadd.f32 v10, v16;
	_ =	sdelay $0x1  }
0x18d: {  	v21 =	vld [tilespmem:s17+$0xD060];
	v10 =	vmax.f32 v10, $0.0e+00  }
0x18e: {  	v22 =	vmul.f32 v18, v5;
	v11 =	vmul.f32 v19, v6;
	[tilespmem:s17+$0x17050] =	vst v10  }
0x18f: {  	v23 =	vld [tilespmem:$0x1C060]  }
0x190: {  	v24 =	vmul.f32 v20, v8;
	v10 =	vadd.f32 v11, v22;
	_ =	sdelay $0x1  }
0x191: {  	v25 =	vmul.f32 v21, v9;
	v10 =	vadd.f32 v24, v10  }
0x192: {  	v26 =	vld [tilespmem:$0x1C160]  }
0x193: {  	v10 =	vadd.f32 v25, v10;
	v27 =	vmul.f32 v23, v7  }
0x194: {  	v28 =	vld [tilespmem:s17+$0x7070]  }
0x195: {  	v29 =	vld [tilespmem:s17+$0x9070];
	v10 =	vadd.f32 v27, v10;
	_ =	sdelay $0x1  }
0x196: {  	v30 =	vld [tilespmem:s17+$0xB070];
	v10 =	vadd.f32 v10, v26;
	_ =	sdelay $0x1  }
0x197: {  	v31 =	vld [tilespmem:s17+$0xD070];
	v10 =	vmax.f32 v10, $0.0e+00  }
0x198: {  	v32 =	vmul.f32 v28, v5;
	v11 =	vmul.f32 v29, v6;
	[tilespmem:s17+$0x17060] =	vst v10  }
0x199: {  	v33 =	vld [tilespmem:$0x1C070]  }
0x19a: {  	v34 =	vmul.f32 v30, v8;
	v10 =	vadd.f32 v11, v32;
	_ =	sdelay $0x1  }
0x19b: {  	v35 =	vmul.f32 v31, v9;
	v10 =	vadd.f32 v34, v10  }
0x19c: {  	v36 =	vld [tilespmem:$0x1C170]  }
0x19d: {  	v10 =	vadd.f32 v35, v10;
	v37 =	vmul.f32 v33, v7  }
0x19e: {  	v38 =	vld [tilespmem:s17+$0x7400]  }
0x19f: {  	v39 =	vld [tilespmem:s17+$0x9400];
	v10 =	vadd.f32 v37, v10;
	_ =	sdelay $0x1  }
0x1a0: {  	v40 =	vld [tilespmem:s17+$0xB400];
	v10 =	vadd.f32 v10, v36;
	_ =	sdelay $0x1  }
0x1a1: {  	v41 =	vld [tilespmem:s17+$0xD400];
	v10 =	vmax.f32 v10, $0.0e+00  }
0x1a2: {  	v42 =	vmul.f32 v38, v5;
	v11 =	vmul.f32 v39, v6;
	[tilespmem:s17+$0x17070] =	vst v10  }
0x1a3: {  	v43 =	vld [tilespmem:$0x1C080]  }
0x1a4: {  	v44 =	vmul.f32 v40, v8;
	v10 =	vadd.f32 v11, v42;
	_ =	sdelay $0x1  }
0x1a5: {  	v45 =	vmul.f32 v41, v9;
	v10 =	vadd.f32 v44, v10  }
0x1a6: {  	v46 =	vld [tilespmem:$0x1C180]  }
0x1a7: {  	v10 =	vadd.f32 v45, v10;
	v47 =	vmul.f32 v43, v7  }
0x1a8: {  	v48 =	vld [tilespmem:s17+$0x7410]  }
0x1a9: {  	v49 =	vld [tilespmem:s17+$0x9410];
	v10 =	vadd.f32 v47, v10;
	_ =	sdelay $0x1  }
0x1aa: {  	v50 =	vld [tilespmem:s17+$0xB410];
	v10 =	vadd.f32 v10, v46;
	_ =	sdelay $0x1  }
0x1ab: {  	v51 =	vld [tilespmem:s17+$0xD410];
	v10 =	vmax.f32 v10, $0.0e+00  }
0x1ac: {  	v52 =	vmul.f32 v48, v5;
	v11 =	vmul.f32 v49, v6;
	[tilespmem:s17+$0x17400] =	vst v10  }
0x1ad: {  	v53 =	vld [tilespmem:$0x1C090]  }
0x1ae: {  	v54 =	vmul.f32 v50, v8;
	v10 =	vadd.f32 v11, v52;
	_ =	sdelay $0x1  }
0x1af: {  	v55 =	vmul.f32 v51, v9;
	v10 =	vadd.f32 v54, v10  }
0x1b0: {  	v56 =	vld [tilespmem:$0x1C190]  }
0x1b1: {  	v10 =	vadd.f32 v55, v10;
	v57 =	vmul.f32 v53, v7  }
0x1b2: {  	v59 =	vld [tilespmem:s17+$0x9420]  }
0x1b3: {  	v58 =	vld [tilespmem:s17+$0x7420];
	v10 =	vadd.f32 v57, v10;
	_ =	sdelay $0x1  }
0x1b4: {  	v60 =	vld [tilespmem:s17+$0xB420];
	v10 =	vadd.f32 v10, v56;
	_ =	sdelay $0x1  }
0x1b5: {  	v61 =	vld [tilespmem:s17+$0xD420];
	v10 =	vmax.f32 v10, $0.0e+00  }
0x1b6: {  	v62 =	vmul.f32 v58, v5;
	v11 =	vmul.f32 v59, v6;
	[tilespmem:s17+$0x17410] =	vst v10  }
0x1b7: {  	v63 =	vld [tilespmem:$0x1C0A0]  }
0x1b8: {  	v15 =	vmul.f32 v60, v8;
	v10 =	vadd.f32 v11, v62;
	_ =	sdelay $0x1  }
0x1b9: {  	v16 =	vmul.f32 v61, v9;
	v10 =	vadd.f32 v15, v10  }
0x1ba: {  	v17 =	vld [tilespmem:$0x1C1A0]  }
0x1bb: {  	v10 =	vadd.f32 v16, v10;
	v18 =	vmul.f32 v63, v7  }
0x1bc: {  	v20 =	vld [tilespmem:s17+$0x9430]  }
0x1bd: {  	v19 =	vld [tilespmem:s17+$0x7430];
	v10 =	vadd.f32 v18, v10;
	_ =	sdelay $0x1  }
0x1be: {  	v21 =	vld [tilespmem:s17+$0xB430];
	v10 =	vadd.f32 v10, v17;
	_ =	sdelay $0x1  }
0x1bf: {  	v22 =	vld [tilespmem:s17+$0xD430];
	v10 =	vmax.f32 v10, $0.0e+00  }
0x1c0: {  	v23 =	vmul.f32 v19, v5;
	v11 =	vmul.f32 v20, v6;
	[tilespmem:s17+$0x17420] =	vst v10  }
0x1c1: {  	v24 =	vld [tilespmem:$0x1C0B0]  }
0x1c2: {  	v25 =	vmul.f32 v21, v8;
	v10 =	vadd.f32 v11, v23;
	_ =	sdelay $0x1  }
0x1c3: {  	v26 =	vmul.f32 v22, v9;
	v10 =	vadd.f32 v25, v10  }
0x1c4: {  	v27 =	vld [tilespmem:$0x1C1B0]  }
0x1c5: {  	v10 =	vadd.f32 v26, v10;
	v28 =	vmul.f32 v24, v7  }
0x1c6: {  	v30 =	vld [tilespmem:s17+$0x9440]  }
0x1c7: {  	v29 =	vld [tilespmem:s17+$0x7440];
	v10 =	vadd.f32 v28, v10;
	_ =	sdelay $0x1  }
0x1c8: {  	v31 =	vld [tilespmem:s17+$0xB440];
	v10 =	vadd.f32 v10, v27;
	_ =	sdelay $0x1  }
0x1c9: {  	v32 =	vld [tilespmem:s17+$0xD440];
	v10 =	vmax.f32 v10, $0.0e+00  }
0x1ca: {  	v33 =	vmul.f32 v29, v5;
	v11 =	vmul.f32 v30, v6;
	[tilespmem:s17+$0x17430] =	vst v10  }
0x1cb: {  	v34 =	vld [tilespmem:$0x1C0C0]  }
0x1cc: {  	v35 =	vmul.f32 v31, v8;
	v10 =	vadd.f32 v11, v33;
	_ =	sdelay $0x1  }
0x1cd: {  	v36 =	vmul.f32 v32, v9;
	v10 =	vadd.f32 v35, v10  }
0x1ce: {  	v37 =	vld [tilespmem:$0x1C1C0]  }
0x1cf: {  	v10 =	vadd.f32 v36, v10;
	v38 =	vmul.f32 v34, v7  }
0x1d0: {  	v40 =	vld [tilespmem:s17+$0x9450]  }
0x1d1: {  	v39 =	vld [tilespmem:s17+$0x7450];
	v10 =	vadd.f32 v38, v10;
	_ =	sdelay $0x1  }
0x1d2: {  	v41 =	vld [tilespmem:s17+$0xB450];
	v10 =	vadd.f32 v10, v37;
	_ =	sdelay $0x1  }
0x1d3: {  	v42 =	vld [tilespmem:s17+$0xD450];
	v10 =	vmax.f32 v10, $0.0e+00  }
0x1d4: {  	v43 =	vmul.f32 v39, v5;
	v11 =	vmul.f32 v40, v6;
	[tilespmem:s17+$0x17440] =	vst v10  }
0x1d5: {  	v44 =	vld [tilespmem:$0x1C0D0]  }
0x1d6: {  	v45 =	vmul.f32 v41, v8;
	v10 =	vadd.f32 v11, v43;
	_ =	sdelay $0x1  }
0x1d7: {  	v46 =	vmul.f32 v42, v9;
	v10 =	vadd.f32 v45, v10  }
0x1d8: {  	v47 =	vld [tilespmem:$0x1C1D0]  }
0x1d9: {  	v10 =	vadd.f32 v46, v10;
	v48 =	vmul.f32 v44, v7  }
0x1da: {  	v50 =	vld [tilespmem:s17+$0x9460]  }
0x1db: {  	v49 =	vld [tilespmem:s17+$0x7460];
	v10 =	vadd.f32 v48, v10;
	_ =	sdelay $0x1  }
0x1dc: {  	v51 =	vld [tilespmem:s17+$0xB460];
	v10 =	vadd.f32 v10, v47;
	_ =	sdelay $0x1  }
0x1dd: {  	v52 =	vld [tilespmem:s17+$0xD460];
	v10 =	vmax.f32 v10, $0.0e+00  }
0x1de: {  	v53 =	vmul.f32 v49, v5;
	v11 =	vmul.f32 v50, v6;
	[tilespmem:s17+$0x17450] =	vst v10  }
0x1df: {  	v54 =	vld [tilespmem:$0x1C0E0]  }
0x1e0: {  	v55 =	vmul.f32 v51, v8;
	v10 =	vadd.f32 v11, v53;
	_ =	sdelay $0x1  }
0x1e1: {  	v56 =	vmul.f32 v52, v9;
	v10 =	vadd.f32 v55, v10  }
0x1e2: {  	v57 =	vld [tilespmem:$0x1C1E0]  }
0x1e3: {  	v10 =	vadd.f32 v56, v10;
	v58 =	vmul.f32 v54, v7  }
0x1e4: {  	v60 =	vld [tilespmem:s17+$0x9470]  }
0x1e5: {  	v59 =	vld [tilespmem:s17+$0x7470];
	v10 =	vadd.f32 v58, v10;
	_ =	sdelay $0x1  }
0x1e6: {  	v61 =	vld [tilespmem:s17+$0xB470];
	v10 =	vadd.f32 v10, v57;
	_ =	sdelay $0x1  }
0x1e7: {  	v62 =	vld [tilespmem:s17+$0xD470];
	v10 =	vmax.f32 v10, $0.0e+00  }
0x1e8: {  	v5 =	vmul.f32 v59, v5;
	v6 =	vmul.f32 v60, v6;
	[tilespmem:s17+$0x17460] =	vst v10  }
0x1e9: {  	v10 =	vld [tilespmem:$0x1C0F0]  }
0x1ea: {  	v5 =	vadd.f32 v6, v5;
	v6 =	vmul.f32 v61, v8;
	_ =	sdelay $0x1  }
0x1eb: {  	v5 =	vadd.f32 v6, v5;
	v6 =	vmul.f32 v62, v9  }
0x1ec: {  	v63 =	vld [tilespmem:$0x1C1F0]  }
0x1ed: {  	v5 =	vadd.f32 v6, v5;
	v6 =	vmul.f32 v10, v7;
	_ =	sdelay $0x1  }
0x1ee: {  	p1 =	sne.s32 s16, $0x1F00;
	v5 =	vadd.f32 v6, v5  }
.Ltmp1:
0x1ef: {  	_ = 	snop;
	(pc) =	sbr.rel @p1 .LBB2_5-.Ltmp1, $3  }
0x1f0: {  	v5 =	vadd.f32 v5, v63;
	_ =	sdelay $0x1  }
0x1f1: {  	v5 =	vmax.f32 v5, $0.0e+00  }
0x1f2: {  	s13 =	sadd.s32 $0x80, s13;
	s30 =	sadd.s32 $0x1, s30;
	s16 =	sadd.s32 $0x100, s16;
	[tilespmem:s17+$0x17470] =	vst v5  }
0x1f3: {  	p1 =	seq.s32 s0, $0x1F  }
.Ltmp2:
0x1f4: {  	_ = 	snop;
	(pc) =	sbr.rel @p1 .LBB2_8-.Ltmp2, $4  }
0x1f5: {  	s5 =	sadd.s32 s7, s2  }
0x1f6: {  	s5 =	sshll.u32 s5, $0x5  }
0x1f7: {  	s5 =	sadd.s32 s6, s5  }
0x1f8: {  	[hbm4b:s5+s3] =	stream.linear.scatter [tilespmem:s26], [sflag:$0x3], $0x2000, $0x38;
	[tilespmem:$0x1C200] =	vst v63  }
0x1f9: {  	s2 =	sadd.s32 $0x40, s2  }
0x1fa: {  	s5 =	sshll.u32 s2, $0x2  }
0x1fb: {  	s2 =	sand.u32 $0x40, s2;
	s13 =	sand.u32 $0x3E00, s5  }
0x1fc: {  	s13 =	sor.u32 s2, s13  }
0x1fd: {  	v5 =	vld [tilespmem:s13+$0x1000];
	_ =	sdelay $0x4  }
0x1fe: {  	v6 =	vshll.u32 v5, $0x1  }
0x1ff: {  	v5 =	vand.u32 $0x7, v5;
	v6 =	vand.u32 $0xFFFFFFF0, v6  }
0x200: {  	v5 =	vor.u32 v5, v6  }
0x201: {  	v6 =	vperm.xlane v5, v2;
	_ =	sdelay $0x1  }
0x202: {  	v5 =	vperm.xlane v5, v4;
	v6 =	vadd.s32 v3, v6;
	_ =	sdelay $0x1  }
0x203: {  	v5 =	vadd.s32 v3, v5;
	_ =	sdelay $0x1  }
0x204: {  	s16 =	simm.s32 $0x7000  }
0x205: {  	[tilespmem:s16], [sflag:$0x1] =	stream.indirect_vreg.gather [hbm4b:s4+s3], $0x80, v6, vm0, $0xb8;
	[tilespmem:$0x1C200] =	vst v63  }
0x206: {  	s30 =	simm.s32 $0x7800  }
0x207: {  	[tilespmem:s30], [sflag:$0x1] =	stream.indirect_vreg.gather [hbm4b:s4+s3], $0x80, v5, vm0, $0xb8;
	[tilespmem:$0x1C200] =	vst v63  }
0x208: {  	v5 =	vld [tilespmem:s13+$0x1010];
	_ =	sdelay $0x4  }
0x209: {  	v6 =	vshll.u32 v5, $0x1  }
0x20a: {  	v5 =	vand.u32 $0x7, v5;
	v6 =	vand.u32 $0xFFFFFFF0, v6  }
0x20b: {  	v5 =	vor.u32 v5, v6  }
0x20c: {  	v6 =	vperm.xlane v5, v2;
	_ =	sdelay $0x1  }
0x20d: {  	v5 =	vperm.xlane v5, v4;
	v6 =	vadd.s32 v3, v6;
	_ =	sdelay $0x1  }
0x20e: {  	v5 =	vadd.s32 v3, v5;
	_ =	sdelay $0x1  }
0x20f: {  	s17 =	simm.s32 $0x8000  }
0x210: {  	[tilespmem:s17], [sflag:$0x1] =	stream.indirect_vreg.gather [hbm4b:s4+s3], $0x80, v6, vm0, $0xb8;
	[tilespmem:$0x1C200] =	vst v63  }
0x211: {  	s30 =	simm.s32 $0x8800  }
0x212: {  	[tilespmem:s30], [sflag:$0x1] =	stream.indirect_vreg.gather [hbm4b:s4+s3], $0x80, v5, vm0, $0xb8;
	[tilespmem:$0x1C200] =	vst v63  }
0x213: {  	v5 =	vld [tilespmem:s13+$0x1080];
	_ =	sdelay $0x4  }
0x214: {  	v6 =	vshll.u32 v5, $0x1  }
0x215: {  	v5 =	vand.u32 $0x7, v5;
	v6 =	vand.u32 $0xFFFFFFF0, v6  }
0x216: {  	v5 =	vor.u32 v5, v6  }
0x217: {  	v6 =	vperm.xlane v5, v2;
	_ =	sdelay $0x1  }
0x218: {  	v5 =	vperm.xlane v5, v4;
	v6 =	vadd.s32 v3, v6;
	_ =	sdelay $0x1  }
0x219: {  	v5 =	vadd.s32 v3, v5;
	_ =	sdelay $0x1  }
0x21a: {  	s17 =	simm.s32 $0x9000  }
0x21b: {  	[tilespmem:s17], [sflag:$0x1] =	stream.indirect_vreg.gather [hbm4b:s4+s3], $0x80, v6, vm0, $0xb8;
	[tilespmem:$0x1C200] =	vst v63  }
0x21c: {  	s30 =	simm.s32 $0x9800  }
0x21d: {  	[tilespmem:s30], [sflag:$0x1] =	stream.indirect_vreg.gather [hbm4b:s4+s3], $0x80, v5, vm0, $0xb8;
	[tilespmem:$0x1C200] =	vst v63  }
0x21e: {  	v5 =	vld [tilespmem:s13+$0x1090];
	_ =	sdelay $0x4  }
0x21f: {  	v6 =	vshll.u32 v5, $0x1  }
0x220: {  	v5 =	vand.u32 $0x7, v5;
	v6 =	vand.u32 $0xFFFFFFF0, v6  }
0x221: {  	v5 =	vor.u32 v5, v6  }
0x222: {  	v6 =	vperm.xlane v5, v2;
	_ =	sdelay $0x1  }
0x223: {  	v5 =	vperm.xlane v5, v4;
	v6 =	vadd.s32 v3, v6;
	_ =	sdelay $0x1  }
0x224: {  	v5 =	vadd.s32 v3, v5;
	_ =	sdelay $0x1  }
0x225: {  	s2 =	sor.u32 s2, s5;
	s16 =	simm.s32 $0xA000  }
0x226: {  	[tilespmem:s16], [sflag:$0x1] =	stream.indirect_vreg.gather [hbm4b:s4+s3], $0x80, v6, vm0, $0xb8;
	[tilespmem:$0x1C200] =	vst v63  }
0x227: {  	s5 =	sor.u32 $0x100, s2;
	s17 =	simm.s32 $0xA800  }
0x228: {  	[tilespmem:s17], [sflag:$0x1] =	stream.indirect_vreg.gather [hbm4b:s4+s3], $0x80, v5, vm0, $0xb8;
	[tilespmem:$0x1C200] =	vst v63  }
0x229: {  	v5 =	vld [tilespmem:s5+$0x1000];
	_ =	sdelay $0x4  }
0x22a: {  	v6 =	vshll.u32 v5, $0x1  }
0x22b: {  	v5 =	vand.u32 $0x7, v5;
	v6 =	vand.u32 $0xFFFFFFF0, v6  }
0x22c: {  	v5 =	vor.u32 v5, v6  }
0x22d: {  	v6 =	vperm.xlane v5, v2;
	_ =	sdelay $0x1  }
0x22e: {  	v5 =	vperm.xlane v5, v4;
	v6 =	vadd.s32 v3, v6;
	_ =	sdelay $0x1  }
0x22f: {  	v5 =	vadd.s32 v3, v5;
	_ =	sdelay $0x1  }
0x230: {  	s30 =	simm.s32 $0xB000  }
0x231: {  	[tilespmem:s30], [sflag:$0x1] =	stream.indirect_vreg.gather [hbm4b:s4+s3], $0x80, v6, vm0, $0xb8;
	[tilespmem:$0x1C200] =	vst v63  }
0x232: {  	s16 =	simm.s32 $0xB800  }
0x233: {  	[tilespmem:s16], [sflag:$0x1] =	stream.indirect_vreg.gather [hbm4b:s4+s3], $0x80, v5, vm0, $0xb8;
	[tilespmem:$0x1C200] =	vst v63  }
0x234: {  	v5 =	vld [tilespmem:s5+$0x1010];
	_ =	sdelay $0x4  }
0x235: {  	v6 =	vshll.u32 v5, $0x1  }
0x236: {  	v5 =	vand.u32 $0x7, v5;
	v6 =	vand.u32 $0xFFFFFFF0, v6  }
0x237: {  	v5 =	vor.u32 v5, v6  }
0x238: {  	v6 =	vperm.xlane v5, v2;
	_ =	sdelay $0x1  }
0x239: {  	v5 =	vperm.xlane v5, v4;
	v6 =	vadd.s32 v3, v6;
	_ =	sdelay $0x1  }
0x23a: {  	v5 =	vadd.s32 v3, v5;
	_ =	sdelay $0x1  }
0x23b: {  	s17 =	simm.s32 $0xC000  }
0x23c: {  	[tilespmem:s17], [sflag:$0x1] =	stream.indirect_vreg.gather [hbm4b:s4+s3], $0x80, v6, vm0, $0xb8;
	[tilespmem:$0x1C200] =	vst v63  }
0x23d: {  	s2 =	sor.u32 $0x180, s2;
	s30 =	simm.s32 $0xC800  }
0x23e: {  	[tilespmem:s30], [sflag:$0x1] =	stream.indirect_vreg.gather [hbm4b:s4+s3], $0x80, v5, vm0, $0xb8;
	[tilespmem:$0x1C200] =	vst v63  }
0x23f: {  	v5 =	vld [tilespmem:s2+$0x1000];
	_ =	sdelay $0x4  }
0x240: {  	v6 =	vshll.u32 v5, $0x1  }
0x241: {  	v5 =	vand.u32 $0x7, v5;
	v6 =	vand.u32 $0xFFFFFFF0, v6  }
0x242: {  	v5 =	vor.u32 v5, v6  }
0x243: {  	v6 =	vperm.xlane v5, v2;
	_ =	sdelay $0x1  }
0x244: {  	v5 =	vperm.xlane v5, v4;
	v6 =	vadd.s32 v3, v6;
	_ =	sdelay $0x1  }
0x245: {  	v5 =	vadd.s32 v3, v5;
	_ =	sdelay $0x1  }
0x246: {  	s13 =	simm.s32 $0xD000  }
0x247: {  	[tilespmem:s13], [sflag:$0x1] =	stream.indirect_vreg.gather [hbm4b:s4+s3], $0x80, v6, vm0, $0xb8;
	[tilespmem:$0x1C200] =	vst v63  }
0x248: {  	s16 =	simm.s32 $0xD800  }
0x249: {  	[tilespmem:s16], [sflag:$0x1] =	stream.indirect_vreg.gather [hbm4b:s4+s3], $0x80, v5, vm0, $0xb8;
	[tilespmem:$0x1C200] =	vst v63  }
0x24a: {  	v5 =	vld [tilespmem:s2+$0x1010];
	_ =	sdelay $0x4  }
0x24b: {  	v6 =	vshll.u32 v5, $0x1  }
0x24c: {  	v5 =	vand.u32 $0x7, v5;
	v6 =	vand.u32 $0xFFFFFFF0, v6  }
0x24d: {  	v5 =	vor.u32 v5, v6  }
0x24e: {  	v6 =	vperm.xlane v5, v2;
	_ =	sdelay $0x1  }
0x24f: {  	v5 =	vperm.xlane v5, v4;
	v6 =	vadd.s32 v3, v6;
	_ =	sdelay $0x1  }
0x250: {  	v5 =	vadd.s32 v3, v5;
	_ =	sdelay $0x1  }
0x251: {  	s17 =	simm.s32 $0xE000  }
0x252: {  	[tilespmem:s17], [sflag:$0x1] =	stream.indirect_vreg.gather [hbm4b:s4+s3], $0x80, v6, vm0, $0xb8;
	[tilespmem:$0x1C200] =	vst v63  }
0x253: {  	s30 =	simm.s32 $0xE800  }
0x254: {  	[tilespmem:s30], [sflag:$0x1] =	stream.indirect_vreg.gather [hbm4b:s4+s3], $0x80, v5, vm0, $0xb8;
	[tilespmem:$0x1C200] =	vst v63  }
.LBB2_8:
0x255: {  	_ =	swait.ge [sflag:s28], $0x2000  }
0x256: {  	[sflag:s28] =	ssyncset.done $0x0  }
0x257: {  	[sflag:s28] =	ssyncadd.s32 $0xFFFFE000  }
0x258: {  	_ =	swait.ge [sflag:s28], $0x2000  }
0x259: {  	[sflag:s28] =	ssyncset.done $0x0  }
0x25a: {  	[sflag:s28] =	ssyncadd.s32 $0xFFFFE000  }
0x25b: {  	_ =	swait.ge [sflag:s28], $0x2000  }
0x25c: {  	[sflag:s28] =	ssyncset.done $0x0  }
0x25d: {  	[sflag:s28] =	ssyncadd.s32 $0xFFFFE000  }
0x25e: {  	_ =	swait.ge [sflag:s28], $0x2000  }
0x25f: {  	[sflag:s28] =	ssyncset.done $0x0  }
0x260: {  	s2 =	simm.s32 @!p0 $0x4;
	[sflag:s28] =	ssyncadd.s32 $0xFFFFE000  }
0x261: {  	_ =	swait.ge @!p0 [sflag:s2], $0x2000  }
0x262: {  	s13 =	smov.u32 s31;
	[sflag:s2] =	ssyncset.done @!p0 $0x0  }
0x263: {  	s16 =	simm.s32 $0x0;
	[sflag:s2] =	ssyncadd.s32 @!p0 $0xFFFFE000;
	s2 =	simm.s32 $0x0  }
.LBB2_9:
0x264: {  	v5 =	vmov s13  }
0x265: {  	v6 =	vshll.u32 v5, $0x3  }
0x266: {  	v5 =	vand.u32 $0x7F, v5;
	v6 =	vand.u32 $0x7FFFFC00, v6  }
0x267: {  	v7 =	vor.u32 v5, v6  }
0x268: {  	s5 =	sand.u32 $0x1800, s16;
	s17 =	sand.u32 $0x380, s2;
	v6 =	vor.u32 $0x80, v7  }
0x269: {  	s17 =	sor.u32 s17, s5  }
0x26a: {  	v10 =	vld [tilespmem:s17+$0xF000];
	v8 =	vor.u32 $0x100, v7  }
0x26b: {  	v11 =	vld [tilespmem:s17+$0x11000]  }
0x26c: {  	v9 =	vor.u32 $0x180, v7;
	v5 =	vld.idx.msk [tilespmem:v7+s25+$0x0], $0xffff  }
0x26d: {  	v6 =	vld.idx.msk [tilespmem:v6+s25+$0x0], $0xffff  }
0x26e: {  	v12 =	vld [tilespmem:s17+$0x13000];
	v7 =	vor.u32 $0x200, v7  }
0x26f: {  	v8 =	vld.idx.msk [tilespmem:v8+s25+$0x0], $0xffff  }
0x270: {  	v13 =	vld [tilespmem:s17+$0x15000]  }
0x271: {  	v9 =	vld.idx.msk [tilespmem:v9+s25+$0x0], $0xffff  }
0x272: {  	v14 =	vld [tilespmem:$0x1C000];
	v10 =	vmul.f32 v10, v5;
	v11 =	vmul.f32 v11, v6  }
0x273: {  	v7 =	vld.idx.msk [tilespmem:v7+s25+$0x0], $0xffff  }
0x274: {  	v60 =	vmul.f32 v12, v8;
	v10 =	vadd.f32 v11, v10;
	_ =	sdelay $0x1  }
0x275: {  	v61 =	vmul.f32 v13, v9;
	v10 =	vadd.f32 v60, v10  }
0x276: {  	v62 =	vld [tilespmem:$0x1C100]  }
0x277: {  	v63 =	vmul.f32 v14, v7;
	v10 =	vadd.f32 v61, v10  }
0x278: {  	v16 =	vld [tilespmem:s17+$0xF010]  }
0x279: {  	v17 =	vld [tilespmem:s17+$0x11010];
	v10 =	vadd.f32 v63, v10;
	_ =	sdelay $0x1  }
0x27a: {  	v18 =	vld [tilespmem:s17+$0x13010];
	v10 =	vadd.f32 v10, v62;
	_ =	sdelay $0x1  }
0x27b: {  	v19 =	vld [tilespmem:s17+$0x15010];
	v10 =	vmax.f32 v10, $0.0e+00  }
0x27c: {  	v20 =	vmul.f32 v16, v5;
	v11 =	vmul.f32 v17, v6;
	[tilespmem:s17+$0x19000] =	vst v10  }
0x27d: {  	v21 =	vld [tilespmem:$0x1C010]  }
0x27e: {  	v22 =	vmul.f32 v18, v8;
	v10 =	vadd.f32 v11, v20;
	_ =	sdelay $0x1  }
0x27f: {  	v23 =	vmul.f32 v19, v9;
	v10 =	vadd.f32 v22, v10  }
0x280: {  	v24 =	vld [tilespmem:$0x1C110]  }
0x281: {  	v10 =	vadd.f32 v23, v10;
	v25 =	vmul.f32 v21, v7  }
0x282: {  	v26 =	vld [tilespmem:s17+$0xF020]  }
0x283: {  	v27 =	vld [tilespmem:s17+$0x11020];
	v10 =	vadd.f32 v25, v10;
	_ =	sdelay $0x1  }
0x284: {  	v28 =	vld [tilespmem:s17+$0x13020];
	v10 =	vadd.f32 v10, v24;
	_ =	sdelay $0x1  }
0x285: {  	v29 =	vld [tilespmem:s17+$0x15020];
	v10 =	vmax.f32 v10, $0.0e+00  }
0x286: {  	v30 =	vmul.f32 v26, v5;
	v11 =	vmul.f32 v27, v6;
	[tilespmem:s17+$0x19010] =	vst v10  }
0x287: {  	v31 =	vld [tilespmem:$0x1C020]  }
0x288: {  	v32 =	vmul.f32 v28, v8;
	v10 =	vadd.f32 v11, v30;
	_ =	sdelay $0x1  }
0x289: {  	v33 =	vmul.f32 v29, v9;
	v10 =	vadd.f32 v32, v10  }
0x28a: {  	v34 =	vld [tilespmem:$0x1C120]  }
0x28b: {  	v10 =	vadd.f32 v33, v10;
	v35 =	vmul.f32 v31, v7  }
0x28c: {  	v36 =	vld [tilespmem:s17+$0xF030]  }
0x28d: {  	v37 =	vld [tilespmem:s17+$0x11030];
	v10 =	vadd.f32 v35, v10;
	_ =	sdelay $0x1  }
0x28e: {  	v38 =	vld [tilespmem:s17+$0x13030];
	v10 =	vadd.f32 v10, v34;
	_ =	sdelay $0x1  }
0x28f: {  	v39 =	vld [tilespmem:s17+$0x15030];
	v10 =	vmax.f32 v10, $0.0e+00  }
0x290: {  	v40 =	vmul.f32 v36, v5;
	v11 =	vmul.f32 v37, v6;
	[tilespmem:s17+$0x19020] =	vst v10  }
0x291: {  	v41 =	vld [tilespmem:$0x1C030]  }
0x292: {  	v42 =	vmul.f32 v38, v8;
	v10 =	vadd.f32 v11, v40;
	_ =	sdelay $0x1  }
0x293: {  	v43 =	vmul.f32 v39, v9;
	v10 =	vadd.f32 v42, v10  }
0x294: {  	v44 =	vld [tilespmem:$0x1C130]  }
0x295: {  	v10 =	vadd.f32 v43, v10;
	v45 =	vmul.f32 v41, v7  }
0x296: {  	v46 =	vld [tilespmem:s17+$0xF040]  }
0x297: {  	v47 =	vld [tilespmem:s17+$0x11040];
	v10 =	vadd.f32 v45, v10;
	_ =	sdelay $0x1  }
0x298: {  	v48 =	vld [tilespmem:s17+$0x13040];
	v10 =	vadd.f32 v10, v44;
	_ =	sdelay $0x1  }
0x299: {  	v49 =	vld [tilespmem:s17+$0x15040];
	v10 =	vmax.f32 v10, $0.0e+00  }
0x29a: {  	v50 =	vmul.f32 v46, v5;
	v11 =	vmul.f32 v47, v6;
	[tilespmem:s17+$0x19030] =	vst v10  }
0x29b: {  	v51 =	vld [tilespmem:$0x1C040]  }
0x29c: {  	v52 =	vmul.f32 v48, v8;
	v10 =	vadd.f32 v11, v50;
	_ =	sdelay $0x1  }
0x29d: {  	v53 =	vmul.f32 v49, v9;
	v10 =	vadd.f32 v52, v10  }
0x29e: {  	v54 =	vld [tilespmem:$0x1C140]  }
0x29f: {  	v10 =	vadd.f32 v53, v10;
	v55 =	vmul.f32 v51, v7  }
0x2a0: {  	v56 =	vld [tilespmem:s17+$0xF050]  }
0x2a1: {  	v57 =	vld [tilespmem:s17+$0x11050];
	v10 =	vadd.f32 v55, v10;
	_ =	sdelay $0x1  }
0x2a2: {  	v58 =	vld [tilespmem:s17+$0x13050];
	v10 =	vadd.f32 v10, v54;
	_ =	sdelay $0x1  }
0x2a3: {  	v59 =	vld [tilespmem:s17+$0x15050];
	v10 =	vmax.f32 v10, $0.0e+00  }
0x2a4: {  	v60 =	vmul.f32 v56, v5;
	v11 =	vmul.f32 v57, v6;
	[tilespmem:s17+$0x19040] =	vst v10  }
0x2a5: {  	v61 =	vld [tilespmem:$0x1C050]  }
0x2a6: {  	v62 =	vmul.f32 v58, v8;
	v10 =	vadd.f32 v11, v60;
	_ =	sdelay $0x1  }
0x2a7: {  	v63 =	vmul.f32 v59, v9;
	v10 =	vadd.f32 v62, v10  }
0x2a8: {  	v16 =	vld [tilespmem:$0x1C150]  }
0x2a9: {  	v10 =	vadd.f32 v63, v10;
	v17 =	vmul.f32 v61, v7  }
0x2aa: {  	v18 =	vld [tilespmem:s17+$0xF060]  }
0x2ab: {  	v19 =	vld [tilespmem:s17+$0x11060];
	v10 =	vadd.f32 v17, v10;
	_ =	sdelay $0x1  }
0x2ac: {  	v20 =	vld [tilespmem:s17+$0x13060];
	v10 =	vadd.f32 v10, v16;
	_ =	sdelay $0x1  }
0x2ad: {  	v21 =	vld [tilespmem:s17+$0x15060];
	v10 =	vmax.f32 v10, $0.0e+00  }
0x2ae: {  	v22 =	vmul.f32 v18, v5;
	v11 =	vmul.f32 v19, v6;
	[tilespmem:s17+$0x19050] =	vst v10  }
0x2af: {  	v23 =	vld [tilespmem:$0x1C060]  }
0x2b0: {  	v24 =	vmul.f32 v20, v8;
	v10 =	vadd.f32 v11, v22;
	_ =	sdelay $0x1  }
0x2b1: {  	v25 =	vmul.f32 v21, v9;
	v10 =	vadd.f32 v24, v10  }
0x2b2: {  	v26 =	vld [tilespmem:$0x1C160]  }
0x2b3: {  	v10 =	vadd.f32 v25, v10;
	v27 =	vmul.f32 v23, v7  }
0x2b4: {  	v28 =	vld [tilespmem:s17+$0xF070]  }
0x2b5: {  	v29 =	vld [tilespmem:s17+$0x11070];
	v10 =	vadd.f32 v27, v10;
	_ =	sdelay $0x1  }
0x2b6: {  	v30 =	vld [tilespmem:s17+$0x13070];
	v10 =	vadd.f32 v10, v26;
	_ =	sdelay $0x1  }
0x2b7: {  	v31 =	vld [tilespmem:s17+$0x15070];
	v10 =	vmax.f32 v10, $0.0e+00  }
0x2b8: {  	v32 =	vmul.f32 v28, v5;
	v11 =	vmul.f32 v29, v6;
	[tilespmem:s17+$0x19060] =	vst v10  }
0x2b9: {  	v33 =	vld [tilespmem:$0x1C070]  }
0x2ba: {  	v34 =	vmul.f32 v30, v8;
	v10 =	vadd.f32 v11, v32;
	_ =	sdelay $0x1  }
0x2bb: {  	v35 =	vmul.f32 v31, v9;
	v10 =	vadd.f32 v34, v10  }
0x2bc: {  	v36 =	vld [tilespmem:$0x1C170]  }
0x2bd: {  	v10 =	vadd.f32 v35, v10;
	v37 =	vmul.f32 v33, v7  }
0x2be: {  	v38 =	vld [tilespmem:s17+$0xF400]  }
0x2bf: {  	v39 =	vld [tilespmem:s17+$0x11400];
	v10 =	vadd.f32 v37, v10;
	_ =	sdelay $0x1  }
0x2c0: {  	v40 =	vld [tilespmem:s17+$0x13400];
	v10 =	vadd.f32 v10, v36;
	_ =	sdelay $0x1  }
0x2c1: {  	v41 =	vld [tilespmem:s17+$0x15400];
	v10 =	vmax.f32 v10, $0.0e+00  }
0x2c2: {  	v42 =	vmul.f32 v38, v5;
	v11 =	vmul.f32 v39, v6;
	[tilespmem:s17+$0x19070] =	vst v10  }
0x2c3: {  	v43 =	vld [tilespmem:$0x1C080]  }
0x2c4: {  	v44 =	vmul.f32 v40, v8;
	v10 =	vadd.f32 v11, v42;
	_ =	sdelay $0x1  }
0x2c5: {  	v45 =	vmul.f32 v41, v9;
	v10 =	vadd.f32 v44, v10  }
0x2c6: {  	v46 =	vld [tilespmem:$0x1C180]  }
0x2c7: {  	v10 =	vadd.f32 v45, v10;
	v47 =	vmul.f32 v43, v7  }
0x2c8: {  	v48 =	vld [tilespmem:s17+$0xF410]  }
0x2c9: {  	v49 =	vld [tilespmem:s17+$0x11410];
	v10 =	vadd.f32 v47, v10;
	_ =	sdelay $0x1  }
0x2ca: {  	v50 =	vld [tilespmem:s17+$0x13410];
	v10 =	vadd.f32 v10, v46;
	_ =	sdelay $0x1  }
0x2cb: {  	v51 =	vld [tilespmem:s17+$0x15410];
	v10 =	vmax.f32 v10, $0.0e+00  }
0x2cc: {  	v52 =	vmul.f32 v48, v5;
	v11 =	vmul.f32 v49, v6;
	[tilespmem:s17+$0x19400] =	vst v10  }
0x2cd: {  	v53 =	vld [tilespmem:$0x1C090]  }
0x2ce: {  	v54 =	vmul.f32 v50, v8;
	v10 =	vadd.f32 v11, v52;
	_ =	sdelay $0x1  }
0x2cf: {  	v55 =	vmul.f32 v51, v9;
	v10 =	vadd.f32 v54, v10  }
0x2d0: {  	v56 =	vld [tilespmem:$0x1C190]  }
0x2d1: {  	v10 =	vadd.f32 v55, v10;
	v57 =	vmul.f32 v53, v7  }
0x2d2: {  	v59 =	vld [tilespmem:s17+$0x11420]  }
0x2d3: {  	v58 =	vld [tilespmem:s17+$0xF420];
	v10 =	vadd.f32 v57, v10;
	_ =	sdelay $0x1  }
0x2d4: {  	v60 =	vld [tilespmem:s17+$0x13420];
	v10 =	vadd.f32 v10, v56;
	_ =	sdelay $0x1  }
0x2d5: {  	v61 =	vld [tilespmem:s17+$0x15420];
	v10 =	vmax.f32 v10, $0.0e+00  }
0x2d6: {  	v62 =	vmul.f32 v58, v5;
	v11 =	vmul.f32 v59, v6;
	[tilespmem:s17+$0x19410] =	vst v10  }
0x2d7: {  	v63 =	vld [tilespmem:$0x1C0A0]  }
0x2d8: {  	v15 =	vmul.f32 v60, v8;
	v10 =	vadd.f32 v11, v62;
	_ =	sdelay $0x1  }
0x2d9: {  	v16 =	vmul.f32 v61, v9;
	v10 =	vadd.f32 v15, v10  }
0x2da: {  	v17 =	vld [tilespmem:$0x1C1A0]  }
0x2db: {  	v10 =	vadd.f32 v16, v10;
	v18 =	vmul.f32 v63, v7  }
0x2dc: {  	v20 =	vld [tilespmem:s17+$0x11430]  }
0x2dd: {  	v19 =	vld [tilespmem:s17+$0xF430];
	v10 =	vadd.f32 v18, v10;
	_ =	sdelay $0x1  }
0x2de: {  	v21 =	vld [tilespmem:s17+$0x13430];
	v10 =	vadd.f32 v10, v17;
	_ =	sdelay $0x1  }
0x2df: {  	v22 =	vld [tilespmem:s17+$0x15430];
	v10 =	vmax.f32 v10, $0.0e+00  }
0x2e0: {  	v23 =	vmul.f32 v19, v5;
	v11 =	vmul.f32 v20, v6;
	[tilespmem:s17+$0x19420] =	vst v10  }
0x2e1: {  	v24 =	vld [tilespmem:$0x1C0B0]  }
0x2e2: {  	v25 =	vmul.f32 v21, v8;
	v10 =	vadd.f32 v11, v23;
	_ =	sdelay $0x1  }
0x2e3: {  	v26 =	vmul.f32 v22, v9;
	v10 =	vadd.f32 v25, v10  }
0x2e4: {  	v27 =	vld [tilespmem:$0x1C1B0]  }
0x2e5: {  	v10 =	vadd.f32 v26, v10;
	v28 =	vmul.f32 v24, v7  }
0x2e6: {  	v30 =	vld [tilespmem:s17+$0x11440]  }
0x2e7: {  	v29 =	vld [tilespmem:s17+$0xF440];
	v10 =	vadd.f32 v28, v10;
	_ =	sdelay $0x1  }
0x2e8: {  	v31 =	vld [tilespmem:s17+$0x13440];
	v10 =	vadd.f32 v10, v27;
	_ =	sdelay $0x1  }
0x2e9: {  	v32 =	vld [tilespmem:s17+$0x15440];
	v10 =	vmax.f32 v10, $0.0e+00  }
0x2ea: {  	v33 =	vmul.f32 v29, v5;
	v11 =	vmul.f32 v30, v6;
	[tilespmem:s17+$0x19430] =	vst v10  }
0x2eb: {  	v34 =	vld [tilespmem:$0x1C0C0]  }
0x2ec: {  	v35 =	vmul.f32 v31, v8;
	v10 =	vadd.f32 v11, v33;
	_ =	sdelay $0x1  }
0x2ed: {  	v36 =	vmul.f32 v32, v9;
	v10 =	vadd.f32 v35, v10  }
0x2ee: {  	v37 =	vld [tilespmem:$0x1C1C0]  }
0x2ef: {  	v10 =	vadd.f32 v36, v10;
	v38 =	vmul.f32 v34, v7  }
0x2f0: {  	v40 =	vld [tilespmem:s17+$0x11450]  }
0x2f1: {  	v39 =	vld [tilespmem:s17+$0xF450];
	v10 =	vadd.f32 v38, v10;
	_ =	sdelay $0x1  }
0x2f2: {  	v41 =	vld [tilespmem:s17+$0x13450];
	v10 =	vadd.f32 v10, v37;
	_ =	sdelay $0x1  }
0x2f3: {  	v42 =	vld [tilespmem:s17+$0x15450];
	v10 =	vmax.f32 v10, $0.0e+00  }
0x2f4: {  	v43 =	vmul.f32 v39, v5;
	v11 =	vmul.f32 v40, v6;
	[tilespmem:s17+$0x19440] =	vst v10  }
0x2f5: {  	v44 =	vld [tilespmem:$0x1C0D0]  }
0x2f6: {  	v45 =	vmul.f32 v41, v8;
	v10 =	vadd.f32 v11, v43;
	_ =	sdelay $0x1  }
0x2f7: {  	v46 =	vmul.f32 v42, v9;
	v10 =	vadd.f32 v45, v10  }
0x2f8: {  	v47 =	vld [tilespmem:$0x1C1D0]  }
0x2f9: {  	v10 =	vadd.f32 v46, v10;
	v48 =	vmul.f32 v44, v7  }
0x2fa: {  	v50 =	vld [tilespmem:s17+$0x11460]  }
0x2fb: {  	v49 =	vld [tilespmem:s17+$0xF460];
	v10 =	vadd.f32 v48, v10;
	_ =	sdelay $0x1  }
0x2fc: {  	v51 =	vld [tilespmem:s17+$0x13460];
	v10 =	vadd.f32 v10, v47;
	_ =	sdelay $0x1  }
0x2fd: {  	v52 =	vld [tilespmem:s17+$0x15460];
	v10 =	vmax.f32 v10, $0.0e+00  }
0x2fe: {  	v53 =	vmul.f32 v49, v5;
	v11 =	vmul.f32 v50, v6;
	[tilespmem:s17+$0x19450] =	vst v10  }
0x2ff: {  	v54 =	vld [tilespmem:$0x1C0E0]  }
0x300: {  	v55 =	vmul.f32 v51, v8;
	v10 =	vadd.f32 v11, v53;
	_ =	sdelay $0x1  }
0x301: {  	v56 =	vmul.f32 v52, v9;
	v10 =	vadd.f32 v55, v10  }
0x302: {  	v57 =	vld [tilespmem:$0x1C1E0]  }
0x303: {  	v10 =	vadd.f32 v56, v10;
	v58 =	vmul.f32 v54, v7  }
0x304: {  	v60 =	vld [tilespmem:s17+$0x11470]  }
0x305: {  	v59 =	vld [tilespmem:s17+$0xF470];
	v10 =	vadd.f32 v58, v10;
	_ =	sdelay $0x1  }
0x306: {  	v61 =	vld [tilespmem:s17+$0x13470];
	v10 =	vadd.f32 v10, v57;
	_ =	sdelay $0x1  }
0x307: {  	v62 =	vld [tilespmem:s17+$0x15470];
	v10 =	vmax.f32 v10, $0.0e+00  }
0x308: {  	v5 =	vmul.f32 v59, v5;
	v6 =	vmul.f32 v60, v6;
	[tilespmem:s17+$0x19460] =	vst v10  }
0x309: {  	v10 =	vld [tilespmem:$0x1C0F0]  }
0x30a: {  	v5 =	vadd.f32 v6, v5;
	v6 =	vmul.f32 v61, v8;
	_ =	sdelay $0x1  }
0x30b: {  	v5 =	vadd.f32 v6, v5;
	v6 =	vmul.f32 v62, v9  }
0x30c: {  	v63 =	vld [tilespmem:$0x1C1F0]  }
0x30d: {  	v5 =	vadd.f32 v6, v5;
	v6 =	vmul.f32 v10, v7;
	_ =	sdelay $0x1  }
0x30e: {  	p0 =	sne.s32 s16, $0x1F00;
	v5 =	vadd.f32 v6, v5  }
.Ltmp3:
0x30f: {  	_ = 	snop;
	(pc) =	sbr.rel @p0 .LBB2_9-.Ltmp3, $3  }
0x310: {  	v5 =	vadd.f32 v5, v63;
	_ =	sdelay $0x1  }
0x311: {  	v5 =	vmax.f32 v5, $0.0e+00  }
0x312: {  	s2 =	sadd.s32 $0x80, s2;
	s13 =	sadd.s32 $0x1, s13;
	s16 =	sadd.s32 $0x100, s16;
	[tilespmem:s17+$0x19470] =	vst v5  }
0x313: {  	s0 =	sadd.s32 $0x1, s0  }
0x314: {  	p0 =	sne.s32 s0, $0x20  }
.Ltmp4:
0x315: {  	_ = 	snop;
	(pc) =	sbr.rel @p0 .LBB2_4-.Ltmp4, $4  }
0x316: {  	s1 =	sadd.s32 s7, s1  }
0x317: {  	s1 =	sshll.u32 s1, $0x5  }
0x318: {  	s12 =	sadd.s32 $0x40, s12;
	s31 =	sadd.s32 $0x40, s31;
	s1 =	sadd.s32 s6, s1  }
0x319: {  	[hbm4b:s1+s3] =	stream.linear.scatter [tilespmem:s29], [sflag:$0x4], $0x2000, $0x38;
	[tilespmem:$0x1C200] =	vst v63  }
0x31a: {  	s0 =	simm.s32 $0x3  }
0x31b: {  	_ =	swait.ge [sflag:s0], $0x2000  }
0x31c: {  	[sflag:s0] =	ssyncset.done $0x0  }
0x31d: {  	s1 =	simm.s32 $0x4;
	[sflag:s0] =	ssyncadd.s32 $0xFFFFE000  }
0x31e: {  	_ =	swait.ge [sflag:s1], $0x2000  }
0x31f: {  	s2 =	rddreg [dreg:$0x9]  }
0x320: {  	s31 =	rddreg [dreg:$0x8];
	s2 =	sadd.s32 $0x1, s2  }
0x321: {  	p0 =	sne.s32 s2, s31  }
.Ltmp5:
0x322: {  	_ = 	snop;
	(pc) =	sbr.rel @p0 .LBB2_1-.Ltmp5, $3  }
0x323: {  	_ =	sdelay $0x1  }
0x324: {  	[sflag:s1] =	ssyncset.done $0x0  }
0x325: {  	[sflag:s1] =	ssyncadd.s32 $0xFFFFE000  }
0x326: {  	_ =	sfence.sel $0x180000  }
0x327: {  	[bflag:$0x0] =	sbarrier.arrive $0xFFFF  }
0x328: {  	_ =	strace $0x90000047  }
0x329: {  	s0 =	stileid.u32;
	[bflag:$0x2] =	sbarrier.arrive $0xFFFF  }
0x32a: {  	p0 =	sne.s32 s0, $0x0;
	s0 =	rddreg [dreg:$0x3]  }
0x32b: {  	s0 =	sadd.s32 @!p0 $0x100000, s0  }
0x32c: {  	[sflag:s0] =	ssyncadd.tile.s32 @!p0 $0x1;
	_ =	shalt  }
.Lfunc_end2:
_tile_overlayer_lowered:
.L_overlay_start_2:
0x32d: {  	(tag) =	ssettag $0x2  }
0x32e: {  	s0 =	rddreg [dreg:$0x0];
	s2 =	stileid.u32  }
0x32f: {  	s1 =	rddreg [dreg:$0x1];
	p0 =	sne.s32 s2, $0x0  }
0x330: {  	s3 =	rddreg [dreg:$0x2];
	[bflag:$0x3] =	sbarrier.arrive $0xFFFF;
	s2 =	simm.s32 @!p0 $0x1C05  }
0x331: {  	[timem:s3], [sflag:s2] =	dma.local @!p0 [hbm:s0], s1  }
0x332: {  	s0 =	simm.s32 @!p0 $0x5  }
0x333: {  	_ =	swait.ge @!p0 [sflag:s0], s1  }
0x334: {  	s1 =	ssub.s32 @!p0 $0x0, s1;
	[sflag:s0] =	ssyncset.done @!p0 $0x0  }
0x335: {  	[sflag:s0] =	ssyncadd.s32 @!p0 s1  }
0x336: {  	[bflag:$0x3] =	sbarrier.arrive $0xFFFF  }
0x337: {  	_ =	shalt  }

</sc_bundles>
